<compile_context>
chip_gen: v7x
topology: tpu7x:2x2x1
jax: 0.10.2.dev20260603
libtpu: 0.0.44.dev20260713+nightly
codegen_flags: <defaults>
</compile_context>

<pallas_src>
import functools

import jax
import jax.numpy as jnp
from jax import lax
from jax.experimental import pallas as pl
from jax.experimental.pallas import tpu as pltpu
from jax.experimental.pallas import tpu_sc as plsc

B = 9216
D = 256
NKEYS = 1024
BLK = 512

STRIPES = (2048, 4096, 3072)
OFFSETS = (0, 2048, 6144)

NC, NS = 2, 16
NW = NC * NS


def _argmin_body(f_ref, k_ref, fn_ref, kn_ref, out_ref):
    f = f_ref[...]
    kw = k_ref[...]
    mm = lax.dot_general(f, kw, (((1,), (1,)), ((), ())),
                         preferred_element_type=jnp.float32)
    d = (fn_ref[...] + kn_ref[...]) - 2.0 * mm
    dmin = jnp.min(d, axis=1, keepdims=True)
    ii = lax.broadcasted_iota(jnp.int32, d.shape, 1)
    out_ref[...] = jnp.min(jnp.where(d == dmin, ii, NKEYS), axis=1)


def _argmin_tc(flat, key_weights, fnorm, knorm, stripe):
    nblk = STRIPES[stripe] // BLK
    blk_off = OFFSETS[stripe] // BLK
    idx = pl.pallas_call(
        _argmin_body,
        grid=(nblk,),
        in_specs=[
            pl.BlockSpec((BLK, D), lambda i: (i + blk_off, 0)),
            pl.BlockSpec((NKEYS, D), lambda i: (0, 0)),
            pl.BlockSpec((BLK, 1), lambda i: (i + blk_off, 0)),
            pl.BlockSpec((1, NKEYS), lambda i: (0, 0)),
        ],
        out_specs=pl.BlockSpec((BLK,), lambda i: (i,)),
        out_shape=jax.ShapeDtypeStruct((STRIPES[stripe],), jnp.int32),
    )(flat, key_weights, fnorm, knorm)
    return idx


@functools.cache
def _make_gather_add_sc(stripe):
    b_s = STRIPES[stripe]
    chunk = b_s // NW

    @functools.partial(
        pl.kernel,
        mesh=plsc.VectorSubcoreMesh(core_axis_name="c", subcore_axis_name="s"),
        scratch_types=[
            pltpu.VMEM((chunk,), jnp.int32),
            pltpu.VMEM((chunk, D), jnp.float32),
            pltpu.VMEM((chunk, D), jnp.float32),
            pltpu.SemaphoreType.DMA,
            pltpu.SemaphoreType.DMA,
        ],
    )
    def _gather_add_sc(flat_hbm, idx_hbm, val_hbm, out_hbm, idx_v, rows_v,
                       flat_v, gsem, fsem):
        wid = lax.axis_index("s") * NC + lax.axis_index("c")
        base = wid * chunk
        fcopy = pltpu.async_copy(
            flat_hbm.at[pl.ds(OFFSETS[stripe] + base, chunk)], flat_v, fsem)
        pltpu.sync_copy(idx_hbm.at[pl.ds(base, chunk)], idx_v)
        gather = pltpu.async_copy(val_hbm.at[idx_v], rows_v, gsem)
        fcopy.wait()
        gather.wait()

        @plsc.parallel_loop(0, chunk, 1, unroll=4)
        def _add(r):
            for j in range(D // 16):
                sl = pl.ds(j * 16, 16)
                rows_v[r, sl] = rows_v[r, sl] + flat_v[r, sl]

        pltpu.sync_copy(
            rows_v, out_hbm.at[pl.ds(OFFSETS[stripe] + base, chunk)])

    return _gather_add_sc


def kernel(inputs, key_weights, value_weights):
    size = inputs.shape
    flat = inputs.reshape(-1, D)
    fnorm = jnp.sum(flat ** 2, axis=-1, keepdims=True)
    knorm = jnp.sum(key_weights ** 2, axis=-1)[None, :]
    out_ref = jax.new_ref(lax.empty((B, D), jnp.float32))
    for r in range(len(STRIPES)):
        idx = _argmin_tc(flat, key_weights, fnorm, knorm, r)
        _make_gather_add_sc(r)(flat, idx, value_weights, out_ref)
    return out_ref[...].reshape(size)

# --- scband reference (transcript-rebuilt; emitter-appended) ---
"""Pipeline reference for scband-vector-quantized-memory-30142080483337 (READ-ONLY COPY).

The authoritative reference and input builder live on the scoring server;
editing this copy changes nothing except your own understanding.
"""

import jax, jax.numpy as jnp
import numpy as np


def setup_inputs(seed: int = 0) -> dict:
    key = jax.random.key(seed)
    k1, k2, k3 = jax.random.split(key, 3)
    inputs = jax.random.normal(k1, (16, 576, 256), dtype=jnp.float32)
    key_weights = jax.random.normal(k2, (1024, 256), dtype=jnp.float32)
    value_weights = jax.random.normal(k3, (1024, 256), dtype=jnp.float32)
    return {"inputs": inputs, "key_weights": key_weights, "value_weights": value_weights}


def reference(inputs, key_weights, value_weights):
    # eval-mode forward of VectorQuantizedMemory (no EMA update)
    size = inputs.shape
    n_embed = size[-1]
    flat = inputs.reshape(-1, n_embed)
    # squared euclidean distances to key codebook
    dists = (
        jnp.sum(flat ** 2, axis=-1, keepdims=True)
        + jnp.sum(key_weights ** 2, axis=-1)[None, :]
        - 2.0 * jnp.matmul(flat, key_weights.T)
    )
    indices = jnp.argmin(dists, axis=-1)
    quantized_embs = jnp.take(value_weights, indices, axis=0)
    quantized = flat + quantized_embs
    return quantized.reshape(size)

if __name__ == "__main__":
    import jax
    _d = setup_inputs()
    print(jax.jit(kernel)(*tuple(_d.values())))

</pallas_src>

<mosaic_0001>
#map = affine_map<(d0, d1) -> (0, 0)>
#map1 = affine_map<(d0, d1) -> (0)>
module attributes {stable_mosaic.version = 14 : i64} {
  func.func @new_body(%arg0: i32, %arg1: i32, %arg2: memref<9216x256xf32, #tpu.memory_space<hbm>>, %arg3: memref<4096xi32, #tpu.memory_space<hbm>>, %arg4: memref<1024x256xf32, #tpu.memory_space<hbm>>, %arg5: memref<9216x256xf32, #tpu.memory_space<hbm>>, %arg6: memref<9216x256xf32, #tpu.memory_space<hbm>>, %arg7: memref<128xi32, #tpu.memory_space<vmem>>, %arg8: memref<128x256xf32, #tpu.memory_space<vmem>>, %arg9: memref<128x256xf32, #tpu.memory_space<vmem>>, %arg10: memref<!tpu.dma_semaphore, #tpu.memory_space<semaphore_mem>>, %arg11: memref<!tpu.dma_semaphore, #tpu.memory_space<semaphore_mem>>) attributes {dimension_semantics = [#tpu.dimension_semantics<core_parallel>, #tpu.dimension_semantics<subcore_parallel>], iteration_bounds = array<i64: 2, 16>, scalar_prefetch = 0 : i64, scratch_operands = 5 : i64, tpu.core_type = #tpu.core_type<sc_vector_subcore>, window_params = [{transform_indices = #map}, {transform_indices = #map1}, {transform_indices = #map}, {transform_indices = #map}, {transform_indices = #map}]} {
    %mul3A = arith.constant 2 : i32
    %mul3A_0 = arith.muli %arg1, %mul3A : i32
    %add3A = arith.addi %mul3A_0, %arg0 : i32
    %mul3A_1 = arith.constant 128 : i32
    %mul3A_2 = arith.muli %add3A, %mul3A_1 : i32
    %add3A_3 = arith.constant 2048 : i32
    %add3A_4 = arith.addi %add3A_3, %mul3A_2 : i32
    %dma_start3A = arith.constant 0 : i32
    %dma_start3A_5 = tpu.memref_slice %arg2[%add3A_4, %dma_start3A] : memref<9216x256xf32, #tpu.memory_space<hbm>> -> memref<128x256xf32, #tpu.memory_space<hbm>>
    %dma_start3A_6 = arith.constant 0 : i32
    %dma_start3A_7 = tpu.memref_slice %arg2[%add3A_4, %dma_start3A_6] : memref<9216x256xf32, #tpu.memory_space<hbm>> -> memref<128x256xf32, #tpu.memory_space<hbm>>
    tpu.enqueue_dma source(%dma_start3A_7 : memref<128x256xf32, #tpu.memory_space<hbm>>) target(%arg9 : memref<128x256xf32, #tpu.memory_space<vmem>>) target_semaphore(%arg11 : memref<!tpu.dma_semaphore, #tpu.memory_space<semaphore_mem>>)
    "tpu.region"() ({
      %run_scoped3A = tpu.sem_alloc : memref<!tpu.dma_semaphore, #tpu.memory_space<semaphore_mem>>
      %dma_start3A_21 = tpu.memref_slice %arg3[%mul3A_2] : memref<4096xi32, #tpu.memory_space<hbm>> -> memref<128xi32, #tpu.memory_space<hbm>>
      %dma_start3A_22 = tpu.memref_slice %arg3[%mul3A_2] : memref<4096xi32, #tpu.memory_space<hbm>> -> memref<128xi32, #tpu.memory_space<hbm>>
      tpu.enqueue_dma source(%dma_start3A_22 : memref<128xi32, #tpu.memory_space<hbm>>) target(%arg7 : memref<128xi32, #tpu.memory_space<vmem>>) target_semaphore(%run_scoped3A : memref<!tpu.dma_semaphore, #tpu.memory_space<semaphore_mem>>)
      %dma_wait3A_23 = tpu.memref_slice %arg3[%mul3A_2] : memref<4096xi32, #tpu.memory_space<hbm>> -> memref<128xi32, #tpu.memory_space<hbm>>
      %dma_wait3A_24 = tpu.memref_slice %arg3[%mul3A_2] : memref<4096xi32, #tpu.memory_space<hbm>> -> memref<128xi32, #tpu.memory_space<hbm>>
      tpu.wait_dma2 semaphore(%run_scoped3A : memref<!tpu.dma_semaphore, #tpu.memory_space<semaphore_mem>>) src(%dma_wait3A_24 : memref<128xi32, #tpu.memory_space<hbm>>) dst(%arg7 : memref<128xi32, #tpu.memory_space<vmem>>)
      tpu.yield
    }) : () -> ()
    %dma_start3A_8 = arith.constant 0 : i32
    %dma_start3A_9 = arith.constant 0 : i32
    %dma_start3A_10 = tpu.memref_slice %arg4[%dma_start3A_8, %dma_start3A_9] : memref<1024x256xf32, #tpu.memory_space<hbm>> -> memref<1024x256xf32, #tpu.memory_space<hbm>>
    tpu.enqueue_indirect_dma source(%dma_start3A_10 : memref<1024x256xf32, #tpu.memory_space<hbm>>) target(%arg8 : memref<128x256xf32, #tpu.memory_space<vmem>>) offsets(%arg7 : memref<128xi32, #tpu.memory_space<vmem>>) semaphore(%arg10 : memref<!tpu.dma_semaphore, #tpu.memory_space<semaphore_mem>>)
    %dma_wait3A = arith.constant 0 : i32
    %dma_wait3A_11 = tpu.memref_slice %arg2[%add3A_4, %dma_wait3A] : memref<9216x256xf32, #tpu.memory_space<hbm>> -> memref<128x256xf32, #tpu.memory_space<hbm>>
    %dma_wait3A_12 = arith.constant 0 : i32
    %dma_wait3A_13 = tpu.memref_slice %arg2[%add3A_4, %dma_wait3A_12] : memref<9216x256xf32, #tpu.memory_space<hbm>> -> memref<128x256xf32, #tpu.memory_space<hbm>>
    tpu.wait_dma2 semaphore(%arg11 : memref<!tpu.dma_semaphore, #tpu.memory_space<semaphore_mem>>) src(%dma_wait3A_13 : memref<128x256xf32, #tpu.memory_space<hbm>>) dst(%arg9 : memref<128x256xf32, #tpu.memory_space<vmem>>)
    %dma_wait3A_14 = arith.constant 0 : i32
    %dma_wait3A_15 = arith.constant 0 : i32
    %dma_wait3A_16 = tpu.memref_slice %arg4[%dma_wait3A_14, %dma_wait3A_15] : memref<1024x256xf32, #tpu.memory_space<hbm>> -> memref<1024x256xf32, #tpu.memory_space<hbm>>
    tpu.wait_indirect_dma semaphore(%arg10 : memref<!tpu.dma_semaphore, #tpu.memory_space<semaphore_mem>>) src(%dma_wait3A_16 : memref<1024x256xf32, #tpu.memory_space<hbm>>) dst(%arg8 : memref<128x256xf32, #tpu.memory_space<vmem>>)
    %parallel_loop3A = arith.constant 0 : i32
    %parallel_loop3A_17 = arith.constant 128 : i32
    %parallel_loop3A_18 = arith.constant 1 : i32
    scf.for %parallel_loop3A_21 = %parallel_loop3A to %parallel_loop3A_17 step %parallel_loop3A_18  : i32 {
      %parallel_loop3A_22 = arith.index_cast %parallel_loop3A_21 : i32 to index
      %parallel_loop3A_23 = arith.constant 0 : index
      %parallel_loop3A_24 = tpu.vector_load %arg8[%parallel_loop3A_22, %parallel_loop3A_23] {strides = array<i32>} : memref<128x256xf32, #tpu.memory_space<vmem>>, vector<1x16xf32>,
      %parallel_loop3A_25 = vector.shape_cast %parallel_loop3A_24 : vector<1x16xf32> to vector<16xf32>
      %parallel_loop3A_26 = arith.index_cast %parallel_loop3A_21 : i32 to index
      %parallel_loop3A_27 = arith.constant 0 : index
      %parallel_loop3A_28 = tpu.vector_load %arg9[%parallel_loop3A_26, %parallel_loop3A_27] {strides = array<i32>} : memref<128x256xf32, #tpu.memory_space<vmem>>, vector<1x16xf32>,
      %parallel_loop3A_29 = vector.shape_cast %parallel_loop3A_28 : vector<1x16xf32> to vector<16xf32>
      %parallel_loop3A_30 = arith.addf %parallel_loop3A_25, %parallel_loop3A_29 : vector<16xf32>
      %parallel_loop3A_31 = arith.index_cast %parallel_loop3A_21 : i32 to index
      %parallel_loop3A_32 = arith.constant 0 : index
      %parallel_loop3A_33 = tpu.vector_load %arg8[%parallel_loop3A_31, %parallel_loop3A_32] {strides = array<i32>} : memref<128x256xf32, #tpu.memory_space<vmem>>, vector<1x16xf32>,
      %parallel_loop3A_34 = vector.shape_cast %parallel_loop3A_33 : vector<1x16xf32> to vector<16xf32>
      %parallel_loop3A_35 = vector.shape_cast %parallel_loop3A_30 : vector<16xf32> to vector<1x16xf32>
      tpu.vector_store %arg8[%parallel_loop3A_31, %parallel_loop3A_32], %parallel_loop3A_35 {strides = array<i32>} : memref<128x256xf32, #tpu.memory_space<vmem>>, vector<1x16xf32>,
      %parallel_loop3A_36 = arith.index_cast %parallel_loop3A_21 : i32 to index
      %parallel_loop3A_37 = arith.constant 16 : index
      %parallel_loop3A_38 = tpu.vector_load %arg8[%parallel_loop3A_36, %parallel_loop3A_37] {strides = array<i32>} : memref<128x256xf32, #tpu.memory_space<vmem>>, vector<1x16xf32>,
      %parallel_loop3A_39 = vector.shape_cast %parallel_loop3A_38 : vector<1x16xf32> to vector<16xf32>
      %parallel_loop3A_40 = arith.index_cast %parallel_loop3A_21 : i32 to index
      %parallel_loop3A_41 = arith.constant 16 : index
      %parallel_loop3A_42 = tpu.vector_load %arg9[%parallel_loop3A_40, %parallel_loop3A_41] {strides = array<i32>} : memref<128x256xf32, #tpu.memory_space<vmem>>, vector<1x16xf32>,
      %parallel_loop3A_43 = vector.shape_cast %parallel_loop3A_42 : vector<1x16xf32> to vector<16xf32>
      %parallel_loop3A_44 = arith.addf %parallel_loop3A_39, %parallel_loop3A_43 : vector<16xf32>
      %parallel_loop3A_45 = arith.index_cast %parallel_loop3A_21 : i32 to index
      %parallel_loop3A_46 = arith.constant 16 : index
      %parallel_loop3A_47 = tpu.vector_load %arg8[%parallel_loop3A_45, %parallel_loop3A_46] {strides = array<i32>} : memref<128x256xf32, #tpu.memory_space<vmem>>, vector<1x16xf32>,
      %parallel_loop3A_48 = vector.shape_cast %parallel_loop3A_47 : vector<1x16xf32> to vector<16xf32>
      %parallel_loop3A_49 = vector.shape_cast %parallel_loop3A_44 : vector<16xf32> to vector<1x16xf32>
      tpu.vector_store %arg8[%parallel_loop3A_45, %parallel_loop3A_46], %parallel_loop3A_49 {strides = array<i32>} : memref<128x256xf32, #tpu.memory_space<vmem>>, vector<1x16xf32>,
      %parallel_loop3A_50 = arith.index_cast %parallel_loop3A_21 : i32 to index
      %parallel_loop3A_51 = arith.constant 32 : index
      %parallel_loop3A_52 = tpu.vector_load %arg8[%parallel_loop3A_50, %parallel_loop3A_51] {strides = array<i32>} : memref<128x256xf32, #tpu.memory_space<vmem>>, vector<1x16xf32>,
      %parallel_loop3A_53 = vector.shape_cast %parallel_loop3A_52 : vector<1x16xf32> to vector<16xf32>
      %parallel_loop3A_54 = arith.index_cast %parallel_loop3A_21 : i32 to index
      %parallel_loop3A_55 = arith.constant 32 : index
      %parallel_loop3A_56 = tpu.vector_load %arg9[%parallel_loop3A_54, %parallel_loop3A_55] {strides = array<i32>} : memref<128x256xf32, #tpu.memory_space<vmem>>, vector<1x16xf32>,
      %parallel_loop3A_57 = vector.shape_cast %parallel_loop3A_56 : vector<1x16xf32> to vector<16xf32>
      %parallel_loop3A_58 = arith.addf %parallel_loop3A_53, %parallel_loop3A_57 : vector<16xf32>
      %parallel_loop3A_59 = arith.index_cast %parallel_loop3A_21 : i32 to index
      %parallel_loop3A_60 = arith.constant 32 : index
      %parallel_loop3A_61 = tpu.vector_load %arg8[%parallel_loop3A_59, %parallel_loop3A_60] {strides = array<i32>} : memref<128x256xf32, #tpu.memory_space<vmem>>, vector<1x16xf32>,
      %parallel_loop3A_62 = vector.shape_cast %parallel_loop3A_61 : vector<1x16xf32> to vector<16xf32>
      %parallel_loop3A_63 = vector.shape_cast %parallel_loop3A_58 : vector<16xf32> to vector<1x16xf32>
      tpu.vector_store %arg8[%parallel_loop3A_59, %parallel_loop3A_60], %parallel_loop3A_63 {strides = array<i32>} : memref<128x256xf32, #tpu.memory_space<vmem>>, vector<1x16xf32>,
      %parallel_loop3A_64 = arith.index_cast %parallel_loop3A_21 : i32 to index
      %parallel_loop3A_65 = arith.constant 48 : index
      %parallel_loop3A_66 = tpu.vector_load %arg8[%parallel_loop3A_64, %parallel_loop3A_65] {strides = array<i32>} : memref<128x256xf32, #tpu.memory_space<vmem>>, vector<1x16xf32>,
      %parallel_loop3A_67 = vector.shape_cast %parallel_loop3A_66 : vector<1x16xf32> to vector<16xf32>
      %parallel_loop3A_68 = arith.index_cast %parallel_loop3A_21 : i32 to index
      %parallel_loop3A_69 = arith.constant 48 : index
      %parallel_loop3A_70 = tpu.vector_load %arg9[%parallel_loop3A_68, %parallel_loop3A_69] {strides = array<i32>} : memref<128x256xf32, #tpu.memory_space<vmem>>, vector<1x16xf32>,
      %parallel_loop3A_71 = vector.shape_cast %parallel_loop3A_70 : vector<1x16xf32> to vector<16xf32>
      %parallel_loop3A_72 = arith.addf %parallel_loop3A_67, %parallel_loop3A_71 : vector<16xf32>
      %parallel_loop3A_73 = arith.index_cast %parallel_loop3A_21 : i32 to index
      %parallel_loop3A_74 = arith.constant 48 : index
      %parallel_loop3A_75 = tpu.vector_load %arg8[%parallel_loop3A_73, %parallel_loop3A_74] {strides = array<i32>} : memref<128x256xf32, #tpu.memory_space<vmem>>, vector<1x16xf32>,
      %parallel_loop3A_76 = vector.shape_cast %parallel_loop3A_75 : vector<1x16xf32> to vector<16xf32>
      %parallel_loop3A_77 = vector.shape_cast %parallel_loop3A_72 : vector<16xf32> to vector<1x16xf32>
      tpu.vector_store %arg8[%parallel_loop3A_73, %parallel_loop3A_74], %parallel_loop3A_77 {strides = array<i32>} : memref<128x256xf32, #tpu.memory_space<vmem>>, vector<1x16xf32>,
      %parallel_loop3A_78 = arith.index_cast %parallel_loop3A_21 : i32 to index
      %parallel_loop3A_79 = arith.constant 64 : index
      %parallel_loop3A_80 = tpu.vector_load %arg8[%parallel_loop3A_78, %parallel_loop3A_79] {strides = array<i32>} : memref<128x256xf32, #tpu.memory_space<vmem>>, vector<1x16xf32>,
      %parallel_loop3A_81 = vector.shape_cast %parallel_loop3A_80 : vector<1x16xf32> to vector<16xf32>
      %parallel_loop3A_82 = arith.index_cast %parallel_loop3A_21 : i32 to index
      %parallel_loop3A_83 = arith.constant 64 : index
      %parallel_loop3A_84 = tpu.vector_load %arg9[%parallel_loop3A_82, %parallel_loop3A_83] {strides = array<i32>} : memref<128x256xf32, #tpu.memory_space<vmem>>, vector<1x16xf32>,
      %parallel_loop3A_85 = vector.shape_cast %parallel_loop3A_84 : vector<1x16xf32> to vector<16xf32>
      %parallel_loop3A_86 = arith.addf %parallel_loop3A_81, %parallel_loop3A_85 : vector<16xf32>
      %parallel_loop3A_87 = arith.index_cast %parallel_loop3A_21 : i32 to index
      %parallel_loop3A_88 = arith.constant 64 : index
      %parallel_loop3A_89 = tpu.vector_load %arg8[%parallel_loop3A_87, %parallel_loop3A_88] {strides = array<i32>} : memref<128x256xf32, #tpu.memory_space<vmem>>, vector<1x16xf32>,
      %parallel_loop3A_90 = vector.shape_cast %parallel_loop3A_89 : vector<1x16xf32> to vector<16xf32>
      %parallel_loop3A_91 = vector.shape_cast %parallel_loop3A_86 : vector<16xf32> to vector<1x16xf32>
      tpu.vector_store %arg8[%parallel_loop3A_87, %parallel_loop3A_88], %parallel_loop3A_91 {strides = array<i32>} : memref<128x256xf32, #tpu.memory_space<vmem>>, vector<1x16xf32>,
      %parallel_loop3A_92 = arith.index_cast %parallel_loop3A_21 : i32 to index
      %parallel_loop3A_93 = arith.constant 80 : index
      %parallel_loop3A_94 = tpu.vector_load %arg8[%parallel_loop3A_92, %parallel_loop3A_93] {strides = array<i32>} : memref<128x256xf32, #tpu.memory_space<vmem>>, vector<1x16xf32>,
      %parallel_loop3A_95 = vector.shape_cast %parallel_loop3A_94 : vector<1x16xf32> to vector<16xf32>
      %parallel_loop3A_96 = arith.index_cast %parallel_loop3A_21 : i32 to index
      %parallel_loop3A_97 = arith.constant 80 : index
      %parallel_loop3A_98 = tpu.vector_load %arg9[%parallel_loop3A_96, %parallel_loop3A_97] {strides = array<i32>} : memref<128x256xf32, #tpu.memory_space<vmem>>, vector<1x16xf32>,
      %parallel_loop3A_99 = vector.shape_cast %parallel_loop3A_98 : vector<1x16xf32> to vector<16xf32>
      %parallel_loop3A_100 = arith.addf %parallel_loop3A_95, %parallel_loop3A_99 : vector<16xf32>
      %parallel_loop3A_101 = arith.index_cast %parallel_loop3A_21 : i32 to index
      %parallel_loop3A_102 = arith.constant 80 : index
      %parallel_loop3A_103 = tpu.vector_load %arg8[%parallel_loop3A_101, %parallel_loop3A_102] {strides = array<i32>} : memref<128x256xf32, #tpu.memory_space<vmem>>, vector<1x16xf32>,
      %parallel_loop3A_104 = vector.shape_cast %parallel_loop3A_103 : vector<1x16xf32> to vector<16xf32>
      %parallel_loop3A_105 = vector.shape_cast %parallel_loop3A_100 : vector<16xf32> to vector<1x16xf32>
      tpu.vector_store %arg8[%parallel_loop3A_101, %parallel_loop3A_102], %parallel_loop3A_105 {strides = array<i32>} : memref<128x256xf32, #tpu.memory_space<vmem>>, vector<1x16xf32>,
      %parallel_loop3A_106 = arith.index_cast %parallel_loop3A_21 : i32 to index
      %parallel_loop3A_107 = arith.constant 96 : index
      %parallel_loop3A_108 = tpu.vector_load %arg8[%parallel_loop3A_106, %parallel_loop3A_107] {strides = array<i32>} : memref<128x256xf32, #tpu.memory_space<vmem>>, vector<1x16xf32>,
      %parallel_loop3A_109 = vector.shape_cast %parallel_loop3A_108 : vector<1x16xf32> to vector<16xf32>
      %parallel_loop3A_110 = arith.index_cast %parallel_loop3A_21 : i32 to index
      %parallel_loop3A_111 = arith.constant 96 : index
      %parallel_loop3A_112 = tpu.vector_load %arg9[%parallel_loop3A_110, %parallel_loop3A_111] {strides = array<i32>} : memref<128x256xf32, #tpu.memory_space<vmem>>, vector<1x16xf32>,
      %parallel_loop3A_113 = vector.shape_cast %parallel_loop3A_112 : vector<1x16xf32> to vector<16xf32>
      %parallel_loop3A_114 = arith.addf %parallel_loop3A_109, %parallel_loop3A_113 : vector<16xf32>
      %parallel_loop3A_115 = arith.index_cast %parallel_loop3A_21 : i32 to index
      %parallel_loop3A_116 = arith.constant 96 : index
      %parallel_loop3A_117 = tpu.vector_load %arg8[%parallel_loop3A_115, %parallel_loop3A_116] {strides = array<i32>} : memref<128x256xf32, #tpu.memory_space<vmem>>, vector<1x16xf32>,
      %parallel_loop3A_118 = vector.shape_cast %parallel_loop3A_117 : vector<1x16xf32> to vector<16xf32>
      %parallel_loop3A_119 = vector.shape_cast %parallel_loop3A_114 : vector<16xf32> to vector<1x16xf32>
      tpu.vector_store %arg8[%parallel_loop3A_115, %parallel_loop3A_116], %parallel_loop3A_119 {strides = array<i32>} : memref<128x256xf32, #tpu.memory_space<vmem>>, vector<1x16xf32>,
      %parallel_loop3A_120 = arith.index_cast %parallel_loop3A_21 : i32 to index
      %parallel_loop3A_121 = arith.constant 112 : index
      %parallel_loop3A_122 = tpu.vector_load %arg8[%parallel_loop3A_120, %parallel_loop3A_121] {strides = array<i32>} : memref<128x256xf32, #tpu.memory_space<vmem>>, vector<1x16xf32>,
      %parallel_loop3A_123 = vector.shape_cast %parallel_loop3A_122 : vector<1x16xf32> to vector<16xf32>
      %parallel_loop3A_124 = arith.index_cast %parallel_loop3A_21 : i32 to index
      %parallel_loop3A_125 = arith.constant 112 : index
      %parallel_loop3A_126 = tpu.vector_load %arg9[%parallel_loop3A_124, %parallel_loop3A_125] {strides = array<i32>} : memref<128x256xf32, #tpu.memory_space<vmem>>, vector<1x16xf32>,
      %parallel_loop3A_127 = vector.shape_cast %parallel_loop3A_126 : vector<1x16xf32> to vector<16xf32>
      %parallel_loop3A_128 = arith.addf %parallel_loop3A_123, %parallel_loop3A_127 : vector<16xf32>
      %parallel_loop3A_129 = arith.index_cast %parallel_loop3A_21 : i32 to index
      %parallel_loop3A_130 = arith.constant 112 : index
      %parallel_loop3A_131 = tpu.vector_load %arg8[%parallel_loop3A_129, %parallel_loop3A_130] {strides = array<i32>} : memref<128x256xf32, #tpu.memory_space<vmem>>, vector<1x16xf32>,
      %parallel_loop3A_132 = vector.shape_cast %parallel_loop3A_131 : vector<1x16xf32> to vector<16xf32>
      %parallel_loop3A_133 = vector.shape_cast %parallel_loop3A_128 : vector<16xf32> to vector<1x16xf32>
      tpu.vector_store %arg8[%parallel_loop3A_129, %parallel_loop3A_130], %parallel_loop3A_133 {strides = array<i32>} : memref<128x256xf32, #tpu.memory_space<vmem>>, vector<1x16xf32>,
      %parallel_loop3A_134 = arith.index_cast %parallel_loop3A_21 : i32 to index
      %parallel_loop3A_135 = arith.constant 128 : index
      %parallel_loop3A_136 = tpu.vector_load %arg8[%parallel_loop3A_134, %parallel_loop3A_135] {strides = array<i32>} : memref<128x256xf32, #tpu.memory_space<vmem>>, vector<1x16xf32>,
      %parallel_loop3A_137 = vector.shape_cast %parallel_loop3A_136 : vector<1x16xf32> to vector<16xf32>
      %parallel_loop3A_138 = arith.index_cast %parallel_loop3A_21 : i32 to index
      %parallel_loop3A_139 = arith.constant 128 : index
      %parallel_loop3A_140 = tpu.vector_load %arg9[%parallel_loop3A_138, %parallel_loop3A_139] {strides = array<i32>} : memref<128x256xf32, #tpu.memory_space<vmem>>, vector<1x16xf32>,
      %parallel_loop3A_141 = vector.shape_cast %parallel_loop3A_140 : vector<1x16xf32> to vector<16xf32>
      %parallel_loop3A_142 = arith.addf %parallel_loop3A_137, %parallel_loop3A_141 : vector<16xf32>
      %parallel_loop3A_143 = arith.index_cast %parallel_loop3A_21 : i32 to index
      %parallel_loop3A_144 = arith.constant 128 : index
      %parallel_loop3A_145 = tpu.vector_load %arg8[%parallel_loop3A_143, %parallel_loop3A_144] {strides = array<i32>} : memref<128x256xf32, #tpu.memory_space<vmem>>, vector<1x16xf32>,
      %parallel_loop3A_146 = vector.shape_cast %parallel_loop3A_145 : vector<1x16xf32> to vector<16xf32>
      %parallel_loop3A_147 = vector.shape_cast %parallel_loop3A_142 : vector<16xf32> to vector<1x16xf32>
      tpu.vector_store %arg8[%parallel_loop3A_143, %parallel_loop3A_144], %parallel_loop3A_147 {strides = array<i32>} : memref<128x256xf32, #tpu.memory_space<vmem>>, vector<1x16xf32>,
      %parallel_loop3A_148 = arith.index_cast %parallel_loop3A_21 : i32 to index
      %parallel_loop3A_149 = arith.constant 144 : index
      %parallel_loop3A_150 = tpu.vector_load %arg8[%parallel_loop3A_148, %parallel_loop3A_149] {strides = array<i32>} : memref<128x256xf32, #tpu.memory_space<vmem>>, vector<1x16xf32>,
      %parallel_loop3A_151 = vector.shape_cast %parallel_loop3A_150 : vector<1x16xf32> to vector<16xf32>
      %parallel_loop3A_152 = arith.index_cast %parallel_loop3A_21 : i32 to index
      %parallel_loop3A_153 = arith.constant 144 : index
      %parallel_loop3A_154 = tpu.vector_load %arg9[%parallel_loop3A_152, %parallel_loop3A_153] {strides = array<i32>} : memref<128x256xf32, #tpu.memory_space<vmem>>, vector<1x16xf32>,
      %parallel_loop3A_155 = vector.shape_cast %parallel_loop3A_154 : vector<1x16xf32> to vector<16xf32>
      %parallel_loop3A_156 = arith.addf %parallel_loop3A_151, %parallel_loop3A_155 : vector<16xf32>
      %parallel_loop3A_157 = arith.index_cast %parallel_loop3A_21 : i32 to index
      %parallel_loop3A_158 = arith.constant 144 : index
      %parallel_loop3A_159 = tpu.vector_load %arg8[%parallel_loop3A_157, %parallel_loop3A_158] {strides = array<i32>} : memref<128x256xf32, #tpu.memory_space<vmem>>, vector<1x16xf32>,
      %parallel_loop3A_160 = vector.shape_cast %parallel_loop3A_159 : vector<1x16xf32> to vector<16xf32>
      %parallel_loop3A_161 = vector.shape_cast %parallel_loop3A_156 : vector<16xf32> to vector<1x16xf32>
      tpu.vector_store %arg8[%parallel_loop3A_157, %parallel_loop3A_158], %parallel_loop3A_161 {strides = array<i32>} : memref<128x256xf32, #tpu.memory_space<vmem>>, vector<1x16xf32>,
      %parallel_loop3A_162 = arith.index_cast %parallel_loop3A_21 : i32 to index
      %parallel_loop3A_163 = arith.constant 160 : index
      %parallel_loop3A_164 = tpu.vector_load %arg8[%parallel_loop3A_162, %parallel_loop3A_163] {strides = array<i32>} : memref<128x256xf32, #tpu.memory_space<vmem>>, vector<1x16xf32>,
      %parallel_loop3A_165 = vector.shape_cast %parallel_loop3A_164 : vector<1x16xf32> to vector<16xf32>
      %parallel_loop3A_166 = arith.index_cast %parallel_loop3A_21 : i32 to index
      %parallel_loop3A_167 = arith.constant 160 : index
      %parallel_loop3A_168 = tpu.vector_load %arg9[%parallel_loop3A_166, %parallel_loop3A_167] {strides = array<i32>} : memref<128x256xf32, #tpu.memory_space<vmem>>, vector<1x16xf32>,
      %parallel_loop3A_169 = vector.shape_cast %parallel_loop3A_168 : vector<1x16xf32> to vector<16xf32>
      %parallel_loop3A_170 = arith.addf %parallel_loop3A_165, %parallel_loop3A_169 : vector<16xf32>
      %parallel_loop3A_171 = arith.index_cast %parallel_loop3A_21 : i32 to index
      %parallel_loop3A_172 = arith.constant 160 : index
      %parallel_loop3A_173 = tpu.vector_load %arg8[%parallel_loop3A_171, %parallel_loop3A_172] {strides = array<i32>} : memref<128x256xf32, #tpu.memory_space<vmem>>, vector<1x16xf32>,
      %parallel_loop3A_174 = vector.shape_cast %parallel_loop3A_173 : vector<1x16xf32> to vector<16xf32>
      %parallel_loop3A_175 = vector.shape_cast %parallel_loop3A_170 : vector<16xf32> to vector<1x16xf32>
      tpu.vector_store %arg8[%parallel_loop3A_171, %parallel_loop3A_172], %parallel_loop3A_175 {strides = array<i32>} : memref<128x256xf32, #tpu.memory_space<vmem>>, vector<1x16xf32>,
      %parallel_loop3A_176 = arith.index_cast %parallel_loop3A_21 : i32 to index
      %parallel_loop3A_177 = arith.constant 176 : index
      %parallel_loop3A_178 = tpu.vector_load %arg8[%parallel_loop3A_176, %parallel_loop3A_177] {strides = array<i32>} : memref<128x256xf32, #tpu.memory_space<vmem>>, vector<1x16xf32>,
      %parallel_loop3A_179 = vector.shape_cast %parallel_loop3A_178 : vector<1x16xf32> to vector<16xf32>
      %parallel_loop3A_180 = arith.index_cast %parallel_loop3A_21 : i32 to index
      %parallel_loop3A_181 = arith.constant 176 : index
      %parallel_loop3A_182 = tpu.vector_load %arg9[%parallel_loop3A_180, %parallel_loop3A_181] {strides = array<i32>} : memref<128x256xf32, #tpu.memory_space<vmem>>, vector<1x16xf32>,
      %parallel_loop3A_183 = vector.shape_cast %parallel_loop3A_182 : vector<1x16xf32> to vector<16xf32>
      %parallel_loop3A_184 = arith.addf %parallel_loop3A_179, %parallel_loop3A_183 : vector<16xf32>
      %parallel_loop3A_185 = arith.index_cast %parallel_loop3A_21 : i32 to index
      %parallel_loop3A_186 = arith.constant 176 : index
      %parallel_loop3A_187 = tpu.vector_load %arg8[%parallel_loop3A_185, %parallel_loop3A_186] {strides = array<i32>} : memref<128x256xf32, #tpu.memory_space<vmem>>, vector<1x16xf32>,
      %parallel_loop3A_188 = vector.shape_cast %parallel_loop3A_187 : vector<1x16xf32> to vector<16xf32>
      %parallel_loop3A_189 = vector.shape_cast %parallel_loop3A_184 : vector<16xf32> to vector<1x16xf32>
      tpu.vector_store %arg8[%parallel_loop3A_185, %parallel_loop3A_186], %parallel_loop3A_189 {strides = array<i32>} : memref<128x256xf32, #tpu.memory_space<vmem>>, vector<1x16xf32>,
      %parallel_loop3A_190 = arith.index_cast %parallel_loop3A_21 : i32 to index
      %parallel_loop3A_191 = arith.constant 192 : index
      %parallel_loop3A_192 = tpu.vector_load %arg8[%parallel_loop3A_190, %parallel_loop3A_191] {strides = array<i32>} : memref<128x256xf32, #tpu.memory_space<vmem>>, vector<1x16xf32>,
      %parallel_loop3A_193 = vector.shape_cast %parallel_loop3A_192 : vector<1x16xf32> to vector<16xf32>
      %parallel_loop3A_194 = arith.index_cast %parallel_loop3A_21 : i32 to index
      %parallel_loop3A_195 = arith.constant 192 : index
      %parallel_loop3A_196 = tpu.vector_load %arg9[%parallel_loop3A_194, %parallel_loop3A_195] {strides = array<i32>} : memref<128x256xf32, #tpu.memory_space<vmem>>, vector<1x16xf32>,
      %parallel_loop3A_197 = vector.shape_cast %parallel_loop3A_196 : vector<1x16xf32> to vector<16xf32>
      %parallel_loop3A_198 = arith.addf %parallel_loop3A_193, %parallel_loop3A_197 : vector<16xf32>
      %parallel_loop3A_199 = arith.index_cast %parallel_loop3A_21 : i32 to index
      %parallel_loop3A_200 = arith.constant 192 : index
      %parallel_loop3A_201 = tpu.vector_load %arg8[%parallel_loop3A_199, %parallel_loop3A_200] {strides = array<i32>} : memref<128x256xf32, #tpu.memory_space<vmem>>, vector<1x16xf32>,
      %parallel_loop3A_202 = vector.shape_cast %parallel_loop3A_201 : vector<1x16xf32> to vector<16xf32>
      %parallel_loop3A_203 = vector.shape_cast %parallel_loop3A_198 : vector<16xf32> to vector<1x16xf32>
      tpu.vector_store %arg8[%parallel_loop3A_199, %parallel_loop3A_200], %parallel_loop3A_203 {strides = array<i32>} : memref<128x256xf32, #tpu.memory_space<vmem>>, vector<1x16xf32>,
      %parallel_loop3A_204 = arith.index_cast %parallel_loop3A_21 : i32 to index
      %parallel_loop3A_205 = arith.constant 208 : index
      %parallel_loop3A_206 = tpu.vector_load %arg8[%parallel_loop3A_204, %parallel_loop3A_205] {strides = array<i32>} : memref<128x256xf32, #tpu.memory_space<vmem>>, vector<1x16xf32>,
      %parallel_loop3A_207 = vector.shape_cast %parallel_loop3A_206 : vector<1x16xf32> to vector<16xf32>
      %parallel_loop3A_208 = arith.index_cast %parallel_loop3A_21 : i32 to index
      %parallel_loop3A_209 = arith.constant 208 : index
      %parallel_loop3A_210 = tpu.vector_load %arg9[%parallel_loop3A_208, %parallel_loop3A_209] {strides = array<i32>} : memref<128x256xf32, #tpu.memory_space<vmem>>, vector<1x16xf32>,
      %parallel_loop3A_211 = vector.shape_cast %parallel_loop3A_210 : vector<1x16xf32> to vector<16xf32>
      %parallel_loop3A_212 = arith.addf %parallel_loop3A_207, %parallel_loop3A_211 : vector<16xf32>
      %parallel_loop3A_213 = arith.index_cast %parallel_loop3A_21 : i32 to index
      %parallel_loop3A_214 = arith.constant 208 : index
      %parallel_loop3A_215 = tpu.vector_load %arg8[%parallel_loop3A_213, %parallel_loop3A_214] {strides = array<i32>} : memref<128x256xf32, #tpu.memory_space<vmem>>, vector<1x16xf32>,
      %parallel_loop3A_216 = vector.shape_cast %parallel_loop3A_215 : vector<1x16xf32> to vector<16xf32>
      %parallel_loop3A_217 = vector.shape_cast %parallel_loop3A_212 : vector<16xf32> to vector<1x16xf32>
      tpu.vector_store %arg8[%parallel_loop3A_213, %parallel_loop3A_214], %parallel_loop3A_217 {strides = array<i32>} : memref<128x256xf32, #tpu.memory_space<vmem>>, vector<1x16xf32>,
      %parallel_loop3A_218 = arith.index_cast %parallel_loop3A_21 : i32 to index
      %parallel_loop3A_219 = arith.constant 224 : index
      %parallel_loop3A_220 = tpu.vector_load %arg8[%parallel_loop3A_218, %parallel_loop3A_219] {strides = array<i32>} : memref<128x256xf32, #tpu.memory_space<vmem>>, vector<1x16xf32>,
      %parallel_loop3A_221 = vector.shape_cast %parallel_loop3A_220 : vector<1x16xf32> to vector<16xf32>
      %parallel_loop3A_222 = arith.index_cast %parallel_loop3A_21 : i32 to index
      %parallel_loop3A_223 = arith.constant 224 : index
      %parallel_loop3A_224 = tpu.vector_load %arg9[%parallel_loop3A_222, %parallel_loop3A_223] {strides = array<i32>} : memref<128x256xf32, #tpu.memory_space<vmem>>, vector<1x16xf32>,
      %parallel_loop3A_225 = vector.shape_cast %parallel_loop3A_224 : vector<1x16xf32> to vector<16xf32>
      %parallel_loop3A_226 = arith.addf %parallel_loop3A_221, %parallel_loop3A_225 : vector<16xf32>
      %parallel_loop3A_227 = arith.index_cast %parallel_loop3A_21 : i32 to index
      %parallel_loop3A_228 = arith.constant 224 : index
      %parallel_loop3A_229 = tpu.vector_load %arg8[%parallel_loop3A_227, %parallel_loop3A_228] {strides = array<i32>} : memref<128x256xf32, #tpu.memory_space<vmem>>, vector<1x16xf32>,
      %parallel_loop3A_230 = vector.shape_cast %parallel_loop3A_229 : vector<1x16xf32> to vector<16xf32>
      %parallel_loop3A_231 = vector.shape_cast %parallel_loop3A_226 : vector<16xf32> to vector<1x16xf32>
      tpu.vector_store %arg8[%parallel_loop3A_227, %parallel_loop3A_228], %parallel_loop3A_231 {strides = array<i32>} : memref<128x256xf32, #tpu.memory_space<vmem>>, vector<1x16xf32>,
      %parallel_loop3A_232 = arith.index_cast %parallel_loop3A_21 : i32 to index
      %parallel_loop3A_233 = arith.constant 240 : index
      %parallel_loop3A_234 = tpu.vector_load %arg8[%parallel_loop3A_232, %parallel_loop3A_233] {strides = array<i32>} : memref<128x256xf32, #tpu.memory_space<vmem>>, vector<1x16xf32>,
      %parallel_loop3A_235 = vector.shape_cast %parallel_loop3A_234 : vector<1x16xf32> to vector<16xf32>
      %parallel_loop3A_236 = arith.index_cast %parallel_loop3A_21 : i32 to index
      %parallel_loop3A_237 = arith.constant 240 : index
      %parallel_loop3A_238 = tpu.vector_load %arg9[%parallel_loop3A_236, %parallel_loop3A_237] {strides = array<i32>} : memref<128x256xf32, #tpu.memory_space<vmem>>, vector<1x16xf32>,
      %parallel_loop3A_239 = vector.shape_cast %parallel_loop3A_238 : vector<1x16xf32> to vector<16xf32>
      %parallel_loop3A_240 = arith.addf %parallel_loop3A_235, %parallel_loop3A_239 : vector<16xf32>
      %parallel_loop3A_241 = arith.index_cast %parallel_loop3A_21 : i32 to index
      %parallel_loop3A_242 = arith.constant 240 : index
      %parallel_loop3A_243 = tpu.vector_load %arg8[%parallel_loop3A_241, %parallel_loop3A_242] {strides = array<i32>} : memref<128x256xf32, #tpu.memory_space<vmem>>, vector<1x16xf32>,
      %parallel_loop3A_244 = vector.shape_cast %parallel_loop3A_243 : vector<1x16xf32> to vector<16xf32>
      %parallel_loop3A_245 = vector.shape_cast %parallel_loop3A_240 : vector<16xf32> to vector<1x16xf32>
      tpu.vector_store %arg8[%parallel_loop3A_241, %parallel_loop3A_242], %parallel_loop3A_245 {strides = array<i32>} : memref<128x256xf32, #tpu.memory_space<vmem>>, vector<1x16xf32>,
    } {sc.loop_unroll_factor = 4 : i64, sc.parallel_access}
    %add3A_19 = arith.constant 2048 : i32
    %add3A_20 = arith.addi %add3A_19, %mul3A_2 : i32
    "tpu.region"() ({
      %run_scoped3A = tpu.sem_alloc : memref<!tpu.dma_semaphore, #tpu.memory_space<semaphore_mem>>
      %dma_start3A_21 = arith.constant 0 : i32
      %dma_start3A_22 = tpu.memref_slice %arg5[%add3A_20, %dma_start3A_21] : memref<9216x256xf32, #tpu.memory_space<hbm>> -> memref<128x256xf32, #tpu.memory_space<hbm>>
      %dma_start3A_23 = arith.constant 0 : i32
      %dma_start3A_24 = tpu.memref_slice %arg5[%add3A_20, %dma_start3A_23] : memref<9216x256xf32, #tpu.memory_space<hbm>> -> memref<128x256xf32, #tpu.memory_space<hbm>>
      tpu.enqueue_dma source(%arg8 : memref<128x256xf32, #tpu.memory_space<vmem>>) target(%dma_start3A_24 : memref<128x256xf32, #tpu.memory_space<hbm>>) target_semaphore(%run_scoped3A : memref<!tpu.dma_semaphore, #tpu.memory_space<semaphore_mem>>)
      %dma_wait3A_25 = arith.constant 0 : i32
      %dma_wait3A_26 = tpu.memref_slice %arg5[%add3A_20, %dma_wait3A_25] : memref<9216x256xf32, #tpu.memory_space<hbm>> -> memref<128x256xf32, #tpu.memory_space<hbm>>
      %dma_wait3A_27 = arith.constant 0 : i32
      %dma_wait3A_28 = tpu.memref_slice %arg5[%add3A_20, %dma_wait3A_27] : memref<9216x256xf32, #tpu.memory_space<hbm>> -> memref<128x256xf32, #tpu.memory_space<hbm>>
      tpu.wait_dma2 semaphore(%run_scoped3A : memref<!tpu.dma_semaphore, #tpu.memory_space<semaphore_mem>>) src(%arg8 : memref<128x256xf32, #tpu.memory_space<vmem>>) dst(%dma_wait3A_28 : memref<128x256xf32, #tpu.memory_space<hbm>>)
      tpu.yield
    }) : () -> ()
    return
  }
}

#map = affine_map<(d0, d1) -> (0, 0)>
#map1 = affine_map<(d0, d1) -> (0)>
module attributes {stable_mosaic.version = 14 : i64} {
  func.func @new_body(%arg0: i32, %arg1: i32, %arg2: memref<9216x256xf32, #tpu.memory_space<hbm>>, %arg3: memref<3072xi32, #tpu.memory_space<hbm>>, %arg4: memref<1024x256xf32, #tpu.memory_space<hbm>>, %arg5: memref<9216x256xf32, #tpu.memory_space<hbm>>, %arg6: memref<9216x256xf32, #tpu.memory_space<hbm>>, %arg7: memref<96xi32, #tpu.memory_space<vmem>>, %arg8: memref<96x256xf32, #tpu.memory_space<vmem>>, %arg9: memref<96x256xf32, #tpu.memory_space<vmem>>, %arg10: memref<!tpu.dma_semaphore, #tpu.memory_space<semaphore_mem>>, %arg11: memref<!tpu.dma_semaphore, #tpu.memory_space<semaphore_mem>>) attributes {dimension_semantics = [#tpu.dimension_semantics<core_parallel>, #tpu.dimension_semantics<subcore_parallel>], iteration_bounds = array<i64: 2, 16>, scalar_prefetch = 0 : i64, scratch_operands = 5 : i64, tpu.core_type = #tpu.core_type<sc_vector_subcore>, window_params = [{transform_indices = #map}, {transform_indices = #map1}, {transform_indices = #map}, {transform_indices = #map}, {transform_indices = #map}]} {
    %mul3A = arith.constant 2 : i32
    %mul3A_0 = arith.muli %arg1, %mul3A : i32
    %add3A = arith.addi %mul3A_0, %arg0 : i32
    %mul3A_1 = arith.constant 96 : i32
    %mul3A_2 = arith.muli %add3A, %mul3A_1 : i32
    %add3A_3 = arith.constant 6144 : i32
    %add3A_4 = arith.addi %add3A_3, %mul3A_2 : i32
    %dma_start3A = arith.constant 0 : i32
    %dma_start3A_5 = tpu.memref_slice %arg2[%add3A_4, %dma_start3A] : memref<9216x256xf32, #tpu.memory_space<hbm>> -> memref<96x256xf32, #tpu.memory_space<hbm>>
    %dma_start3A_6 = arith.constant 0 : i32
    %dma_start3A_7 = tpu.memref_slice %arg2[%add3A_4, %dma_start3A_6] : memref<9216x256xf32, #tpu.memory_space<hbm>> -> memref<96x256xf32, #tpu.memory_space<hbm>>
    tpu.enqueue_dma source(%dma_start3A_7 : memref<96x256xf32, #tpu.memory_space<hbm>>) target(%arg9 : memref<96x256xf32, #tpu.memory_space<vmem>>) target_semaphore(%arg11 : memref<!tpu.dma_semaphore, #tpu.memory_space<semaphore_mem>>)
    "tpu.region"() ({
      %run_scoped3A = tpu.sem_alloc : memref<!tpu.dma_semaphore, #tpu.memory_space<semaphore_mem>>
      %dma_start3A_21 = tpu.memref_slice %arg3[%mul3A_2] : memref<3072xi32, #tpu.memory_space<hbm>> -> memref<96xi32, #tpu.memory_space<hbm>>
      %dma_start3A_22 = tpu.memref_slice %arg3[%mul3A_2] : memref<3072xi32, #tpu.memory_space<hbm>> -> memref<96xi32, #tpu.memory_space<hbm>>
      tpu.enqueue_dma source(%dma_start3A_22 : memref<96xi32, #tpu.memory_space<hbm>>) target(%arg7 : memref<96xi32, #tpu.memory_space<vmem>>) target_semaphore(%run_scoped3A : memref<!tpu.dma_semaphore, #tpu.memory_space<semaphore_mem>>)
      %dma_wait3A_23 = tpu.memref_slice %arg3[%mul3A_2] : memref<3072xi32, #tpu.memory_space<hbm>> -> memref<96xi32, #tpu.memory_space<hbm>>
      %dma_wait3A_24 = tpu.memref_slice %arg3[%mul3A_2] : memref<3072xi32, #tpu.memory_space<hbm>> -> memref<96xi32, #tpu.memory_space<hbm>>
      tpu.wait_dma2 semaphore(%run_scoped3A : memref<!tpu.dma_semaphore, #tpu.memory_space<semaphore_mem>>) src(%dma_wait3A_24 : memref<96xi32, #tpu.memory_space<hbm>>) dst(%arg7 : memref<96xi32, #tpu.memory_space<vmem>>)
      tpu.yield
    }) : () -> ()
    %dma_start3A_8 = arith.constant 0 : i32
    %dma_start3A_9 = arith.constant 0 : i32
    %dma_start3A_10 = tpu.memref_slice %arg4[%dma_start3A_8, %dma_start3A_9] : memref<1024x256xf32, #tpu.memory_space<hbm>> -> memref<1024x256xf32, #tpu.memory_space<hbm>>
    tpu.enqueue_indirect_dma source(%dma_start3A_10 : memref<1024x256xf32, #tpu.memory_space<hbm>>) target(%arg8 : memref<96x256xf32, #tpu.memory_space<vmem>>) offsets(%arg7 : memref<96xi32, #tpu.memory_space<vmem>>) semaphore(%arg10 : memref<!tpu.dma_semaphore, #tpu.memory_space<semaphore_mem>>)
    %dma_wait3A = arith.constant 0 : i32
    %dma_wait3A_11 = tpu.memref_slice %arg2[%add3A_4, %dma_wait3A] : memref<9216x256xf32, #tpu.memory_space<hbm>> -> memref<96x256xf32, #tpu.memory_space<hbm>>
    %dma_wait3A_12 = arith.constant 0 : i32
    %dma_wait3A_13 = tpu.memref_slice %arg2[%add3A_4, %dma_wait3A_12] : memref<9216x256xf32, #tpu.memory_space<hbm>> -> memref<96x256xf32, #tpu.memory_space<hbm>>
    tpu.wait_dma2 semaphore(%arg11 : memref<!tpu.dma_semaphore, #tpu.memory_space<semaphore_mem>>) src(%dma_wait3A_13 : memref<96x256xf32, #tpu.memory_space<hbm>>) dst(%arg9 : memref<96x256xf32, #tpu.memory_space<vmem>>)
    %dma_wait3A_14 = arith.constant 0 : i32
    %dma_wait3A_15 = arith.constant 0 : i32
    %dma_wait3A_16 = tpu.memref_slice %arg4[%dma_wait3A_14, %dma_wait3A_15] : memref<1024x256xf32, #tpu.memory_space<hbm>> -> memref<1024x256xf32, #tpu.memory_space<hbm>>
    tpu.wait_indirect_dma semaphore(%arg10 : memref<!tpu.dma_semaphore, #tpu.memory_space<semaphore_mem>>) src(%dma_wait3A_16 : memref<1024x256xf32, #tpu.memory_space<hbm>>) dst(%arg8 : memref<96x256xf32, #tpu.memory_space<vmem>>)
    %parallel_loop3A = arith.constant 0 : i32
    %parallel_loop3A_17 = arith.constant 96 : i32
    %parallel_loop3A_18 = arith.constant 1 : i32
    scf.for %parallel_loop3A_21 = %parallel_loop3A to %parallel_loop3A_17 step %parallel_loop3A_18  : i32 {
      %parallel_loop3A_22 = arith.index_cast %parallel_loop3A_21 : i32 to index
      %parallel_loop3A_23 = arith.constant 0 : index
      %parallel_loop3A_24 = tpu.vector_load %arg8[%parallel_loop3A_22, %parallel_loop3A_23] {strides = array<i32>} : memref<96x256xf32, #tpu.memory_space<vmem>>, vector<1x16xf32>,
      %parallel_loop3A_25 = vector.shape_cast %parallel_loop3A_24 : vector<1x16xf32> to vector<16xf32>
      %parallel_loop3A_26 = arith.index_cast %parallel_loop3A_21 : i32 to index
      %parallel_loop3A_27 = arith.constant 0 : index
      %parallel_loop3A_28 = tpu.vector_load %arg9[%parallel_loop3A_26, %parallel_loop3A_27] {strides = array<i32>} : memref<96x256xf32, #tpu.memory_space<vmem>>, vector<1x16xf32>,
      %parallel_loop3A_29 = vector.shape_cast %parallel_loop3A_28 : vector<1x16xf32> to vector<16xf32>
      %parallel_loop3A_30 = arith.addf %parallel_loop3A_25, %parallel_loop3A_29 : vector<16xf32>
      %parallel_loop3A_31 = arith.index_cast %parallel_loop3A_21 : i32 to index
      %parallel_loop3A_32 = arith.constant 0 : index
      %parallel_loop3A_33 = tpu.vector_load %arg8[%parallel_loop3A_31, %parallel_loop3A_32] {strides = array<i32>} : memref<96x256xf32, #tpu.memory_space<vmem>>, vector<1x16xf32>,
      %parallel_loop3A_34 = vector.shape_cast %parallel_loop3A_33 : vector<1x16xf32> to vector<16xf32>
      %parallel_loop3A_35 = vector.shape_cast %parallel_loop3A_30 : vector<16xf32> to vector<1x16xf32>
      tpu.vector_store %arg8[%parallel_loop3A_31, %parallel_loop3A_32], %parallel_loop3A_35 {strides = array<i32>} : memref<96x256xf32, #tpu.memory_space<vmem>>, vector<1x16xf32>,
      %parallel_loop3A_36 = arith.index_cast %parallel_loop3A_21 : i32 to index
      %parallel_loop3A_37 = arith.constant 16 : index
      %parallel_loop3A_38 = tpu.vector_load %arg8[%parallel_loop3A_36, %parallel_loop3A_37] {strides = array<i32>} : memref<96x256xf32, #tpu.memory_space<vmem>>, vector<1x16xf32>,
      %parallel_loop3A_39 = vector.shape_cast %parallel_loop3A_38 : vector<1x16xf32> to vector<16xf32>
      %parallel_loop3A_40 = arith.index_cast %parallel_loop3A_21 : i32 to index
      %parallel_loop3A_41 = arith.constant 16 : index
      %parallel_loop3A_42 = tpu.vector_load %arg9[%parallel_loop3A_40, %parallel_loop3A_41] {strides = array<i32>} : memref<96x256xf32, #tpu.memory_space<vmem>>, vector<1x16xf32>,
      %parallel_loop3A_43 = vector.shape_cast %parallel_loop3A_42 : vector<1x16xf32> to vector<16xf32>
      %parallel_loop3A_44 = arith.addf %parallel_loop3A_39, %parallel_loop3A_43 : vector<16xf32>
      %parallel_loop3A_45 = arith.index_cast %parallel_loop3A_21 : i32 to index
      %parallel_loop3A_46 = arith.constant 16 : index
      %parallel_loop3A_47 = tpu.vector_load %arg8[%parallel_loop3A_45, %parallel_loop3A_46] {strides = array<i32>} : memref<96x256xf32, #tpu.memory_space<vmem>>, vector<1x16xf32>,
      %parallel_loop3A_48 = vector.shape_cast %parallel_loop3A_47 : vector<1x16xf32> to vector<16xf32>
      %parallel_loop3A_49 = vector.shape_cast %parallel_loop3A_44 : vector<16xf32> to vector<1x16xf32>
      tpu.vector_store %arg8[%parallel_loop3A_45, %parallel_loop3A_46], %parallel_loop3A_49 {strides = array<i32>} : memref<96x256xf32, #tpu.memory_space<vmem>>, vector<1x16xf32>,
      %parallel_loop3A_50 = arith.index_cast %parallel_loop3A_21 : i32 to index
      %parallel_loop3A_51 = arith.constant 32 : index
      %parallel_loop3A_52 = tpu.vector_load %arg8[%parallel_loop3A_50, %parallel_loop3A_51] {strides = array<i32>} : memref<96x256xf32, #tpu.memory_space<vmem>>, vector<1x16xf32>,
      %parallel_loop3A_53 = vector.shape_cast %parallel_loop3A_52 : vector<1x16xf32> to vector<16xf32>
      %parallel_loop3A_54 = arith.index_cast %parallel_loop3A_21 : i32 to index
      %parallel_loop3A_55 = arith.constant 32 : index
      %parallel_loop3A_56 = tpu.vector_load %arg9[%parallel_loop3A_54, %parallel_loop3A_55] {strides = array<i32>} : memref<96x256xf32, #tpu.memory_space<vmem>>, vector<1x16xf32>,
      %parallel_loop3A_57 = vector.shape_cast %parallel_loop3A_56 : vector<1x16xf32> to vector<16xf32>
      %parallel_loop3A_58 = arith.addf %parallel_loop3A_53, %parallel_loop3A_57 : vector<16xf32>
      %parallel_loop3A_59 = arith.index_cast %parallel_loop3A_21 : i32 to index
      %parallel_loop3A_60 = arith.constant 32 : index
      %parallel_loop3A_61 = tpu.vector_load %arg8[%parallel_loop3A_59, %parallel_loop3A_60] {strides = array<i32>} : memref<96x256xf32, #tpu.memory_space<vmem>>, vector<1x16xf32>,
      %parallel_loop3A_62 = vector.shape_cast %parallel_loop3A_61 : vector<1x16xf32> to vector<16xf32>
      %parallel_loop3A_63 = vector.shape_cast %parallel_loop3A_58 : vector<16xf32> to vector<1x16xf32>
      tpu.vector_store %arg8[%parallel_loop3A_59, %parallel_loop3A_60], %parallel_loop3A_63 {strides = array<i32>} : memref<96x256xf32, #tpu.memory_space<vmem>>, vector<1x16xf32>,
      %parallel_loop3A_64 = arith.index_cast %parallel_loop3A_21 : i32 to index
      %parallel_loop3A_65 = arith.constant 48 : index
      %parallel_loop3A_66 = tpu.vector_load %arg8[%parallel_loop3A_64, %parallel_loop3A_65] {strides = array<i32>} : memref<96x256xf32, #tpu.memory_space<vmem>>, vector<1x16xf32>,
      %parallel_loop3A_67 = vector.shape_cast %parallel_loop3A_66 : vector<1x16xf32> to vector<16xf32>
      %parallel_loop3A_68 = arith.index_cast %parallel_loop3A_21 : i32 to index
      %parallel_loop3A_69 = arith.constant 48 : index
      %parallel_loop3A_70 = tpu.vector_load %arg9[%parallel_loop3A_68, %parallel_loop3A_69] {strides = array<i32>} : memref<96x256xf32, #tpu.memory_space<vmem>>, vector<1x16xf32>,
      %parallel_loop3A_71 = vector.shape_cast %parallel_loop3A_70 : vector<1x16xf32> to vector<16xf32>
      %parallel_loop3A_72 = arith.addf %parallel_loop3A_67, %parallel_loop3A_71 : vector<16xf32>
      %parallel_loop3A_73 = arith.index_cast %parallel_loop3A_21 : i32 to index
      %parallel_loop3A_74 = arith.constant 48 : index
      %parallel_loop3A_75 = tpu.vector_load %arg8[%parallel_loop3A_73, %parallel_loop3A_74] {strides = array<i32>} : memref<96x256xf32, #tpu.memory_space<vmem>>, vector<1x16xf32>,
      %parallel_loop3A_76 = vector.shape_cast %parallel_loop3A_75 : vector<1x16xf32> to vector<16xf32>
      %parallel_loop3A_77 = vector.shape_cast %parallel_loop3A_72 : vector<16xf32> to vector<1x16xf32>
      tpu.vector_store %arg8[%parallel_loop3A_73, %parallel_loop3A_74], %parallel_loop3A_77 {strides = array<i32>} : memref<96x256xf32, #tpu.memory_space<vmem>>, vector<1x16xf32>,
      %parallel_loop3A_78 = arith.index_cast %parallel_loop3A_21 : i32 to index
      %parallel_loop3A_79 = arith.constant 64 : index
      %parallel_loop3A_80 = tpu.vector_load %arg8[%parallel_loop3A_78, %parallel_loop3A_79] {strides = array<i32>} : memref<96x256xf32, #tpu.memory_space<vmem>>, vector<1x16xf32>,
      %parallel_loop3A_81 = vector.shape_cast %parallel_loop3A_80 : vector<1x16xf32> to vector<16xf32>
      %parallel_loop3A_82 = arith.index_cast %parallel_loop3A_21 : i32 to index
      %parallel_loop3A_83 = arith.constant 64 : index
      %parallel_loop3A_84 = tpu.vector_load %arg9[%parallel_loop3A_82, %parallel_loop3A_83] {strides = array<i32>} : memref<96x256xf32, #tpu.memory_space<vmem>>, vector<1x16xf32>,
      %parallel_loop3A_85 = vector.shape_cast %parallel_loop3A_84 : vector<1x16xf32> to vector<16xf32>
      %parallel_loop3A_86 = arith.addf %parallel_loop3A_81, %parallel_loop3A_85 : vector<16xf32>
      %parallel_loop3A_87 = arith.index_cast %parallel_loop3A_21 : i32 to index
      %parallel_loop3A_88 = arith.constant 64 : index
      %parallel_loop3A_89 = tpu.vector_load %arg8[%parallel_loop3A_87, %parallel_loop3A_88] {strides = array<i32>} : memref<96x256xf32, #tpu.memory_space<vmem>>, vector<1x16xf32>,
      %parallel_loop3A_90 = vector.shape_cast %parallel_loop3A_89 : vector<1x16xf32> to vector<16xf32>
      %parallel_loop3A_91 = vector.shape_cast %parallel_loop3A_86 : vector<16xf32> to vector<1x16xf32>
      tpu.vector_store %arg8[%parallel_loop3A_87, %parallel_loop3A_88], %parallel_loop3A_91 {strides = array<i32>} : memref<96x256xf32, #tpu.memory_space<vmem>>, vector<1x16xf32>,
      %parallel_loop3A_92 = arith.index_cast %parallel_loop3A_21 : i32 to index
      %parallel_loop3A_93 = arith.constant 80 : index
      %parallel_loop3A_94 = tpu.vector_load %arg8[%parallel_loop3A_92, %parallel_loop3A_93] {strides = array<i32>} : memref<96x256xf32, #tpu.memory_space<vmem>>, vector<1x16xf32>,
      %parallel_loop3A_95 = vector.shape_cast %parallel_loop3A_94 : vector<1x16xf32> to vector<16xf32>
      %parallel_loop3A_96 = arith.index_cast %parallel_loop3A_21 : i32 to index
      %parallel_loop3A_97 = arith.constant 80 : index
      %parallel_loop3A_98 = tpu.vector_load %arg9[%parallel_loop3A_96, %parallel_loop3A_97] {strides = array<i32>} : memref<96x256xf32, #tpu.memory_space<vmem>>, vector<1x16xf32>,
      %parallel_loop3A_99 = vector.shape_cast %parallel_loop3A_98 : vector<1x16xf32> to vector<16xf32>
      %parallel_loop3A_100 = arith.addf %parallel_loop3A_95, %parallel_loop3A_99 : vector<16xf32>
      %parallel_loop3A_101 = arith.index_cast %parallel_loop3A_21 : i32 to index
      %parallel_loop3A_102 = arith.constant 80 : index
      %parallel_loop3A_103 = tpu.vector_load %arg8[%parallel_loop3A_101, %parallel_loop3A_102] {strides = array<i32>} : memref<96x256xf32, #tpu.memory_space<vmem>>, vector<1x16xf32>,
      %parallel_loop3A_104 = vector.shape_cast %parallel_loop3A_103 : vector<1x16xf32> to vector<16xf32>
      %parallel_loop3A_105 = vector.shape_cast %parallel_loop3A_100 : vector<16xf32> to vector<1x16xf32>
      tpu.vector_store %arg8[%parallel_loop3A_101, %parallel_loop3A_102], %parallel_loop3A_105 {strides = array<i32>} : memref<96x256xf32, #tpu.memory_space<vmem>>, vector<1x16xf32>,
      %parallel_loop3A_106 = arith.index_cast %parallel_loop3A_21 : i32 to index
      %parallel_loop3A_107 = arith.constant 96 : index
      %parallel_loop3A_108 = tpu.vector_load %arg8[%parallel_loop3A_106, %parallel_loop3A_107] {strides = array<i32>} : memref<96x256xf32, #tpu.memory_space<vmem>>, vector<1x16xf32>,
      %parallel_loop3A_109 = vector.shape_cast %parallel_loop3A_108 : vector<1x16xf32> to vector<16xf32>
      %parallel_loop3A_110 = arith.index_cast %parallel_loop3A_21 : i32 to index
      %parallel_loop3A_111 = arith.constant 96 : index
      %parallel_loop3A_112 = tpu.vector_load %arg9[%parallel_loop3A_110, %parallel_loop3A_111] {strides = array<i32>} : memref<96x256xf32, #tpu.memory_space<vmem>>, vector<1x16xf32>,
      %parallel_loop3A_113 = vector.shape_cast %parallel_loop3A_112 : vector<1x16xf32> to vector<16xf32>
      %parallel_loop3A_114 = arith.addf %parallel_loop3A_109, %parallel_loop3A_113 : vector<16xf32>
      %parallel_loop3A_115 = arith.index_cast %parallel_loop3A_21 : i32 to index
      %parallel_loop3A_116 = arith.constant 96 : index
      %parallel_loop3A_117 = tpu.vector_load %arg8[%parallel_loop3A_115, %parallel_loop3A_116] {strides = array<i32>} : memref<96x256xf32, #tpu.memory_space<vmem>>, vector<1x16xf32>,
      %parallel_loop3A_118 = vector.shape_cast %parallel_loop3A_117 : vector<1x16xf32> to vector<16xf32>
      %parallel_loop3A_119 = vector.shape_cast %parallel_loop3A_114 : vector<16xf32> to vector<1x16xf32>
      tpu.vector_store %arg8[%parallel_loop3A_115, %parallel_loop3A_116], %parallel_loop3A_119 {strides = array<i32>} : memref<96x256xf32, #tpu.memory_space<vmem>>, vector<1x16xf32>,
      %parallel_loop3A_120 = arith.index_cast %parallel_loop3A_21 : i32 to index
      %parallel_loop3A_121 = arith.constant 112 : index
      %parallel_loop3A_122 = tpu.vector_load %arg8[%parallel_loop3A_120, %parallel_loop3A_121] {strides = array<i32>} : memref<96x256xf32, #tpu.memory_space<vmem>>, vector<1x16xf32>,
      %parallel_loop3A_123 = vector.shape_cast %parallel_loop3A_122 : vector<1x16xf32> to vector<16xf32>
      %parallel_loop3A_124 = arith.index_cast %parallel_loop3A_21 : i32 to index
      %parallel_loop3A_125 = arith.constant 112 : index
      %parallel_loop3A_126 = tpu.vector_load %arg9[%parallel_loop3A_124, %parallel_loop3A_125] {strides = array<i32>} : memref<96x256xf32, #tpu.memory_space<vmem>>, vector<1x16xf32>,
      %parallel_loop3A_127 = vector.shape_cast %parallel_loop3A_126 : vector<1x16xf32> to vector<16xf32>
      %parallel_loop3A_128 = arith.addf %parallel_loop3A_123, %parallel_loop3A_127 : vector<16xf32>
      %parallel_loop3A_129 = arith.index_cast %parallel_loop3A_21 : i32 to index
      %parallel_loop3A_130 = arith.constant 112 : index
      %parallel_loop3A_131 = tpu.vector_load %arg8[%parallel_loop3A_129, %parallel_loop3A_130] {strides = array<i32>} : memref<96x256xf32, #tpu.memory_space<vmem>>, vector<1x16xf32>,
      %parallel_loop3A_132 = vector.shape_cast %parallel_loop3A_131 : vector<1x16xf32> to vector<16xf32>
      %parallel_loop3A_133 = vector.shape_cast %parallel_loop3A_128 : vector<16xf32> to vector<1x16xf32>
      tpu.vector_store %arg8[%parallel_loop3A_129, %parallel_loop3A_130], %parallel_loop3A_133 {strides = array<i32>} : memref<96x256xf32, #tpu.memory_space<vmem>>, vector<1x16xf32>,
      %parallel_loop3A_134 = arith.index_cast %parallel_loop3A_21 : i32 to index
      %parallel_loop3A_135 = arith.constant 128 : index
      %parallel_loop3A_136 = tpu.vector_load %arg8[%parallel_loop3A_134, %parallel_loop3A_135] {strides = array<i32>} : memref<96x256xf32, #tpu.memory_space<vmem>>, vector<1x16xf32>,
      %parallel_loop3A_137 = vector.shape_cast %parallel_loop3A_136 : vector<1x16xf32> to vector<16xf32>
      %parallel_loop3A_138 = arith.index_cast %parallel_loop3A_21 : i32 to index
      %parallel_loop3A_139 = arith.constant 128 : index
      %parallel_loop3A_140 = tpu.vector_load %arg9[%parallel_loop3A_138, %parallel_loop3A_139] {strides = array<i32>} : memref<96x256xf32, #tpu.memory_space<vmem>>, vector<1x16xf32>,
      %parallel_loop3A_141 = vector.shape_cast %parallel_loop3A_140 : vector<1x16xf32> to vector<16xf32>
      %parallel_loop3A_142 = arith.addf %parallel_loop3A_137, %parallel_loop3A_141 : vector<16xf32>
      %parallel_loop3A_143 = arith.index_cast %parallel_loop3A_21 : i32 to index
      %parallel_loop3A_144 = arith.constant 128 : index
      %parallel_loop3A_145 = tpu.vector_load %arg8[%parallel_loop3A_143, %parallel_loop3A_144] {strides = array<i32>} : memref<96x256xf32, #tpu.memory_space<vmem>>, vector<1x16xf32>,
      %parallel_loop3A_146 = vector.shape_cast %parallel_loop3A_145 : vector<1x16xf32> to vector<16xf32>
      %parallel_loop3A_147 = vector.shape_cast %parallel_loop3A_142 : vector<16xf32> to vector<1x16xf32>
      tpu.vector_store %arg8[%parallel_loop3A_143, %parallel_loop3A_144], %parallel_loop3A_147 {strides = array<i32>} : memref<96x256xf32, #tpu.memory_space<vmem>>, vector<1x16xf32>,
      %parallel_loop3A_148 = arith.index_cast %parallel_loop3A_21 : i32 to index
      %parallel_loop3A_149 = arith.constant 144 : index
      %parallel_loop3A_150 = tpu.vector_load %arg8[%parallel_loop3A_148, %parallel_loop3A_149] {strides = array<i32>} : memref<96x256xf32, #tpu.memory_space<vmem>>, vector<1x16xf32>,
      %parallel_loop3A_151 = vector.shape_cast %parallel_loop3A_150 : vector<1x16xf32> to vector<16xf32>
      %parallel_loop3A_152 = arith.index_cast %parallel_loop3A_21 : i32 to index
      %parallel_loop3A_153 = arith.constant 144 : index
      %parallel_loop3A_154 = tpu.vector_load %arg9[%parallel_loop3A_152, %parallel_loop3A_153] {strides = array<i32>} : memref<96x256xf32, #tpu.memory_space<vmem>>, vector<1x16xf32>,
      %parallel_loop3A_155 = vector.shape_cast %parallel_loop3A_154 : vector<1x16xf32> to vector<16xf32>
      %parallel_loop3A_156 = arith.addf %parallel_loop3A_151, %parallel_loop3A_155 : vector<16xf32>
      %parallel_loop3A_157 = arith.index_cast %parallel_loop3A_21 : i32 to index
      %parallel_loop3A_158 = arith.constant 144 : index
      %parallel_loop3A_159 = tpu.vector_load %arg8[%parallel_loop3A_157, %parallel_loop3A_158] {strides = array<i32>} : memref<96x256xf32, #tpu.memory_space<vmem>>, vector<1x16xf32>,
      %parallel_loop3A_160 = vector.shape_cast %parallel_loop3A_159 : vector<1x16xf32> to vector<16xf32>
      %parallel_loop3A_161 = vector.shape_cast %parallel_loop3A_156 : vector<16xf32> to vector<1x16xf32>
      tpu.vector_store %arg8[%parallel_loop3A_157, %parallel_loop3A_158], %parallel_loop3A_161 {strides = array<i32>} : memref<96x256xf32, #tpu.memory_space<vmem>>, vector<1x16xf32>,
      %parallel_loop3A_162 = arith.index_cast %parallel_loop3A_21 : i32 to index
      %parallel_loop3A_163 = arith.constant 160 : index
      %parallel_loop3A_164 = tpu.vector_load %arg8[%parallel_loop3A_162, %parallel_loop3A_163] {strides = array<i32>} : memref<96x256xf32, #tpu.memory_space<vmem>>, vector<1x16xf32>,
      %parallel_loop3A_165 = vector.shape_cast %parallel_loop3A_164 : vector<1x16xf32> to vector<16xf32>
      %parallel_loop3A_166 = arith.index_cast %parallel_loop3A_21 : i32 to index
      %parallel_loop3A_167 = arith.constant 160 : index
      %parallel_loop3A_168 = tpu.vector_load %arg9[%parallel_loop3A_166, %parallel_loop3A_167] {strides = array<i32>} : memref<96x256xf32, #tpu.memory_space<vmem>>, vector<1x16xf32>,
      %parallel_loop3A_169 = vector.shape_cast %parallel_loop3A_168 : vector<1x16xf32> to vector<16xf32>
      %parallel_loop3A_170 = arith.addf %parallel_loop3A_165, %parallel_loop3A_169 : vector<16xf32>
      %parallel_loop3A_171 = arith.index_cast %parallel_loop3A_21 : i32 to index
      %parallel_loop3A_172 = arith.constant 160 : index
      %parallel_loop3A_173 = tpu.vector_load %arg8[%parallel_loop3A_171, %parallel_loop3A_172] {strides = array<i32>} : memref<96x256xf32, #tpu.memory_space<vmem>>, vector<1x16xf32>,
      %parallel_loop3A_174 = vector.shape_cast %parallel_loop3A_173 : vector<1x16xf32> to vector<16xf32>
      %parallel_loop3A_175 = vector.shape_cast %parallel_loop3A_170 : vector<16xf32> to vector<1x16xf32>
      tpu.vector_store %arg8[%parallel_loop3A_171, %parallel_loop3A_172], %parallel_loop3A_175 {strides = array<i32>} : memref<96x256xf32, #tpu.memory_space<vmem>>, vector<1x16xf32>,
      %parallel_loop3A_176 = arith.index_cast %parallel_loop3A_21 : i32 to index
      %parallel_loop3A_177 = arith.constant 176 : index
      %parallel_loop3A_178 = tpu.vector_load %arg8[%parallel_loop3A_176, %parallel_loop3A_177] {strides = array<i32>} : memref<96x256xf32, #tpu.memory_space<vmem>>, vector<1x16xf32>,
      %parallel_loop3A_179 = vector.shape_cast %parallel_loop3A_178 : vector<1x16xf32> to vector<16xf32>
      %parallel_loop3A_180 = arith.index_cast %parallel_loop3A_21 : i32 to index
      %parallel_loop3A_181 = arith.constant 176 : index
      %parallel_loop3A_182 = tpu.vector_load %arg9[%parallel_loop3A_180, %parallel_loop3A_181] {strides = array<i32>} : memref<96x256xf32, #tpu.memory_space<vmem>>, vector<1x16xf32>,
      %parallel_loop3A_183 = vector.shape_cast %parallel_loop3A_182 : vector<1x16xf32> to vector<16xf32>
      %parallel_loop3A_184 = arith.addf %parallel_loop3A_179, %parallel_loop3A_183 : vector<16xf32>
      %parallel_loop3A_185 = arith.index_cast %parallel_loop3A_21 : i32 to index
      %parallel_loop3A_186 = arith.constant 176 : index
      %parallel_loop3A_187 = tpu.vector_load %arg8[%parallel_loop3A_185, %parallel_loop3A_186] {strides = array<i32>} : memref<96x256xf32, #tpu.memory_space<vmem>>, vector<1x16xf32>,
      %parallel_loop3A_188 = vector.shape_cast %parallel_loop3A_187 : vector<1x16xf32> to vector<16xf32>
      %parallel_loop3A_189 = vector.shape_cast %parallel_loop3A_184 : vector<16xf32> to vector<1x16xf32>
      tpu.vector_store %arg8[%parallel_loop3A_185, %parallel_loop3A_186], %parallel_loop3A_189 {strides = array<i32>} : memref<96x256xf32, #tpu.memory_space<vmem>>, vector<1x16xf32>,
      %parallel_loop3A_190 = arith.index_cast %parallel_loop3A_21 : i32 to index
      %parallel_loop3A_191 = arith.constant 192 : index
      %parallel_loop3A_192 = tpu.vector_load %arg8[%parallel_loop3A_190, %parallel_loop3A_191] {strides = array<i32>} : memref<96x256xf32, #tpu.memory_space<vmem>>, vector<1x16xf32>,
      %parallel_loop3A_193 = vector.shape_cast %parallel_loop3A_192 : vector<1x16xf32> to vector<16xf32>
      %parallel_loop3A_194 = arith.index_cast %parallel_loop3A_21 : i32 to index
      %parallel_loop3A_195 = arith.constant 192 : index
      %parallel_loop3A_196 = tpu.vector_load %arg9[%parallel_loop3A_194, %parallel_loop3A_195] {strides = array<i32>} : memref<96x256xf32, #tpu.memory_space<vmem>>, vector<1x16xf32>,
      %parallel_loop3A_197 = vector.shape_cast %parallel_loop3A_196 : vector<1x16xf32> to vector<16xf32>
      %parallel_loop3A_198 = arith.addf %parallel_loop3A_193, %parallel_loop3A_197 : vector<16xf32>
      %parallel_loop3A_199 = arith.index_cast %parallel_loop3A_21 : i32 to index
      %parallel_loop3A_200 = arith.constant 192 : index
      %parallel_loop3A_201 = tpu.vector_load %arg8[%parallel_loop3A_199, %parallel_loop3A_200] {strides = array<i32>} : memref<96x256xf32, #tpu.memory_space<vmem>>, vector<1x16xf32>,
      %parallel_loop3A_202 = vector.shape_cast %parallel_loop3A_201 : vector<1x16xf32> to vector<16xf32>
      %parallel_loop3A_203 = vector.shape_cast %parallel_loop3A_198 : vector<16xf32> to vector<1x16xf32>
      tpu.vector_store %arg8[%parallel_loop3A_199, %parallel_loop3A_200], %parallel_loop3A_203 {strides = array<i32>} : memref<96x256xf32, #tpu.memory_space<vmem>>, vector<1x16xf32>,
      %parallel_loop3A_204 = arith.index_cast %parallel_loop3A_21 : i32 to index
      %parallel_loop3A_205 = arith.constant 208 : index
      %parallel_loop3A_206 = tpu.vector_load %arg8[%parallel_loop3A_204, %parallel_loop3A_205] {strides = array<i32>} : memref<96x256xf32, #tpu.memory_space<vmem>>, vector<1x16xf32>,
      %parallel_loop3A_207 = vector.shape_cast %parallel_loop3A_206 : vector<1x16xf32> to vector<16xf32>
      %parallel_loop3A_208 = arith.index_cast %parallel_loop3A_21 : i32 to index
      %parallel_loop3A_209 = arith.constant 208 : index
      %parallel_loop3A_210 = tpu.vector_load %arg9[%parallel_loop3A_208, %parallel_loop3A_209] {strides = array<i32>} : memref<96x256xf32, #tpu.memory_space<vmem>>, vector<1x16xf32>,
      %parallel_loop3A_211 = vector.shape_cast %parallel_loop3A_210 : vector<1x16xf32> to vector<16xf32>
      %parallel_loop3A_212 = arith.addf %parallel_loop3A_207, %parallel_loop3A_211 : vector<16xf32>
      %parallel_loop3A_213 = arith.index_cast %parallel_loop3A_21 : i32 to index
      %parallel_loop3A_214 = arith.constant 208 : index
      %parallel_loop3A_215 = tpu.vector_load %arg8[%parallel_loop3A_213, %parallel_loop3A_214] {strides = array<i32>} : memref<96x256xf32, #tpu.memory_space<vmem>>, vector<1x16xf32>,
      %parallel_loop3A_216 = vector.shape_cast %parallel_loop3A_215 : vector<1x16xf32> to vector<16xf32>
      %parallel_loop3A_217 = vector.shape_cast %parallel_loop3A_212 : vector<16xf32> to vector<1x16xf32>
      tpu.vector_store %arg8[%parallel_loop3A_213, %parallel_loop3A_214], %parallel_loop3A_217 {strides = array<i32>} : memref<96x256xf32, #tpu.memory_space<vmem>>, vector<1x16xf32>,
      %parallel_loop3A_218 = arith.index_cast %parallel_loop3A_21 : i32 to index
      %parallel_loop3A_219 = arith.constant 224 : index
      %parallel_loop3A_220 = tpu.vector_load %arg8[%parallel_loop3A_218, %parallel_loop3A_219] {strides = array<i32>} : memref<96x256xf32, #tpu.memory_space<vmem>>, vector<1x16xf32>,
      %parallel_loop3A_221 = vector.shape_cast %parallel_loop3A_220 : vector<1x16xf32> to vector<16xf32>
      %parallel_loop3A_222 = arith.index_cast %parallel_loop3A_21 : i32 to index
      %parallel_loop3A_223 = arith.constant 224 : index
      %parallel_loop3A_224 = tpu.vector_load %arg9[%parallel_loop3A_222, %parallel_loop3A_223] {strides = array<i32>} : memref<96x256xf32, #tpu.memory_space<vmem>>, vector<1x16xf32>,
      %parallel_loop3A_225 = vector.shape_cast %parallel_loop3A_224 : vector<1x16xf32> to vector<16xf32>
      %parallel_loop3A_226 = arith.addf %parallel_loop3A_221, %parallel_loop3A_225 : vector<16xf32>
      %parallel_loop3A_227 = arith.index_cast %parallel_loop3A_21 : i32 to index
      %parallel_loop3A_228 = arith.constant 224 : index
      %parallel_loop3A_229 = tpu.vector_load %arg8[%parallel_loop3A_227, %parallel_loop3A_228] {strides = array<i32>} : memref<96x256xf32, #tpu.memory_space<vmem>>, vector<1x16xf32>,
      %parallel_loop3A_230 = vector.shape_cast %parallel_loop3A_229 : vector<1x16xf32> to vector<16xf32>
      %parallel_loop3A_231 = vector.shape_cast %parallel_loop3A_226 : vector<16xf32> to vector<1x16xf32>
      tpu.vector_store %arg8[%parallel_loop3A_227, %parallel_loop3A_228], %parallel_loop3A_231 {strides = array<i32>} : memref<96x256xf32, #tpu.memory_space<vmem>>, vector<1x16xf32>,
      %parallel_loop3A_232 = arith.index_cast %parallel_loop3A_21 : i32 to index
      %parallel_loop3A_233 = arith.constant 240 : index
      %parallel_loop3A_234 = tpu.vector_load %arg8[%parallel_loop3A_232, %parallel_loop3A_233] {strides = array<i32>} : memref<96x256xf32, #tpu.memory_space<vmem>>, vector<1x16xf32>,
      %parallel_loop3A_235 = vector.shape_cast %parallel_loop3A_234 : vector<1x16xf32> to vector<16xf32>
      %parallel_loop3A_236 = arith.index_cast %parallel_loop3A_21 : i32 to index
      %parallel_loop3A_237 = arith.constant 240 : index
      %parallel_loop3A_238 = tpu.vector_load %arg9[%parallel_loop3A_236, %parallel_loop3A_237] {strides = array<i32>} : memref<96x256xf32, #tpu.memory_space<vmem>>, vector<1x16xf32>,
      %parallel_loop3A_239 = vector.shape_cast %parallel_loop3A_238 : vector<1x16xf32> to vector<16xf32>
      %parallel_loop3A_240 = arith.addf %parallel_loop3A_235, %parallel_loop3A_239 : vector<16xf32>
      %parallel_loop3A_241 = arith.index_cast %parallel_loop3A_21 : i32 to index
      %parallel_loop3A_242 = arith.constant 240 : index
      %parallel_loop3A_243 = tpu.vector_load %arg8[%parallel_loop3A_241, %parallel_loop3A_242] {strides = array<i32>} : memref<96x256xf32, #tpu.memory_space<vmem>>, vector<1x16xf32>,
      %parallel_loop3A_244 = vector.shape_cast %parallel_loop3A_243 : vector<1x16xf32> to vector<16xf32>
      %parallel_loop3A_245 = vector.shape_cast %parallel_loop3A_240 : vector<16xf32> to vector<1x16xf32>
      tpu.vector_store %arg8[%parallel_loop3A_241, %parallel_loop3A_242], %parallel_loop3A_245 {strides = array<i32>} : memref<96x256xf32, #tpu.memory_space<vmem>>, vector<1x16xf32>,
    } {sc.loop_unroll_factor = 4 : i64, sc.parallel_access}
    %add3A_19 = arith.constant 6144 : i32
    %add3A_20 = arith.addi %add3A_19, %mul3A_2 : i32
    "tpu.region"() ({
      %run_scoped3A = tpu.sem_alloc : memref<!tpu.dma_semaphore, #tpu.memory_space<semaphore_mem>>
      %dma_start3A_21 = arith.constant 0 : i32
      %dma_start3A_22 = tpu.memref_slice %arg5[%add3A_20, %dma_start3A_21] : memref<9216x256xf32, #tpu.memory_space<hbm>> -> memref<96x256xf32, #tpu.memory_space<hbm>>
      %dma_start3A_23 = arith.constant 0 : i32
      %dma_start3A_24 = tpu.memref_slice %arg5[%add3A_20, %dma_start3A_23] : memref<9216x256xf32, #tpu.memory_space<hbm>> -> memref<96x256xf32, #tpu.memory_space<hbm>>
      tpu.enqueue_dma source(%arg8 : memref<96x256xf32, #tpu.memory_space<vmem>>) target(%dma_start3A_24 : memref<96x256xf32, #tpu.memory_space<hbm>>) target_semaphore(%run_scoped3A : memref<!tpu.dma_semaphore, #tpu.memory_space<semaphore_mem>>)
      %dma_wait3A_25 = arith.constant 0 : i32
      %dma_wait3A_26 = tpu.memref_slice %arg5[%add3A_20, %dma_wait3A_25] : memref<9216x256xf32, #tpu.memory_space<hbm>> -> memref<96x256xf32, #tpu.memory_space<hbm>>
      %dma_wait3A_27 = arith.constant 0 : i32
      %dma_wait3A_28 = tpu.memref_slice %arg5[%add3A_20, %dma_wait3A_27] : memref<9216x256xf32, #tpu.memory_space<hbm>> -> memref<96x256xf32, #tpu.memory_space<hbm>>
      tpu.wait_dma2 semaphore(%run_scoped3A : memref<!tpu.dma_semaphore, #tpu.memory_space<semaphore_mem>>) src(%arg8 : memref<96x256xf32, #tpu.memory_space<vmem>>) dst(%dma_wait3A_28 : memref<96x256xf32, #tpu.memory_space<hbm>>)
      tpu.yield
    }) : () -> ()
    return
  }
}

#map = affine_map<(d0, d1) -> (0, 0)>
#map1 = affine_map<(d0, d1) -> (0)>
module attributes {stable_mosaic.version = 14 : i64} {
  func.func @new_body(%arg0: i32, %arg1: i32, %arg2: memref<9216x256xf32, #tpu.memory_space<hbm>>, %arg3: memref<2048xi32, #tpu.memory_space<hbm>>, %arg4: memref<1024x256xf32, #tpu.memory_space<hbm>>, %arg5: memref<9216x256xf32, #tpu.memory_space<hbm>>, %arg6: memref<9216x256xf32, #tpu.memory_space<hbm>>, %arg7: memref<64xi32, #tpu.memory_space<vmem>>, %arg8: memref<64x256xf32, #tpu.memory_space<vmem>>, %arg9: memref<64x256xf32, #tpu.memory_space<vmem>>, %arg10: memref<!tpu.dma_semaphore, #tpu.memory_space<semaphore_mem>>, %arg11: memref<!tpu.dma_semaphore, #tpu.memory_space<semaphore_mem>>) attributes {dimension_semantics = [#tpu.dimension_semantics<core_parallel>, #tpu.dimension_semantics<subcore_parallel>], iteration_bounds = array<i64: 2, 16>, scalar_prefetch = 0 : i64, scratch_operands = 5 : i64, tpu.core_type = #tpu.core_type<sc_vector_subcore>, window_params = [{transform_indices = #map}, {transform_indices = #map1}, {transform_indices = #map}, {transform_indices = #map}, {transform_indices = #map}]} {
    %mul3A = arith.constant 2 : i32
    %mul3A_0 = arith.muli %arg1, %mul3A : i32
    %add3A = arith.addi %mul3A_0, %arg0 : i32
    %mul3A_1 = arith.constant 64 : i32
    %mul3A_2 = arith.muli %add3A, %mul3A_1 : i32
    %add3A_3 = arith.constant 0 : i32
    %add3A_4 = arith.addi %add3A_3, %mul3A_2 : i32
    %dma_start3A = arith.constant 0 : i32
    %dma_start3A_5 = tpu.memref_slice %arg2[%add3A_4, %dma_start3A] : memref<9216x256xf32, #tpu.memory_space<hbm>> -> memref<64x256xf32, #tpu.memory_space<hbm>>
    %dma_start3A_6 = arith.constant 0 : i32
    %dma_start3A_7 = tpu.memref_slice %arg2[%add3A_4, %dma_start3A_6] : memref<9216x256xf32, #tpu.memory_space<hbm>> -> memref<64x256xf32, #tpu.memory_space<hbm>>
    tpu.enqueue_dma source(%dma_start3A_7 : memref<64x256xf32, #tpu.memory_space<hbm>>) target(%arg9 : memref<64x256xf32, #tpu.memory_space<vmem>>) target_semaphore(%arg11 : memref<!tpu.dma_semaphore, #tpu.memory_space<semaphore_mem>>)
    "tpu.region"() ({
      %run_scoped3A = tpu.sem_alloc : memref<!tpu.dma_semaphore, #tpu.memory_space<semaphore_mem>>
      %dma_start3A_21 = tpu.memref_slice %arg3[%mul3A_2] : memref<2048xi32, #tpu.memory_space<hbm>> -> memref<64xi32, #tpu.memory_space<hbm>>
      %dma_start3A_22 = tpu.memref_slice %arg3[%mul3A_2] : memref<2048xi32, #tpu.memory_space<hbm>> -> memref<64xi32, #tpu.memory_space<hbm>>
      tpu.enqueue_dma source(%dma_start3A_22 : memref<64xi32, #tpu.memory_space<hbm>>) target(%arg7 : memref<64xi32, #tpu.memory_space<vmem>>) target_semaphore(%run_scoped3A : memref<!tpu.dma_semaphore, #tpu.memory_space<semaphore_mem>>)
      %dma_wait3A_23 = tpu.memref_slice %arg3[%mul3A_2] : memref<2048xi32, #tpu.memory_space<hbm>> -> memref<64xi32, #tpu.memory_space<hbm>>
      %dma_wait3A_24 = tpu.memref_slice %arg3[%mul3A_2] : memref<2048xi32, #tpu.memory_space<hbm>> -> memref<64xi32, #tpu.memory_space<hbm>>
      tpu.wait_dma2 semaphore(%run_scoped3A : memref<!tpu.dma_semaphore, #tpu.memory_space<semaphore_mem>>) src(%dma_wait3A_24 : memref<64xi32, #tpu.memory_space<hbm>>) dst(%arg7 : memref<64xi32, #tpu.memory_space<vmem>>)
      tpu.yield
    }) : () -> ()
    %dma_start3A_8 = arith.constant 0 : i32
    %dma_start3A_9 = arith.constant 0 : i32
    %dma_start3A_10 = tpu.memref_slice %arg4[%dma_start3A_8, %dma_start3A_9] : memref<1024x256xf32, #tpu.memory_space<hbm>> -> memref<1024x256xf32, #tpu.memory_space<hbm>>
    tpu.enqueue_indirect_dma source(%dma_start3A_10 : memref<1024x256xf32, #tpu.memory_space<hbm>>) target(%arg8 : memref<64x256xf32, #tpu.memory_space<vmem>>) offsets(%arg7 : memref<64xi32, #tpu.memory_space<vmem>>) semaphore(%arg10 : memref<!tpu.dma_semaphore, #tpu.memory_space<semaphore_mem>>)
    %dma_wait3A = arith.constant 0 : i32
    %dma_wait3A_11 = tpu.memref_slice %arg2[%add3A_4, %dma_wait3A] : memref<9216x256xf32, #tpu.memory_space<hbm>> -> memref<64x256xf32, #tpu.memory_space<hbm>>
    %dma_wait3A_12 = arith.constant 0 : i32
    %dma_wait3A_13 = tpu.memref_slice %arg2[%add3A_4, %dma_wait3A_12] : memref<9216x256xf32, #tpu.memory_space<hbm>> -> memref<64x256xf32, #tpu.memory_space<hbm>>
    tpu.wait_dma2 semaphore(%arg11 : memref<!tpu.dma_semaphore, #tpu.memory_space<semaphore_mem>>) src(%dma_wait3A_13 : memref<64x256xf32, #tpu.memory_space<hbm>>) dst(%arg9 : memref<64x256xf32, #tpu.memory_space<vmem>>)
    %dma_wait3A_14 = arith.constant 0 : i32
    %dma_wait3A_15 = arith.constant 0 : i32
    %dma_wait3A_16 = tpu.memref_slice %arg4[%dma_wait3A_14, %dma_wait3A_15] : memref<1024x256xf32, #tpu.memory_space<hbm>> -> memref<1024x256xf32, #tpu.memory_space<hbm>>
    tpu.wait_indirect_dma semaphore(%arg10 : memref<!tpu.dma_semaphore, #tpu.memory_space<semaphore_mem>>) src(%dma_wait3A_16 : memref<1024x256xf32, #tpu.memory_space<hbm>>) dst(%arg8 : memref<64x256xf32, #tpu.memory_space<vmem>>)
    %parallel_loop3A = arith.constant 0 : i32
    %parallel_loop3A_17 = arith.constant 64 : i32
    %parallel_loop3A_18 = arith.constant 1 : i32
    scf.for %parallel_loop3A_21 = %parallel_loop3A to %parallel_loop3A_17 step %parallel_loop3A_18  : i32 {
      %parallel_loop3A_22 = arith.index_cast %parallel_loop3A_21 : i32 to index
      %parallel_loop3A_23 = arith.constant 0 : index
      %parallel_loop3A_24 = tpu.vector_load %arg8[%parallel_loop3A_22, %parallel_loop3A_23] {strides = array<i32>} : memref<64x256xf32, #tpu.memory_space<vmem>>, vector<1x16xf32>,
      %parallel_loop3A_25 = vector.shape_cast %parallel_loop3A_24 : vector<1x16xf32> to vector<16xf32>
      %parallel_loop3A_26 = arith.index_cast %parallel_loop3A_21 : i32 to index
      %parallel_loop3A_27 = arith.constant 0 : index
      %parallel_loop3A_28 = tpu.vector_load %arg9[%parallel_loop3A_26, %parallel_loop3A_27] {strides = array<i32>} : memref<64x256xf32, #tpu.memory_space<vmem>>, vector<1x16xf32>,
      %parallel_loop3A_29 = vector.shape_cast %parallel_loop3A_28 : vector<1x16xf32> to vector<16xf32>
      %parallel_loop3A_30 = arith.addf %parallel_loop3A_25, %parallel_loop3A_29 : vector<16xf32>
      %parallel_loop3A_31 = arith.index_cast %parallel_loop3A_21 : i32 to index
      %parallel_loop3A_32 = arith.constant 0 : index
      %parallel_loop3A_33 = tpu.vector_load %arg8[%parallel_loop3A_31, %parallel_loop3A_32] {strides = array<i32>} : memref<64x256xf32, #tpu.memory_space<vmem>>, vector<1x16xf32>,
      %parallel_loop3A_34 = vector.shape_cast %parallel_loop3A_33 : vector<1x16xf32> to vector<16xf32>
      %parallel_loop3A_35 = vector.shape_cast %parallel_loop3A_30 : vector<16xf32> to vector<1x16xf32>
      tpu.vector_store %arg8[%parallel_loop3A_31, %parallel_loop3A_32], %parallel_loop3A_35 {strides = array<i32>} : memref<64x256xf32, #tpu.memory_space<vmem>>, vector<1x16xf32>,
      %parallel_loop3A_36 = arith.index_cast %parallel_loop3A_21 : i32 to index
      %parallel_loop3A_37 = arith.constant 16 : index
      %parallel_loop3A_38 = tpu.vector_load %arg8[%parallel_loop3A_36, %parallel_loop3A_37] {strides = array<i32>} : memref<64x256xf32, #tpu.memory_space<vmem>>, vector<1x16xf32>,
      %parallel_loop3A_39 = vector.shape_cast %parallel_loop3A_38 : vector<1x16xf32> to vector<16xf32>
      %parallel_loop3A_40 = arith.index_cast %parallel_loop3A_21 : i32 to index
      %parallel_loop3A_41 = arith.constant 16 : index
      %parallel_loop3A_42 = tpu.vector_load %arg9[%parallel_loop3A_40, %parallel_loop3A_41] {strides = array<i32>} : memref<64x256xf32, #tpu.memory_space<vmem>>, vector<1x16xf32>,
      %parallel_loop3A_43 = vector.shape_cast %parallel_loop3A_42 : vector<1x16xf32> to vector<16xf32>
      %parallel_loop3A_44 = arith.addf %parallel_loop3A_39, %parallel_loop3A_43 : vector<16xf32>
      %parallel_loop3A_45 = arith.index_cast %parallel_loop3A_21 : i32 to index
      %parallel_loop3A_46 = arith.constant 16 : index
      %parallel_loop3A_47 = tpu.vector_load %arg8[%parallel_loop3A_45, %parallel_loop3A_46] {strides = array<i32>} : memref<64x256xf32, #tpu.memory_space<vmem>>, vector<1x16xf32>,
      %parallel_loop3A_48 = vector.shape_cast %parallel_loop3A_47 : vector<1x16xf32> to vector<16xf32>
      %parallel_loop3A_49 = vector.shape_cast %parallel_loop3A_44 : vector<16xf32> to vector<1x16xf32>
      tpu.vector_store %arg8[%parallel_loop3A_45, %parallel_loop3A_46], %parallel_loop3A_49 {strides = array<i32>} : memref<64x256xf32, #tpu.memory_space<vmem>>, vector<1x16xf32>,
      %parallel_loop3A_50 = arith.index_cast %parallel_loop3A_21 : i32 to index
      %parallel_loop3A_51 = arith.constant 32 : index
      %parallel_loop3A_52 = tpu.vector_load %arg8[%parallel_loop3A_50, %parallel_loop3A_51] {strides = array<i32>} : memref<64x256xf32, #tpu.memory_space<vmem>>, vector<1x16xf32>,
      %parallel_loop3A_53 = vector.shape_cast %parallel_loop3A_52 : vector<1x16xf32> to vector<16xf32>
      %parallel_loop3A_54 = arith.index_cast %parallel_loop3A_21 : i32 to index
      %parallel_loop3A_55 = arith.constant 32 : index
      %parallel_loop3A_56 = tpu.vector_load %arg9[%parallel_loop3A_54, %parallel_loop3A_55] {strides = array<i32>} : memref<64x256xf32, #tpu.memory_space<vmem>>, vector<1x16xf32>,
      %parallel_loop3A_57 = vector.shape_cast %parallel_loop3A_56 : vector<1x16xf32> to vector<16xf32>
      %parallel_loop3A_58 = arith.addf %parallel_loop3A_53, %parallel_loop3A_57 : vector<16xf32>
      %parallel_loop3A_59 = arith.index_cast %parallel_loop3A_21 : i32 to index
      %parallel_loop3A_60 = arith.constant 32 : index
      %parallel_loop3A_61 = tpu.vector_load %arg8[%parallel_loop3A_59, %parallel_loop3A_60] {strides = array<i32>} : memref<64x256xf32, #tpu.memory_space<vmem>>, vector<1x16xf32>,
      %parallel_loop3A_62 = vector.shape_cast %parallel_loop3A_61 : vector<1x16xf32> to vector<16xf32>
      %parallel_loop3A_63 = vector.shape_cast %parallel_loop3A_58 : vector<16xf32> to vector<1x16xf32>
      tpu.vector_store %arg8[%parallel_loop3A_59, %parallel_loop3A_60], %parallel_loop3A_63 {strides = array<i32>} : memref<64x256xf32, #tpu.memory_space<vmem>>, vector<1x16xf32>,
      %parallel_loop3A_64 = arith.index_cast %parallel_loop3A_21 : i32 to index
      %parallel_loop3A_65 = arith.constant 48 : index
      %parallel_loop3A_66 = tpu.vector_load %arg8[%parallel_loop3A_64, %parallel_loop3A_65] {strides = array<i32>} : memref<64x256xf32, #tpu.memory_space<vmem>>, vector<1x16xf32>,
      %parallel_loop3A_67 = vector.shape_cast %parallel_loop3A_66 : vector<1x16xf32> to vector<16xf32>
      %parallel_loop3A_68 = arith.index_cast %parallel_loop3A_21 : i32 to index
      %parallel_loop3A_69 = arith.constant 48 : index
      %parallel_loop3A_70 = tpu.vector_load %arg9[%parallel_loop3A_68, %parallel_loop3A_69] {strides = array<i32>} : memref<64x256xf32, #tpu.memory_space<vmem>>, vector<1x16xf32>,
      %parallel_loop3A_71 = vector.shape_cast %parallel_loop3A_70 : vector<1x16xf32> to vector<16xf32>
      %parallel_loop3A_72 = arith.addf %parallel_loop3A_67, %parallel_loop3A_71 : vector<16xf32>
      %parallel_loop3A_73 = arith.index_cast %parallel_loop3A_21 : i32 to index
      %parallel_loop3A_74 = arith.constant 48 : index
      %parallel_loop3A_75 = tpu.vector_load %arg8[%parallel_loop3A_73, %parallel_loop3A_74] {strides = array<i32>} : memref<64x256xf32, #tpu.memory_space<vmem>>, vector<1x16xf32>,
      %parallel_loop3A_76 = vector.shape_cast %parallel_loop3A_75 : vector<1x16xf32> to vector<16xf32>
      %parallel_loop3A_77 = vector.shape_cast %parallel_loop3A_72 : vector<16xf32> to vector<1x16xf32>
      tpu.vector_store %arg8[%parallel_loop3A_73, %parallel_loop3A_74], %parallel_loop3A_77 {strides = array<i32>} : memref<64x256xf32, #tpu.memory_space<vmem>>, vector<1x16xf32>,
      %parallel_loop3A_78 = arith.index_cast %parallel_loop3A_21 : i32 to index
      %parallel_loop3A_79 = arith.constant 64 : index
      %parallel_loop3A_80 = tpu.vector_load %arg8[%parallel_loop3A_78, %parallel_loop3A_79] {strides = array<i32>} : memref<64x256xf32, #tpu.memory_space<vmem>>, vector<1x16xf32>,
      %parallel_loop3A_81 = vector.shape_cast %parallel_loop3A_80 : vector<1x16xf32> to vector<16xf32>
      %parallel_loop3A_82 = arith.index_cast %parallel_loop3A_21 : i32 to index
      %parallel_loop3A_83 = arith.constant 64 : index
      %parallel_loop3A_84 = tpu.vector_load %arg9[%parallel_loop3A_82, %parallel_loop3A_83] {strides = array<i32>} : memref<64x256xf32, #tpu.memory_space<vmem>>, vector<1x16xf32>,
      %parallel_loop3A_85 = vector.shape_cast %parallel_loop3A_84 : vector<1x16xf32> to vector<16xf32>
      %parallel_loop3A_86 = arith.addf %parallel_loop3A_81, %parallel_loop3A_85 : vector<16xf32>
      %parallel_loop3A_87 = arith.index_cast %parallel_loop3A_21 : i32 to index
      %parallel_loop3A_88 = arith.constant 64 : index
      %parallel_loop3A_89 = tpu.vector_load %arg8[%parallel_loop3A_87, %parallel_loop3A_88] {strides = array<i32>} : memref<64x256xf32, #tpu.memory_space<vmem>>, vector<1x16xf32>,
      %parallel_loop3A_90 = vector.shape_cast %parallel_loop3A_89 : vector<1x16xf32> to vector<16xf32>
      %parallel_loop3A_91 = vector.shape_cast %parallel_loop3A_86 : vector<16xf32> to vector<1x16xf32>
      tpu.vector_store %arg8[%parallel_loop3A_87, %parallel_loop3A_88], %parallel_loop3A_91 {strides = array<i32>} : memref<64x256xf32, #tpu.memory_space<vmem>>, vector<1x16xf32>,
      %parallel_loop3A_92 = arith.index_cast %parallel_loop3A_21 : i32 to index
      %parallel_loop3A_93 = arith.constant 80 : index
      %parallel_loop3A_94 = tpu.vector_load %arg8[%parallel_loop3A_92, %parallel_loop3A_93] {strides = array<i32>} : memref<64x256xf32, #tpu.memory_space<vmem>>, vector<1x16xf32>,
      %parallel_loop3A_95 = vector.shape_cast %parallel_loop3A_94 : vector<1x16xf32> to vector<16xf32>
      %parallel_loop3A_96 = arith.index_cast %parallel_loop3A_21 : i32 to index
      %parallel_loop3A_97 = arith.constant 80 : index
      %parallel_loop3A_98 = tpu.vector_load %arg9[%parallel_loop3A_96, %parallel_loop3A_97] {strides = array<i32>} : memref<64x256xf32, #tpu.memory_space<vmem>>, vector<1x16xf32>,
      %parallel_loop3A_99 = vector.shape_cast %parallel_loop3A_98 : vector<1x16xf32> to vector<16xf32>
      %parallel_loop3A_100 = arith.addf %parallel_loop3A_95, %parallel_loop3A_99 : vector<16xf32>
      %parallel_loop3A_101 = arith.index_cast %parallel_loop3A_21 : i32 to index
      %parallel_loop3A_102 = arith.constant 80 : index
      %parallel_loop3A_103 = tpu.vector_load %arg8[%parallel_loop3A_101, %parallel_loop3A_102] {strides = array<i32>} : memref<64x256xf32, #tpu.memory_space<vmem>>, vector<1x16xf32>,
      %parallel_loop3A_104 = vector.shape_cast %parallel_loop3A_103 : vector<1x16xf32> to vector<16xf32>
      %parallel_loop3A_105 = vector.shape_cast %parallel_loop3A_100 : vector<16xf32> to vector<1x16xf32>
      tpu.vector_store %arg8[%parallel_loop3A_101, %parallel_loop3A_102], %parallel_loop3A_105 {strides = array<i32>} : memref<64x256xf32, #tpu.memory_space<vmem>>, vector<1x16xf32>,
      %parallel_loop3A_106 = arith.index_cast %parallel_loop3A_21 : i32 to index
      %parallel_loop3A_107 = arith.constant 96 : index
      %parallel_loop3A_108 = tpu.vector_load %arg8[%parallel_loop3A_106, %parallel_loop3A_107] {strides = array<i32>} : memref<64x256xf32, #tpu.memory_space<vmem>>, vector<1x16xf32>,
      %parallel_loop3A_109 = vector.shape_cast %parallel_loop3A_108 : vector<1x16xf32> to vector<16xf32>
      %parallel_loop3A_110 = arith.index_cast %parallel_loop3A_21 : i32 to index
      %parallel_loop3A_111 = arith.constant 96 : index
      %parallel_loop3A_112 = tpu.vector_load %arg9[%parallel_loop3A_110, %parallel_loop3A_111] {strides = array<i32>} : memref<64x256xf32, #tpu.memory_space<vmem>>, vector<1x16xf32>,
      %parallel_loop3A_113 = vector.shape_cast %parallel_loop3A_112 : vector<1x16xf32> to vector<16xf32>
      %parallel_loop3A_114 = arith.addf %parallel_loop3A_109, %parallel_loop3A_113 : vector<16xf32>
      %parallel_loop3A_115 = arith.index_cast %parallel_loop3A_21 : i32 to index
      %parallel_loop3A_116 = arith.constant 96 : index
      %parallel_loop3A_117 = tpu.vector_load %arg8[%parallel_loop3A_115, %parallel_loop3A_116] {strides = array<i32>} : memref<64x256xf32, #tpu.memory_space<vmem>>, vector<1x16xf32>,
      %parallel_loop3A_118 = vector.shape_cast %parallel_loop3A_117 : vector<1x16xf32> to vector<16xf32>
      %parallel_loop3A_119 = vector.shape_cast %parallel_loop3A_114 : vector<16xf32> to vector<1x16xf32>
      tpu.vector_store %arg8[%parallel_loop3A_115, %parallel_loop3A_116], %parallel_loop3A_119 {strides = array<i32>} : memref<64x256xf32, #tpu.memory_space<vmem>>, vector<1x16xf32>,
      %parallel_loop3A_120 = arith.index_cast %parallel_loop3A_21 : i32 to index
      %parallel_loop3A_121 = arith.constant 112 : index
      %parallel_loop3A_122 = tpu.vector_load %arg8[%parallel_loop3A_120, %parallel_loop3A_121] {strides = array<i32>} : memref<64x256xf32, #tpu.memory_space<vmem>>, vector<1x16xf32>,
      %parallel_loop3A_123 = vector.shape_cast %parallel_loop3A_122 : vector<1x16xf32> to vector<16xf32>
      %parallel_loop3A_124 = arith.index_cast %parallel_loop3A_21 : i32 to index
      %parallel_loop3A_125 = arith.constant 112 : index
      %parallel_loop3A_126 = tpu.vector_load %arg9[%parallel_loop3A_124, %parallel_loop3A_125] {strides = array<i32>} : memref<64x256xf32, #tpu.memory_space<vmem>>, vector<1x16xf32>,
      %parallel_loop3A_127 = vector.shape_cast %parallel_loop3A_126 : vector<1x16xf32> to vector<16xf32>
      %parallel_loop3A_128 = arith.addf %parallel_loop3A_123, %parallel_loop3A_127 : vector<16xf32>
      %parallel_loop3A_129 = arith.index_cast %parallel_loop3A_21 : i32 to index
      %parallel_loop3A_130 = arith.constant 112 : index
      %parallel_loop3A_131 = tpu.vector_load %arg8[%parallel_loop3A_129, %parallel_loop3A_130] {strides = array<i32>} : memref<64x256xf32, #tpu.memory_space<vmem>>, vector<1x16xf32>,
      %parallel_loop3A_132 = vector.shape_cast %parallel_loop3A_131 : vector<1x16xf32> to vector<16xf32>
      %parallel_loop3A_133 = vector.shape_cast %parallel_loop3A_128 : vector<16xf32> to vector<1x16xf32>
      tpu.vector_store %arg8[%parallel_loop3A_129, %parallel_loop3A_130], %parallel_loop3A_133 {strides = array<i32>} : memref<64x256xf32, #tpu.memory_space<vmem>>, vector<1x16xf32>,
      %parallel_loop3A_134 = arith.index_cast %parallel_loop3A_21 : i32 to index
      %parallel_loop3A_135 = arith.constant 128 : index
      %parallel_loop3A_136 = tpu.vector_load %arg8[%parallel_loop3A_134, %parallel_loop3A_135] {strides = array<i32>} : memref<64x256xf32, #tpu.memory_space<vmem>>, vector<1x16xf32>,
      %parallel_loop3A_137 = vector.shape_cast %parallel_loop3A_136 : vector<1x16xf32> to vector<16xf32>
      %parallel_loop3A_138 = arith.index_cast %parallel_loop3A_21 : i32 to index
      %parallel_loop3A_139 = arith.constant 128 : index
      %parallel_loop3A_140 = tpu.vector_load %arg9[%parallel_loop3A_138, %parallel_loop3A_139] {strides = array<i32>} : memref<64x256xf32, #tpu.memory_space<vmem>>, vector<1x16xf32>,
      %parallel_loop3A_141 = vector.shape_cast %parallel_loop3A_140 : vector<1x16xf32> to vector<16xf32>
      %parallel_loop3A_142 = arith.addf %parallel_loop3A_137, %parallel_loop3A_141 : vector<16xf32>
      %parallel_loop3A_143 = arith.index_cast %parallel_loop3A_21 : i32 to index
      %parallel_loop3A_144 = arith.constant 128 : index
      %parallel_loop3A_145 = tpu.vector_load %arg8[%parallel_loop3A_143, %parallel_loop3A_144] {strides = array<i32>} : memref<64x256xf32, #tpu.memory_space<vmem>>, vector<1x16xf32>,
      %parallel_loop3A_146 = vector.shape_cast %parallel_loop3A_145 : vector<1x16xf32> to vector<16xf32>
      %parallel_loop3A_147 = vector.shape_cast %parallel_loop3A_142 : vector<16xf32> to vector<1x16xf32>
      tpu.vector_store %arg8[%parallel_loop3A_143, %parallel_loop3A_144], %parallel_loop3A_147 {strides = array<i32>} : memref<64x256xf32, #tpu.memory_space<vmem>>, vector<1x16xf32>,
      %parallel_loop3A_148 = arith.index_cast %parallel_loop3A_21 : i32 to index
      %parallel_loop3A_149 = arith.constant 144 : index
      %parallel_loop3A_150 = tpu.vector_load %arg8[%parallel_loop3A_148, %parallel_loop3A_149] {strides = array<i32>} : memref<64x256xf32, #tpu.memory_space<vmem>>, vector<1x16xf32>,
      %parallel_loop3A_151 = vector.shape_cast %parallel_loop3A_150 : vector<1x16xf32> to vector<16xf32>
      %parallel_loop3A_152 = arith.index_cast %parallel_loop3A_21 : i32 to index
      %parallel_loop3A_153 = arith.constant 144 : index
      %parallel_loop3A_154 = tpu.vector_load %arg9[%parallel_loop3A_152, %parallel_loop3A_153] {strides = array<i32>} : memref<64x256xf32, #tpu.memory_space<vmem>>, vector<1x16xf32>,
      %parallel_loop3A_155 = vector.shape_cast %parallel_loop3A_154 : vector<1x16xf32> to vector<16xf32>
      %parallel_loop3A_156 = arith.addf %parallel_loop3A_151, %parallel_loop3A_155 : vector<16xf32>
      %parallel_loop3A_157 = arith.index_cast %parallel_loop3A_21 : i32 to index
      %parallel_loop3A_158 = arith.constant 144 : index
      %parallel_loop3A_159 = tpu.vector_load %arg8[%parallel_loop3A_157, %parallel_loop3A_158] {strides = array<i32>} : memref<64x256xf32, #tpu.memory_space<vmem>>, vector<1x16xf32>,
      %parallel_loop3A_160 = vector.shape_cast %parallel_loop3A_159 : vector<1x16xf32> to vector<16xf32>
      %parallel_loop3A_161 = vector.shape_cast %parallel_loop3A_156 : vector<16xf32> to vector<1x16xf32>
      tpu.vector_store %arg8[%parallel_loop3A_157, %parallel_loop3A_158], %parallel_loop3A_161 {strides = array<i32>} : memref<64x256xf32, #tpu.memory_space<vmem>>, vector<1x16xf32>,
      %parallel_loop3A_162 = arith.index_cast %parallel_loop3A_21 : i32 to index
      %parallel_loop3A_163 = arith.constant 160 : index
      %parallel_loop3A_164 = tpu.vector_load %arg8[%parallel_loop3A_162, %parallel_loop3A_163] {strides = array<i32>} : memref<64x256xf32, #tpu.memory_space<vmem>>, vector<1x16xf32>,
      %parallel_loop3A_165 = vector.shape_cast %parallel_loop3A_164 : vector<1x16xf32> to vector<16xf32>
      %parallel_loop3A_166 = arith.index_cast %parallel_loop3A_21 : i32 to index
      %parallel_loop3A_167 = arith.constant 160 : index
      %parallel_loop3A_168 = tpu.vector_load %arg9[%parallel_loop3A_166, %parallel_loop3A_167] {strides = array<i32>} : memref<64x256xf32, #tpu.memory_space<vmem>>, vector<1x16xf32>,
      %parallel_loop3A_169 = vector.shape_cast %parallel_loop3A_168 : vector<1x16xf32> to vector<16xf32>
      %parallel_loop3A_170 = arith.addf %parallel_loop3A_165, %parallel_loop3A_169 : vector<16xf32>
      %parallel_loop3A_171 = arith.index_cast %parallel_loop3A_21 : i32 to index
      %parallel_loop3A_172 = arith.constant 160 : index
      %parallel_loop3A_173 = tpu.vector_load %arg8[%parallel_loop3A_171, %parallel_loop3A_172] {strides = array<i32>} : memref<64x256xf32, #tpu.memory_space<vmem>>, vector<1x16xf32>,
      %parallel_loop3A_174 = vector.shape_cast %parallel_loop3A_173 : vector<1x16xf32> to vector<16xf32>
      %parallel_loop3A_175 = vector.shape_cast %parallel_loop3A_170 : vector<16xf32> to vector<1x16xf32>
      tpu.vector_store %arg8[%parallel_loop3A_171, %parallel_loop3A_172], %parallel_loop3A_175 {strides = array<i32>} : memref<64x256xf32, #tpu.memory_space<vmem>>, vector<1x16xf32>,
      %parallel_loop3A_176 = arith.index_cast %parallel_loop3A_21 : i32 to index
      %parallel_loop3A_177 = arith.constant 176 : index
      %parallel_loop3A_178 = tpu.vector_load %arg8[%parallel_loop3A_176, %parallel_loop3A_177] {strides = array<i32>} : memref<64x256xf32, #tpu.memory_space<vmem>>, vector<1x16xf32>,
      %parallel_loop3A_179 = vector.shape_cast %parallel_loop3A_178 : vector<1x16xf32> to vector<16xf32>
      %parallel_loop3A_180 = arith.index_cast %parallel_loop3A_21 : i32 to index
      %parallel_loop3A_181 = arith.constant 176 : index
      %parallel_loop3A_182 = tpu.vector_load %arg9[%parallel_loop3A_180, %parallel_loop3A_181] {strides = array<i32>} : memref<64x256xf32, #tpu.memory_space<vmem>>, vector<1x16xf32>,
      %parallel_loop3A_183 = vector.shape_cast %parallel_loop3A_182 : vector<1x16xf32> to vector<16xf32>
      %parallel_loop3A_184 = arith.addf %parallel_loop3A_179, %parallel_loop3A_183 : vector<16xf32>
      %parallel_loop3A_185 = arith.index_cast %parallel_loop3A_21 : i32 to index
      %parallel_loop3A_186 = arith.constant 176 : index
      %parallel_loop3A_187 = tpu.vector_load %arg8[%parallel_loop3A_185, %parallel_loop3A_186] {strides = array<i32>} : memref<64x256xf32, #tpu.memory_space<vmem>>, vector<1x16xf32>,
      %parallel_loop3A_188 = vector.shape_cast %parallel_loop3A_187 : vector<1x16xf32> to vector<16xf32>
      %parallel_loop3A_189 = vector.shape_cast %parallel_loop3A_184 : vector<16xf32> to vector<1x16xf32>
      tpu.vector_store %arg8[%parallel_loop3A_185, %parallel_loop3A_186], %parallel_loop3A_189 {strides = array<i32>} : memref<64x256xf32, #tpu.memory_space<vmem>>, vector<1x16xf32>,
      %parallel_loop3A_190 = arith.index_cast %parallel_loop3A_21 : i32 to index
      %parallel_loop3A_191 = arith.constant 192 : index
      %parallel_loop3A_192 = tpu.vector_load %arg8[%parallel_loop3A_190, %parallel_loop3A_191] {strides = array<i32>} : memref<64x256xf32, #tpu.memory_space<vmem>>, vector<1x16xf32>,
      %parallel_loop3A_193 = vector.shape_cast %parallel_loop3A_192 : vector<1x16xf32> to vector<16xf32>
      %parallel_loop3A_194 = arith.index_cast %parallel_loop3A_21 : i32 to index
      %parallel_loop3A_195 = arith.constant 192 : index
      %parallel_loop3A_196 = tpu.vector_load %arg9[%parallel_loop3A_194, %parallel_loop3A_195] {strides = array<i32>} : memref<64x256xf32, #tpu.memory_space<vmem>>, vector<1x16xf32>,
      %parallel_loop3A_197 = vector.shape_cast %parallel_loop3A_196 : vector<1x16xf32> to vector<16xf32>
      %parallel_loop3A_198 = arith.addf %parallel_loop3A_193, %parallel_loop3A_197 : vector<16xf32>
      %parallel_loop3A_199 = arith.index_cast %parallel_loop3A_21 : i32 to index
      %parallel_loop3A_200 = arith.constant 192 : index
      %parallel_loop3A_201 = tpu.vector_load %arg8[%parallel_loop3A_199, %parallel_loop3A_200] {strides = array<i32>} : memref<64x256xf32, #tpu.memory_space<vmem>>, vector<1x16xf32>,
      %parallel_loop3A_202 = vector.shape_cast %parallel_loop3A_201 : vector<1x16xf32> to vector<16xf32>
      %parallel_loop3A_203 = vector.shape_cast %parallel_loop3A_198 : vector<16xf32> to vector<1x16xf32>
      tpu.vector_store %arg8[%parallel_loop3A_199, %parallel_loop3A_200], %parallel_loop3A_203 {strides = array<i32>} : memref<64x256xf32, #tpu.memory_space<vmem>>, vector<1x16xf32>,
      %parallel_loop3A_204 = arith.index_cast %parallel_loop3A_21 : i32 to index
      %parallel_loop3A_205 = arith.constant 208 : index
      %parallel_loop3A_206 = tpu.vector_load %arg8[%parallel_loop3A_204, %parallel_loop3A_205] {strides = array<i32>} : memref<64x256xf32, #tpu.memory_space<vmem>>, vector<1x16xf32>,
      %parallel_loop3A_207 = vector.shape_cast %parallel_loop3A_206 : vector<1x16xf32> to vector<16xf32>
      %parallel_loop3A_208 = arith.index_cast %parallel_loop3A_21 : i32 to index
      %parallel_loop3A_209 = arith.constant 208 : index
      %parallel_loop3A_210 = tpu.vector_load %arg9[%parallel_loop3A_208, %parallel_loop3A_209] {strides = array<i32>} : memref<64x256xf32, #tpu.memory_space<vmem>>, vector<1x16xf32>,
      %parallel_loop3A_211 = vector.shape_cast %parallel_loop3A_210 : vector<1x16xf32> to vector<16xf32>
      %parallel_loop3A_212 = arith.addf %parallel_loop3A_207, %parallel_loop3A_211 : vector<16xf32>
      %parallel_loop3A_213 = arith.index_cast %parallel_loop3A_21 : i32 to index
      %parallel_loop3A_214 = arith.constant 208 : index
      %parallel_loop3A_215 = tpu.vector_load %arg8[%parallel_loop3A_213, %parallel_loop3A_214] {strides = array<i32>} : memref<64x256xf32, #tpu.memory_space<vmem>>, vector<1x16xf32>,
      %parallel_loop3A_216 = vector.shape_cast %parallel_loop3A_215 : vector<1x16xf32> to vector<16xf32>
      %parallel_loop3A_217 = vector.shape_cast %parallel_loop3A_212 : vector<16xf32> to vector<1x16xf32>
      tpu.vector_store %arg8[%parallel_loop3A_213, %parallel_loop3A_214], %parallel_loop3A_217 {strides = array<i32>} : memref<64x256xf32, #tpu.memory_space<vmem>>, vector<1x16xf32>,
      %parallel_loop3A_218 = arith.index_cast %parallel_loop3A_21 : i32 to index
      %parallel_loop3A_219 = arith.constant 224 : index
      %parallel_loop3A_220 = tpu.vector_load %arg8[%parallel_loop3A_218, %parallel_loop3A_219] {strides = array<i32>} : memref<64x256xf32, #tpu.memory_space<vmem>>, vector<1x16xf32>,
      %parallel_loop3A_221 = vector.shape_cast %parallel_loop3A_220 : vector<1x16xf32> to vector<16xf32>
      %parallel_loop3A_222 = arith.index_cast %parallel_loop3A_21 : i32 to index
      %parallel_loop3A_223 = arith.constant 224 : index
      %parallel_loop3A_224 = tpu.vector_load %arg9[%parallel_loop3A_222, %parallel_loop3A_223] {strides = array<i32>} : memref<64x256xf32, #tpu.memory_space<vmem>>, vector<1x16xf32>,
      %parallel_loop3A_225 = vector.shape_cast %parallel_loop3A_224 : vector<1x16xf32> to vector<16xf32>
      %parallel_loop3A_226 = arith.addf %parallel_loop3A_221, %parallel_loop3A_225 : vector<16xf32>
      %parallel_loop3A_227 = arith.index_cast %parallel_loop3A_21 : i32 to index
      %parallel_loop3A_228 = arith.constant 224 : index
      %parallel_loop3A_229 = tpu.vector_load %arg8[%parallel_loop3A_227, %parallel_loop3A_228] {strides = array<i32>} : memref<64x256xf32, #tpu.memory_space<vmem>>, vector<1x16xf32>,
      %parallel_loop3A_230 = vector.shape_cast %parallel_loop3A_229 : vector<1x16xf32> to vector<16xf32>
      %parallel_loop3A_231 = vector.shape_cast %parallel_loop3A_226 : vector<16xf32> to vector<1x16xf32>
      tpu.vector_store %arg8[%parallel_loop3A_227, %parallel_loop3A_228], %parallel_loop3A_231 {strides = array<i32>} : memref<64x256xf32, #tpu.memory_space<vmem>>, vector<1x16xf32>,
      %parallel_loop3A_232 = arith.index_cast %parallel_loop3A_21 : i32 to index
      %parallel_loop3A_233 = arith.constant 240 : index
      %parallel_loop3A_234 = tpu.vector_load %arg8[%parallel_loop3A_232, %parallel_loop3A_233] {strides = array<i32>} : memref<64x256xf32, #tpu.memory_space<vmem>>, vector<1x16xf32>,
      %parallel_loop3A_235 = vector.shape_cast %parallel_loop3A_234 : vector<1x16xf32> to vector<16xf32>
      %parallel_loop3A_236 = arith.index_cast %parallel_loop3A_21 : i32 to index
      %parallel_loop3A_237 = arith.constant 240 : index
      %parallel_loop3A_238 = tpu.vector_load %arg9[%parallel_loop3A_236, %parallel_loop3A_237] {strides = array<i32>} : memref<64x256xf32, #tpu.memory_space<vmem>>, vector<1x16xf32>,
      %parallel_loop3A_239 = vector.shape_cast %parallel_loop3A_238 : vector<1x16xf32> to vector<16xf32>
      %parallel_loop3A_240 = arith.addf %parallel_loop3A_235, %parallel_loop3A_239 : vector<16xf32>
      %parallel_loop3A_241 = arith.index_cast %parallel_loop3A_21 : i32 to index
      %parallel_loop3A_242 = arith.constant 240 : index
      %parallel_loop3A_243 = tpu.vector_load %arg8[%parallel_loop3A_241, %parallel_loop3A_242] {strides = array<i32>} : memref<64x256xf32, #tpu.memory_space<vmem>>, vector<1x16xf32>,
      %parallel_loop3A_244 = vector.shape_cast %parallel_loop3A_243 : vector<1x16xf32> to vector<16xf32>
      %parallel_loop3A_245 = vector.shape_cast %parallel_loop3A_240 : vector<16xf32> to vector<1x16xf32>
      tpu.vector_store %arg8[%parallel_loop3A_241, %parallel_loop3A_242], %parallel_loop3A_245 {strides = array<i32>} : memref<64x256xf32, #tpu.memory_space<vmem>>, vector<1x16xf32>,
    } {sc.loop_unroll_factor = 4 : i64, sc.parallel_access}
    %add3A_19 = arith.constant 0 : i32
    %add3A_20 = arith.addi %add3A_19, %mul3A_2 : i32
    "tpu.region"() ({
      %run_scoped3A = tpu.sem_alloc : memref<!tpu.dma_semaphore, #tpu.memory_space<semaphore_mem>>
      %dma_start3A_21 = arith.constant 0 : i32
      %dma_start3A_22 = tpu.memref_slice %arg5[%add3A_20, %dma_start3A_21] : memref<9216x256xf32, #tpu.memory_space<hbm>> -> memref<64x256xf32, #tpu.memory_space<hbm>>
      %dma_start3A_23 = arith.constant 0 : i32
      %dma_start3A_24 = tpu.memref_slice %arg5[%add3A_20, %dma_start3A_23] : memref<9216x256xf32, #tpu.memory_space<hbm>> -> memref<64x256xf32, #tpu.memory_space<hbm>>
      tpu.enqueue_dma source(%arg8 : memref<64x256xf32, #tpu.memory_space<vmem>>) target(%dma_start3A_24 : memref<64x256xf32, #tpu.memory_space<hbm>>) target_semaphore(%run_scoped3A : memref<!tpu.dma_semaphore, #tpu.memory_space<semaphore_mem>>)
      %dma_wait3A_25 = arith.constant 0 : i32
      %dma_wait3A_26 = tpu.memref_slice %arg5[%add3A_20, %dma_wait3A_25] : memref<9216x256xf32, #tpu.memory_space<hbm>> -> memref<64x256xf32, #tpu.memory_space<hbm>>
      %dma_wait3A_27 = arith.constant 0 : i32
      %dma_wait3A_28 = tpu.memref_slice %arg5[%add3A_20, %dma_wait3A_27] : memref<9216x256xf32, #tpu.memory_space<hbm>> -> memref<64x256xf32, #tpu.memory_space<hbm>>
      tpu.wait_dma2 semaphore(%run_scoped3A : memref<!tpu.dma_semaphore, #tpu.memory_space<semaphore_mem>>) src(%arg8 : memref<64x256xf32, #tpu.memory_space<vmem>>) dst(%dma_wait3A_28 : memref<64x256xf32, #tpu.memory_space<hbm>>)
      tpu.yield
    }) : () -> ()
    return
  }
}

module attributes {stable_mosaic.version = 14 : i64} {
  func.func @_argmin_body(%arg0: i32, %arg1: memref<512x256xf32, #tpu.memory_space<vmem>>, %arg2: memref<1024x256xf32, #tpu.memory_space<vmem>>, %arg3: memref<512x1xf32, #tpu.memory_space<vmem>>, %arg4: memref<1x1024xf32, #tpu.memory_space<vmem>>, %arg5: memref<512xi32, #tpu.memory_space<vmem>>) attributes {dimension_semantics = [#tpu.dimension_semantics<arbitrary>], iteration_bounds = array<i64: 4>, scalar_prefetch = 0 : i64, scratch_operands = 0 : i64, tpu.core_type = #tpu.core_type<tc>, window_params = [{transform_indices = @transform_0, window_bounds = array<i64: 512, 256>}, {pipeline_mode = #tpu.pipeline_mode<synchronous>, transform_indices = @transform_1, window_bounds = array<i64: 1024, 256>}, {transform_indices = @transform_2, window_bounds = array<i64: 512, 1>}, {pipeline_mode = #tpu.pipeline_mode<synchronous>, transform_indices = @transform_3, window_bounds = array<i64: 1, 1024>}, {transform_indices = @transform_4, window_bounds = array<i64: 512>}]} {
    %get3A = arith.constant 0 : index
    %get3A_0 = arith.constant 0 : index
    %get3A_1 = vector.load %arg1[%get3A, %get3A_0] : memref<512x256xf32, #tpu.memory_space<vmem>>, vector<512x256xf32>
    %get3A_2 = arith.constant 0 : index
    %get3A_3 = arith.constant 0 : index
    %get3A_4 = vector.load %arg2[%get3A_2, %get3A_3] : memref<1024x256xf32, #tpu.memory_space<vmem>>, vector<1024x256xf32>
    %dot_general3A = arith.constant dense<0.000000e+00> : vector<512x1024xf32>
    %dot_general3A_5 = tpu.matmul %get3A_1, %get3A_4, %dot_general3A {dimension_numbers = #tpu.dot_dimension_numbers<[1], [1], [0], [0], [0, 0, 1, 0], [], []>, transpose_lhs_hint = false} : vector<512x256xf32>, vector<1024x256xf32>, vector<512x1024xf32> -> vector<512x1024xf32>
    %get3A_6 = arith.constant 0 : index
    %get3A_7 = arith.constant 0 : index
    %get3A_8 = vector.load %arg3[%get3A_6, %get3A_7] : memref<512x1xf32, #tpu.memory_space<vmem>>, vector<512x1xf32>
    %get3A_9 = arith.constant 0 : index
    %get3A_10 = arith.constant 0 : index
    %get3A_11 = vector.load %arg4[%get3A_9, %get3A_10] : memref<1x1024xf32, #tpu.memory_space<vmem>>, vector<1x1024xf32>
    %add3A = vector.broadcast %get3A_8 : vector<512x1xf32> to vector<512x1024xf32>
    %add3A_12 = vector.broadcast %get3A_11 : vector<1x1024xf32> to vector<512x1024xf32>
    %add3A_13 = arith.addf %add3A, %add3A_12 : vector<512x1024xf32>
    %mul3A = arith.constant 2.000000e+00 : f32
    %mul3A_14 = vector.broadcast %mul3A : f32 to vector<512x1024xf32>
    %mul3A_15 = arith.mulf %mul3A_14, %dot_general3A_5 : vector<512x1024xf32>
    %sub3A = arith.subf %add3A_13, %mul3A_15 : vector<512x1024xf32>
    %reduce_min3A = arith.constant dense<0x7F800000> : vector<512xf32>
    %reduce_min3A_16 = vector.multi_reduction <minimumf>, %sub3A, %reduce_min3A [1] : vector<512x1024xf32> to vector<512xf32>
    %broadcast_in_dim3A = vector.shape_cast %reduce_min3A_16 : vector<512xf32> to vector<512x1xf32>
    %iota3A = tpu.iota {dimensions = array<i32: 1>} : vector<512x1024xi32>
    %eq3A = vector.broadcast %broadcast_in_dim3A : vector<512x1xf32> to vector<512x1024xf32>
    %eq3A_17 = arith.cmpf oeq, %sub3A, %eq3A : vector<512x1024xf32>
    %jit3A = arith.constant 1024 : i32
    %broadcast_in_dim3A_18 = vector.broadcast %jit3A : i32 to vector<512x1024xi32>
    %select_n3A = arith.select %eq3A_17, %iota3A, %broadcast_in_dim3A_18 : vector<512x1024xi1>, vector<512x1024xi32>
    %reduce_min3A_19 = arith.constant dense<2147483647> : vector<512xi32>
    %reduce_min3A_20 = vector.multi_reduction <minsi>, %select_n3A, %reduce_min3A_19 [1] : vector<512x1024xi32> to vector<512xi32>
    %swap3A = arith.constant 0 : index
    %swap3A_21 = vector.load %arg5[%swap3A] : memref<512xi32, #tpu.memory_space<vmem>>, vector<512xi32>
    tpu.vector_store %arg5[%swap3A], %reduce_min3A_20 {strides = array<i32>} : memref<512xi32, #tpu.memory_space<vmem>>, vector<512xi32>,
    return
  }
  func.func @transform_0(%arg0: i32) -> (i32, i32) {
    %add3A = arith.constant 0 : i32
    %add3A_0 = arith.addi %arg0, %add3A : i32
    %c0_i32 = arith.constant 0 : i32
    %c0_i32_1 = arith.constant 0 : i32
    return %add3A_0, %c0_i32 : i32, i32
  }
  func.func @transform_1(%arg0: i32) -> (i32, i32) {
    %c0_i32 = arith.constant 0 : i32
    %c0_i32_0 = arith.constant 0 : i32
    %c0_i32_1 = arith.constant 0 : i32
    return %c0_i32, %c0_i32_0 : i32, i32
  }
  func.func @transform_2(%arg0: i32) -> (i32, i32) {
    %add3A = arith.constant 0 : i32
    %add3A_0 = arith.addi %arg0, %add3A : i32
    %c0_i32 = arith.constant 0 : i32
    %c0_i32_1 = arith.constant 0 : i32
    return %add3A_0, %c0_i32 : i32, i32
  }
  func.func @transform_3(%arg0: i32) -> (i32, i32) {
    %c0_i32 = arith.constant 0 : i32
    %c0_i32_0 = arith.constant 0 : i32
    %c0_i32_1 = arith.constant 0 : i32
    return %c0_i32, %c0_i32_0 : i32, i32
  }
  func.func @transform_4(%arg0: i32) -> i32 {
    %c0_i32 = arith.constant 0 : i32
    return %arg0 : i32
  }
}

module attributes {stable_mosaic.version = 14 : i64} {
  func.func @_argmin_body(%arg0: i32, %arg1: memref<512x256xf32, #tpu.memory_space<vmem>>, %arg2: memref<1024x256xf32, #tpu.memory_space<vmem>>, %arg3: memref<512x1xf32, #tpu.memory_space<vmem>>, %arg4: memref<1x1024xf32, #tpu.memory_space<vmem>>, %arg5: memref<512xi32, #tpu.memory_space<vmem>>) attributes {dimension_semantics = [#tpu.dimension_semantics<arbitrary>], iteration_bounds = array<i64: 8>, scalar_prefetch = 0 : i64, scratch_operands = 0 : i64, tpu.core_type = #tpu.core_type<tc>, window_params = [{transform_indices = @transform_0, window_bounds = array<i64: 512, 256>}, {pipeline_mode = #tpu.pipeline_mode<synchronous>, transform_indices = @transform_1, window_bounds = array<i64: 1024, 256>}, {transform_indices = @transform_2, window_bounds = array<i64: 512, 1>}, {pipeline_mode = #tpu.pipeline_mode<synchronous>, transform_indices = @transform_3, window_bounds = array<i64: 1, 1024>}, {transform_indices = @transform_4, window_bounds = array<i64: 512>}]} {
    %get3A = arith.constant 0 : index
    %get3A_0 = arith.constant 0 : index
    %get3A_1 = vector.load %arg1[%get3A, %get3A_0] : memref<512x256xf32, #tpu.memory_space<vmem>>, vector<512x256xf32>
    %get3A_2 = arith.constant 0 : index
    %get3A_3 = arith.constant 0 : index
    %get3A_4 = vector.load %arg2[%get3A_2, %get3A_3] : memref<1024x256xf32, #tpu.memory_space<vmem>>, vector<1024x256xf32>
    %dot_general3A = arith.constant dense<0.000000e+00> : vector<512x1024xf32>
    %dot_general3A_5 = tpu.matmul %get3A_1, %get3A_4, %dot_general3A {dimension_numbers = #tpu.dot_dimension_numbers<[1], [1], [0], [0], [0, 0, 1, 0], [], []>, transpose_lhs_hint = false} : vector<512x256xf32>, vector<1024x256xf32>, vector<512x1024xf32> -> vector<512x1024xf32>
    %get3A_6 = arith.constant 0 : index
    %get3A_7 = arith.constant 0 : index
    %get3A_8 = vector.load %arg3[%get3A_6, %get3A_7] : memref<512x1xf32, #tpu.memory_space<vmem>>, vector<512x1xf32>
    %get3A_9 = arith.constant 0 : index
    %get3A_10 = arith.constant 0 : index
    %get3A_11 = vector.load %arg4[%get3A_9, %get3A_10] : memref<1x1024xf32, #tpu.memory_space<vmem>>, vector<1x1024xf32>
    %add3A = vector.broadcast %get3A_8 : vector<512x1xf32> to vector<512x1024xf32>
    %add3A_12 = vector.broadcast %get3A_11 : vector<1x1024xf32> to vector<512x1024xf32>
    %add3A_13 = arith.addf %add3A, %add3A_12 : vector<512x1024xf32>
    %mul3A = arith.constant 2.000000e+00 : f32
    %mul3A_14 = vector.broadcast %mul3A : f32 to vector<512x1024xf32>
    %mul3A_15 = arith.mulf %mul3A_14, %dot_general3A_5 : vector<512x1024xf32>
    %sub3A = arith.subf %add3A_13, %mul3A_15 : vector<512x1024xf32>
    %reduce_min3A = arith.constant dense<0x7F800000> : vector<512xf32>
    %reduce_min3A_16 = vector.multi_reduction <minimumf>, %sub3A, %reduce_min3A [1] : vector<512x1024xf32> to vector<512xf32>
    %broadcast_in_dim3A = vector.shape_cast %reduce_min3A_16 : vector<512xf32> to vector<512x1xf32>
    %iota3A = tpu.iota {dimensions = array<i32: 1>} : vector<512x1024xi32>
    %eq3A = vector.broadcast %broadcast_in_dim3A : vector<512x1xf32> to vector<512x1024xf32>
    %eq3A_17 = arith.cmpf oeq, %sub3A, %eq3A : vector<512x1024xf32>
    %jit3A = arith.constant 1024 : i32
    %broadcast_in_dim3A_18 = vector.broadcast %jit3A : i32 to vector<512x1024xi32>
    %select_n3A = arith.select %eq3A_17, %iota3A, %broadcast_in_dim3A_18 : vector<512x1024xi1>, vector<512x1024xi32>
    %reduce_min3A_19 = arith.constant dense<2147483647> : vector<512xi32>
    %reduce_min3A_20 = vector.multi_reduction <minsi>, %select_n3A, %reduce_min3A_19 [1] : vector<512x1024xi32> to vector<512xi32>
    %swap3A = arith.constant 0 : index
    %swap3A_21 = vector.load %arg5[%swap3A] : memref<512xi32, #tpu.memory_space<vmem>>, vector<512xi32>
    tpu.vector_store %arg5[%swap3A], %reduce_min3A_20 {strides = array<i32>} : memref<512xi32, #tpu.memory_space<vmem>>, vector<512xi32>,
    return
  }
  func.func @transform_0(%arg0: i32) -> (i32, i32) {
    %add3A = arith.constant 4 : i32
    %add3A_0 = arith.addi %arg0, %add3A : i32
    %c0_i32 = arith.constant 0 : i32
    %c0_i32_1 = arith.constant 0 : i32
    return %add3A_0, %c0_i32 : i32, i32
  }
  func.func @transform_1(%arg0: i32) -> (i32, i32) {
    %c0_i32 = arith.constant 0 : i32
    %c0_i32_0 = arith.constant 0 : i32
    %c0_i32_1 = arith.constant 0 : i32
    return %c0_i32, %c0_i32_0 : i32, i32
  }
  func.func @transform_2(%arg0: i32) -> (i32, i32) {
    %add3A = arith.constant 4 : i32
    %add3A_0 = arith.addi %arg0, %add3A : i32
    %c0_i32 = arith.constant 0 : i32
    %c0_i32_1 = arith.constant 0 : i32
    return %add3A_0, %c0_i32 : i32, i32
  }
  func.func @transform_3(%arg0: i32) -> (i32, i32) {
    %c0_i32 = arith.constant 0 : i32
    %c0_i32_0 = arith.constant 0 : i32
    %c0_i32_1 = arith.constant 0 : i32
    return %c0_i32, %c0_i32_0 : i32, i32
  }
  func.func @transform_4(%arg0: i32) -> i32 {
    %c0_i32 = arith.constant 0 : i32
    return %arg0 : i32
  }
}

module attributes {stable_mosaic.version = 14 : i64} {
  func.func @_argmin_body(%arg0: i32, %arg1: memref<512x256xf32, #tpu.memory_space<vmem>>, %arg2: memref<1024x256xf32, #tpu.memory_space<vmem>>, %arg3: memref<512x1xf32, #tpu.memory_space<vmem>>, %arg4: memref<1x1024xf32, #tpu.memory_space<vmem>>, %arg5: memref<512xi32, #tpu.memory_space<vmem>>) attributes {dimension_semantics = [#tpu.dimension_semantics<arbitrary>], iteration_bounds = array<i64: 6>, scalar_prefetch = 0 : i64, scratch_operands = 0 : i64, tpu.core_type = #tpu.core_type<tc>, window_params = [{transform_indices = @transform_0, window_bounds = array<i64: 512, 256>}, {pipeline_mode = #tpu.pipeline_mode<synchronous>, transform_indices = @transform_1, window_bounds = array<i64: 1024, 256>}, {transform_indices = @transform_2, window_bounds = array<i64: 512, 1>}, {pipeline_mode = #tpu.pipeline_mode<synchronous>, transform_indices = @transform_3, window_bounds = array<i64: 1, 1024>}, {transform_indices = @transform_4, window_bounds = array<i64: 512>}]} {
    %get3A = arith.constant 0 : index
    %get3A_0 = arith.constant 0 : index
    %get3A_1 = vector.load %arg1[%get3A, %get3A_0] : memref<512x256xf32, #tpu.memory_space<vmem>>, vector<512x256xf32>
    %get3A_2 = arith.constant 0 : index
    %get3A_3 = arith.constant 0 : index
    %get3A_4 = vector.load %arg2[%get3A_2, %get3A_3] : memref<1024x256xf32, #tpu.memory_space<vmem>>, vector<1024x256xf32>
    %dot_general3A = arith.constant dense<0.000000e+00> : vector<512x1024xf32>
    %dot_general3A_5 = tpu.matmul %get3A_1, %get3A_4, %dot_general3A {dimension_numbers = #tpu.dot_dimension_numbers<[1], [1], [0], [0], [0, 0, 1, 0], [], []>, transpose_lhs_hint = false} : vector<512x256xf32>, vector<1024x256xf32>, vector<512x1024xf32> -> vector<512x1024xf32>
    %get3A_6 = arith.constant 0 : index
    %get3A_7 = arith.constant 0 : index
    %get3A_8 = vector.load %arg3[%get3A_6, %get3A_7] : memref<512x1xf32, #tpu.memory_space<vmem>>, vector<512x1xf32>
    %get3A_9 = arith.constant 0 : index
    %get3A_10 = arith.constant 0 : index
    %get3A_11 = vector.load %arg4[%get3A_9, %get3A_10] : memref<1x1024xf32, #tpu.memory_space<vmem>>, vector<1x1024xf32>
    %add3A = vector.broadcast %get3A_8 : vector<512x1xf32> to vector<512x1024xf32>
    %add3A_12 = vector.broadcast %get3A_11 : vector<1x1024xf32> to vector<512x1024xf32>
    %add3A_13 = arith.addf %add3A, %add3A_12 : vector<512x1024xf32>
    %mul3A = arith.constant 2.000000e+00 : f32
    %mul3A_14 = vector.broadcast %mul3A : f32 to vector<512x1024xf32>
    %mul3A_15 = arith.mulf %mul3A_14, %dot_general3A_5 : vector<512x1024xf32>
    %sub3A = arith.subf %add3A_13, %mul3A_15 : vector<512x1024xf32>
    %reduce_min3A = arith.constant dense<0x7F800000> : vector<512xf32>
    %reduce_min3A_16 = vector.multi_reduction <minimumf>, %sub3A, %reduce_min3A [1] : vector<512x1024xf32> to vector<512xf32>
    %broadcast_in_dim3A = vector.shape_cast %reduce_min3A_16 : vector<512xf32> to vector<512x1xf32>
    %iota3A = tpu.iota {dimensions = array<i32: 1>} : vector<512x1024xi32>
    %eq3A = vector.broadcast %broadcast_in_dim3A : vector<512x1xf32> to vector<512x1024xf32>
    %eq3A_17 = arith.cmpf oeq, %sub3A, %eq3A : vector<512x1024xf32>
    %jit3A = arith.constant 1024 : i32
    %broadcast_in_dim3A_18 = vector.broadcast %jit3A : i32 to vector<512x1024xi32>
    %select_n3A = arith.select %eq3A_17, %iota3A, %broadcast_in_dim3A_18 : vector<512x1024xi1>, vector<512x1024xi32>
    %reduce_min3A_19 = arith.constant dense<2147483647> : vector<512xi32>
    %reduce_min3A_20 = vector.multi_reduction <minsi>, %select_n3A, %reduce_min3A_19 [1] : vector<512x1024xi32> to vector<512xi32>
    %swap3A = arith.constant 0 : index
    %swap3A_21 = vector.load %arg5[%swap3A] : memref<512xi32, #tpu.memory_space<vmem>>, vector<512xi32>
    tpu.vector_store %arg5[%swap3A], %reduce_min3A_20 {strides = array<i32>} : memref<512xi32, #tpu.memory_space<vmem>>, vector<512xi32>,
    return
  }
  func.func @transform_0(%arg0: i32) -> (i32, i32) {
    %add3A = arith.constant 12 : i32
    %add3A_0 = arith.addi %arg0, %add3A : i32
    %c0_i32 = arith.constant 0 : i32
    %c0_i32_1 = arith.constant 0 : i32
    return %add3A_0, %c0_i32 : i32, i32
  }
  func.func @transform_1(%arg0: i32) -> (i32, i32) {
    %c0_i32 = arith.constant 0 : i32
    %c0_i32_0 = arith.constant 0 : i32
    %c0_i32_1 = arith.constant 0 : i32
    return %c0_i32, %c0_i32_0 : i32, i32
  }
  func.func @transform_2(%arg0: i32) -> (i32, i32) {
    %add3A = arith.constant 12 : i32
    %add3A_0 = arith.addi %arg0, %add3A : i32
    %c0_i32 = arith.constant 0 : i32
    %c0_i32_1 = arith.constant 0 : i32
    return %add3A_0, %c0_i32 : i32, i32
  }
  func.func @transform_3(%arg0: i32) -> (i32, i32) {
    %c0_i32 = arith.constant 0 : i32
    %c0_i32_0 = arith.constant 0 : i32
    %c0_i32_1 = arith.constant 0 : i32
    return %c0_i32, %c0_i32_0 : i32, i32
  }
  func.func @transform_4(%arg0: i32) -> i32 {
    %c0_i32 = arith.constant 0 : i32
    return %arg0 : i32
  }
}

</mosaic_0001>

<sc_bundles>
// kernel: kernel.11.cloned.1.call-start
scs
__scs_entry_jumppad:
0x0: {  	(pc) =	sbr.rel $0x88, $3  }
0x1: {  	(tag) =	ssettag $0x0;
	lr =	simm.s32 $0x1  }
0x2: {  	[smem:$0x3F9E] =	sst lr;
	_ =	strace $0xD0000000  }
0x3: {  	_ = 	snop  }
0x4: {  	_ = 	snop  }
0x5: {  	_ = 	snop  }
0x6: {  	_ = 	snop  }
0x7: {  	_ = 	snop  }
__scs_overlays_trampoline_lowered:
0x8: {  	[smem:$0x3FAD] =	sst s0  }
0x9: {  	[smem:$0x3FAE] =	sst s1  }
0xa: {  	[smem:$0x3FAF] =	sst s2  }
0xb: {  	[smem:$0x3FB0] =	sst s3  }
0xc: {  	[smem:$0x3FB1] =	sst s4  }
0xd: {  	[smem:$0x3FB2] =	sst s5  }
0xe: {  	[smem:$0x3FB3] =	sst s6  }
0xf: {  	[smem:$0x3FB4] =	sst s7  }
0x10: {  	[smem:$0x3FB5] =	sst s8  }
0x11: {  	[smem:$0x3FB6] =	sst s9;
	s0 =	simm.s32 @!p0 $0x0  }
0x12: {  	s1 =	sld [smem:$0x3F9C];
	s0 =	simm.s32 @p0 $0x1  }
0x13: {  	[smem:$0x3FB7] =	sst s0;
	s0 =	simm.s32 @!p1 $0x0  }
0x14: {  	s2 =	sld [smem:$0x3F9B];
	s0 =	simm.s32 @p1 $0x1  }
0x15: {  	[smem:$0x3FB8] =	sst s0;
	s0 =	simm.s32 @!p2 $0x0  }
0x16: {  	s3 =	sld [smem:$0x3FDB];
	s0 =	simm.s32 @p2 $0x1  }
0x17: {  	s4 =	simm.s32 $0x1BF5;
	[smem:$0x3FBA] =	sst s0  }
0x18: {  	s0 =	sld [smem:$0x3F9D];
	_ =	swait.ge [sflag:s4], $0x0  }
0x19: {  	s7 =	sld [smem:$0x3F9E]  }
0x1a: {  	s8 =	sadd.s32 $0xFFFFE003, lr  }
0x1b: {  	s9 =	sadd.s32 $0xFFFFFEF7, lr;
	s5 =	simm.s32 $0xFFFFFFFF;
	p2 =	slt.u32 s8, $0xFFFFF086  }
0x1c: {  	p1 =	slt.u32 s9, $0xF7A;
	s5 =	simm.s32 @!p2 $0x0  }
0x1d: {  	s5 =	simm.s32 @p1 $0x1;
	p0 =	seq.s32 s7, s2  }
0x1e: {  	s7 =	smul.u32 @!p0 $0xF7A, s2;
	p2 =	seq.s32 @!p0 s5, $0x0  }
0x1f: {  	s9 =	smul.u32 $0xF7A, s1;
	s8 =	simm.s32 @!p0 $0x1BF5;
	p2 =	por !p2, p0  }
0x20: {  	[sflag:s8] =	ssyncset.s32 @!p0 $0xFFFFF086;
	s6 =	sadd.s32 @!p0 s3, s7;
	s7 =	simm.s32 @!p0 $0x108  }
0x21: {  	s3 =	sadd.s32 s3, s9;
	s6 =	sadd.s32 @!p0 $0x88, s6;
	s7 =	simm.s32 @p2 $0x1082  }
0x22: {  	[simem:s7], [sflag:s8] =	dma.local @!p0 [hbm:s6], $0xF7A  }
0x23: {  	s9 =	sor.u32 $0xD0000000, s2;
	s6 =	simm.s32 $0x108;
	_ =	swait.ge @!p0 [sflag:s8], $0x0  }
0x24: {  	s3 =	sadd.s32 $0x88, s3;
	s6 =	simm.s32 @!p1 $0x1082;
	[sflag:s4] =	ssyncset.s32 $0xFFFFF086  }
0x25: {  	[simem:s6], [sflag:s4] =	dma.local [hbm:s3], $0xF7A  }
0x26: {  	[smem:$0x3F9E] =	sst s1;
	(tag) =	ssettag s2;
	_ =	strace s9  }
0x27: {  	s1 =	sld [smem:$0x3FAE]  }
0x28: {  	s2 =	sld [smem:$0x3FAF]  }
0x29: {  	s4 =	sld [smem:$0x3FB1]  }
0x2a: {  	p0 =	seq.s32 s5, $0x0;
	s5 =	sld [smem:$0x3FB2]  }
0x2b: {  	s6 =	sld [smem:$0x3FB3]  }
0x2c: {  	s7 =	sld [smem:$0x3FB4]  }
0x2d: {  	s3 =	simm.s32 $0x108;
	s8 =	sld [smem:$0x3FB5]  }
0x2e: {  	s3 =	simm.s32 @!p0 $0x1082;
	s9 =	sld [smem:$0x3FB6]  }
0x2f: {  	lr =	sadd.s32 s0, s3;
	s0 =	sld [smem:$0x3FAD]  }
0x30: {  	s3 =	sld [smem:$0x3FB0]  }
0x31: {  	[smem:$0x3FB9] =	sst s10  }
0x32: {  	s10 =	sld [smem:$0x3FB7];
	_ =	sdelay $0x3  }
0x33: {  	p0 =	seq.s32 s10, $0x1;
	s10 =	sld [smem:$0x3FB9];
	_ =	sdelay $0x3  }
0x34: {  	[smem:$0x3FB9] =	sst s10  }
0x35: {  	s10 =	sld [smem:$0x3FB8];
	_ =	sdelay $0x3  }
0x36: {  	p1 =	seq.s32 s10, $0x1;
	s10 =	sld [smem:$0x3FB9];
	_ =	sdelay $0x3  }
0x37: {  	[smem:$0x3FB9] =	sst s10  }
0x38: {  	s10 =	sld [smem:$0x3FBA]  }
0x39: {  	_ = 	snop;
	(pc) =	sbr.ind lr, $3  }
0x3a: {  	_ = 	snop  }
0x3b: {  	_ = 	snop  }
0x3c: {  	p2 =	seq.s32 s10, $0x1;
	s10 =	sld [smem:$0x3FB9]  }
0x3d: {  	_ =	shalt  }
0x3e: {  	_ =	shalt  }
0x3f: {  	_ =	shalt  }
0x40: {  	_ =	shalt  }
0x41: {  	_ =	shalt  }
0x42: {  	_ =	shalt  }
0x43: {  	_ =	shalt  }
0x44: {  	_ =	shalt  }
0x45: {  	_ =	shalt  }
0x46: {  	_ =	shalt  }
0x47: {  	_ =	shalt  }
0x48: {  	_ =	shalt  }
0x49: {  	_ =	shalt  }
0x4a: {  	_ =	shalt  }
0x4b: {  	_ =	shalt  }
0x4c: {  	_ =	shalt  }
0x4d: {  	_ =	shalt  }
0x4e: {  	_ =	shalt  }
0x4f: {  	_ =	shalt  }
0x50: {  	_ =	shalt  }
0x51: {  	_ =	shalt  }
0x52: {  	_ =	shalt  }
0x53: {  	_ =	shalt  }
0x54: {  	_ =	shalt  }
0x55: {  	_ =	shalt  }
0x56: {  	_ =	shalt  }
0x57: {  	_ =	shalt  }
0x58: {  	_ =	shalt  }
0x59: {  	_ =	shalt  }
0x5a: {  	_ =	shalt  }
0x5b: {  	_ =	shalt  }
0x5c: {  	_ =	shalt  }
0x5d: {  	_ =	shalt  }
0x5e: {  	_ =	shalt  }
0x5f: {  	_ =	shalt  }
0x60: {  	_ =	shalt  }
0x61: {  	_ =	shalt  }
0x62: {  	_ =	shalt  }
0x63: {  	_ =	shalt  }
0x64: {  	_ =	shalt  }
0x65: {  	_ =	shalt  }
0x66: {  	_ =	shalt  }
0x67: {  	_ =	shalt  }
0x68: {  	_ =	shalt  }
0x69: {  	_ =	shalt  }
0x6a: {  	_ =	shalt  }
0x6b: {  	_ =	shalt  }
0x6c: {  	_ =	shalt  }
0x6d: {  	_ =	shalt  }
0x6e: {  	_ =	shalt  }
0x6f: {  	_ =	shalt  }
0x70: {  	_ =	shalt  }
0x71: {  	_ =	shalt  }
0x72: {  	_ =	shalt  }
0x73: {  	_ =	shalt  }
0x74: {  	_ =	shalt  }
0x75: {  	_ =	shalt  }
0x76: {  	_ =	shalt  }
0x77: {  	_ =	shalt  }
0x78: {  	_ =	shalt  }
0x79: {  	_ =	shalt  }
0x7a: {  	_ =	shalt  }
0x7b: {  	_ =	shalt  }
0x7c: {  	_ =	shalt  }
0x7d: {  	_ =	shalt  }
0x7e: {  	_ =	shalt  }
0x7f: {  	_ =	shalt  }
0x80: {  	_ =	shalt  }
0x81: {  	_ =	shalt  }
0x82: {  	_ =	shalt  }
0x83: {  	_ =	shalt  }
0x84: {  	_ =	shalt  }
0x85: {  	_ =	shalt  }
0x86: {  	_ =	shalt  }
0x87: {  	_ =	shalt  }
.Lfunc_end0:
.L_simem_size_0:
called_computation.1_lowered:
.L_overlay_start_0:
0x88: {  	s2 =	sld [smem:$0x3FD9]  }
0x89: {  	s3 =	sld [smem:$0x3FFE];
	_ =	sdelay $0x1  }
0x8a: {  	s1 =	srdreg.scid  }
0x8b: {  	s0 =	sand.u32 $0x1, s1  }
0x8c: {  	s17 =	sshll.u32 s0, $0xA;
	s2 =	sadd.s32 s3, s2  }
0x8d: {  	s2 =	sadd.s32 s2, s17  }
0x8e: {  	[smem:$0x3FC5] =	sst s2  }
0x8f: {  	_ = 	snop  }
0x90: {  	s2 =	sld [smem:$0x3FC9]  }
0x91: {  	s18 =	sld [smem:$0x3FC7]  }
0x92: {  	s4 =	sld [smem:$0x3FD0];
	(tm) =	ssettm $0x1  }
0x93: {  	s5 =	sld [smem:$0x3FFB];
	_ =	sdelay $0x3  }
0x94: {  	_ =	strace s5  }
0x95: {  	s5 =	sld [smem:$0x3FFC];
	_ =	sdelay $0x3  }
0x96: {  	_ =	strace s5  }
0x97: {  	s5 =	sld [smem:$0x3FFD];
	_ =	sdelay $0x3  }
0x98: {  	_ =	strace s5  }
0x99: {  	_ =	strace $0x8FFFFFFF  }
0x9a: {  	s19 =	sld [smem:$0x3FDB];
	_ =	sdelay $0x1  }
0x9b: {  	s6 =	simm.s32 $_scs_section_size  }
0x9c: {  	s7 =	simm.s32 $_size__tile_overlayer_lowered;
	s8 =	simm.s32 $_tile_overlayer_lowered  }
0x9d: {  	s22 =	simm.s32 $0x1BFF;
	s21 =	sshll.u32 s8, $0x1;
	s5 =	sadd.s32 s6, s19  }
0x9e: {  	s9 =	simm.s32 $0x0;
	s20 =	sshll.u32 s7, $0x1;
	s7 =	sadd.s32 s21, s5  }
0x9f: {  	[timem:s9], [sflag:s22] =	dma.local [hbm:s7], s20  }
0xa0: {  	_ =	swait.ge [sflag:s22], s20  }
0xa1: {  	s6 =	ssub.s32 $0x0, s20;
	[sflag:s22] =	ssyncset.done $0x0  }
0xa2: {  	[sflag:s22] =	ssyncadd.s32 s6;
	_ =	sdelay $0x1  }
0xa3: {  	s23 =	simm.s32 $0x1B8B  }
0xa4: {  	_ =	swait.ge [sflag:s23], $0x1  }
0xa5: {  	[sflag:s23] =	ssyncset.done $0x0  }
0xa6: {  	s25 =	simm.s32 $0x1B8E;
	s24 =	sld [smem:$0x3FFE];
	[sflag:s23] =	ssyncadd.s32 $0xFFFFFFFF  }
0xa7: {  	s26 =	simm.s32 $execute0_lowered;
	[smem:$0x3FD2] =	sst s25  }
0xa8: {  	s7 =	sshll.u32 s26, $0x1;
	_ =	strace $0x80000049;
	[dreg:$0x1] =	wrdreg $0xFFFFFFFF  }
0xa9: {  	s28 =	simm.s32 $_size_execute0_lowered;
	s5 =	sadd.s32 s5, s7;
	[dreg:$0x0] =	wrdreg $0x0  }
0xaa: {  	s7 =	sshll.u32 s28, $0x1;
	[dreg:$0x2] =	wrdreg s5  }
0xab: {  	[dreg:$0x3] =	wrdreg s7  }
0xac: {  	[dreg:$0x4] =	wrdreg $0xC0  }
0xad: {  	_ =	task [dreg:s9], $0x5FFFF  }
0xae: {  	[dreg:$0x1] =	wrdreg $0xFFFFFFFF  }
0xaf: {  	[dreg:$0x0] =	wrdreg $0x60  }
0xb0: {  	[dreg:$0x2] =	wrdreg s2  }
0xb1: {  	[dreg:$0x3] =	wrdreg s24  }
0xb2: {  	[dreg:$0x4] =	wrdreg s18  }
0xb3: {  	[dreg:$0x5] =	wrdreg s4  }
0xb4: {  	[dreg:$0x6] =	wrdreg $0x9  }
0xb5: {  	_ =	task.clear_ibuf [dreg:s9], $0x7FFFF;
	_ =	strace $0x90000049  }
0xb6: {  	s29 =	simm.s32 $0x9;
	_ =	strace $0x8000004B  }
0xb7: {  	_ =	swait.ge [sflag:s29], $0x1  }
0xb8: {  	[sflag:s29] =	ssyncadd.s32 $0xFFFFFFFF  }
0xb9: {  	_ =	strace $0x9000004B  }
0xba: {  	_ =	sfence  }
0xbb: {  	s30 =	sld [smem:$0x0];
	_ =	sdelay $0x2  }
0xbc: {  	s31 =	sshll.u32 s1, $0xD;
	s1 =	sshrl.u32 s1, $0x2  }
0xbd: {  	s3 =	sand.u32 $0x4000, s31;
	s1 =	sadd.s32 s1, s30  }
0xbe: {  	s0 =	sor.u32 s3, s0;
	s1 =	sshll.u32 s1, $0x11  }
0xbf: {  	s0 =	sor.u32 s1, s0  }
0xc0: {  	s0 =	sadd.s32 $0x8F2B, s0  }
0xc1: {  	[sflag:s0] =	ssyncadd.remote.s32 $0x1  }
0xc2: {  	_ =	sfence.sel $0xFFFF  }
0xc3: {  	[dreg:$0x0] =	wrdreg $0xFFFFFFFF;
	(pc) =	sbr.abs _section_cstart, $3  }
0xc4: {  	[dreg:$0x1] =	wrdreg $0xFFFFFFFF  }
0xc5: {  	_ =	task.clear_ibuf [dreg:s9], $0x2FFFF;
	_ =	strace $0x9FFFFFFF  }
0xc6: {  	(tm) =	ssettm $0x7FFFFFFF  }
0xc7: {  	_ =	shalt  }
tec
execute0_lowered:
.L_overlay_start_1:
0x0: {  	(tag) =	ssettag $0x1  }
0x1: {  	s0 =	rddreg [dreg:$0x0]  }
0x2: {  	s1 =	rddreg [dreg:$0x1]  }
0x3: {  	s2 =	rddreg [dreg:$0x3];
	s3 =	srdreg.scid  }
0x4: {  	s4 =	stileid.u32;
	s7 =	simm.s32 $0x0;
	s3 =	sand.u32 $0x1, s3  }
0x5: {  	s4 =	sshll.u32 s4, $0x8;
	s5 =	sshll.u32 s3, $0x7;
	s3 =	ssub.s32 $0x2, s3  }
0x6: {  	[smem:$0x7FF] =	sst s7;
	s4 =	sor.u32 s5, s4;
	s6 =	sshrl.u32 s3, $0x1  }
0x7: {  	_ =	strace $0x8000004A;
	s5 =	sshll.u32 s4, $0x5;
	s3 =	ssub.s32 s3, s6  }
0x8: {  	s4 =	sshrl.u32 s4, $0x3;
	s5 =	sadd.s32 $0x10000, s5;
	s31 =	smax.u32 s3, $0x1  }
0x9: {  	s1 =	sadd.s32 s4, s1;
	s0 =	sadd.s32 s0, s5;
	[dreg:$0x10] =	wrdreg s31  }
0xa: {  	v2 =	vlaneseq.u32;
	s29 =	sadd.s32 $0x2600, s1;
	[dreg:$0xd] =	wrdreg s0  }
0xb: {  	vm0 =	vmmov $0xffff;
	v1 =	vshrl.u32 v2, $0x3;
	s3 =	simm.s32 $0x80;
	s30 =	sadd.s32 s2, s5;
	[dreg:$0xe] =	wrdreg s29  }
0xc: {  	v0 =	vand.u32 $0x7, v2;
	v2 =	vor.u32 $0x8, v2;
	v1 =	vmul.u32 $0x8, v1;
	s2 =	simm.s32 $0x3;
	s1 =	simm.s32 $0x0;
	[dreg:$0xf] =	wrdreg s30  }
.LBB2_1:
0xd: {  	[dreg:$0x11] =	wrdreg s1  }
0xe: {  	s0 =	rddreg [dreg:$0xd];
	s6 =	simm.s32 $0x8080  }
0xf: {  	[tilespmem:s6], [sflag:$0x2] =	stream.linear.gather [hbm4b:s0+s7], $0x8000, $0x38;
	[tilespmem:$0x10080] =	vst v63  }
0x10: {  	s8 =	rddreg [dreg:$0xe]  }
0x11: {  	[tilespmem:s7], [sflag:$0x3] =	stream.linear.gather [hbm4b:s8+s7], $0x80, $0x38;
	[tilespmem:$0x10080] =	vst v63  }
0x12: {  	_ =	swait.ge [sflag:s2], $0x80  }
0x13: {  	[sflag:s2] =	ssyncset.done $0x0  }
0x14: {  	[sflag:s2] =	ssyncadd.s32 $0xFFFFFF80  }
0x15: {  	v3 =	vld [tilespmem:$0x0];
	_ =	sdelay $0x4  }
0x16: {  	v4 =	vshll.u32 v3, $0x1  }
0x17: {  	v3 =	vand.u32 $0x7, v3;
	v4 =	vand.u32 $0xFFFFFFF0, v4  }
0x18: {  	v3 =	vor.u32 v3, v4  }
0x19: {  	v4 =	vperm.xlane v3, v0;
	_ =	sdelay $0x1  }
0x1a: {  	v3 =	vperm.xlane v3, v2;
	v4 =	vadd.s32 v1, v4;
	_ =	sdelay $0x1  }
0x1b: {  	v3 =	vadd.s32 v1, v3;
	_ =	sdelay $0x1  }
0x1c: {  	s9 =	rddreg [dreg:$0x2]  }
0x1d: {  	[tilespmem:s3], [sflag:$0x1] =	stream.indirect_vreg.gather [hbm4b:s9+s7], $0x80, v4, vm0, $0xb8;
	[tilespmem:$0x10080] =	vst v63  }
0x1e: {  	s10 =	simm.s32 $0x880  }
0x1f: {  	[tilespmem:s10], [sflag:$0x1] =	stream.indirect_vreg.gather [hbm4b:s9+s7], $0x80, v3, vm0, $0xb8;
	[tilespmem:$0x10080] =	vst v63  }
0x20: {  	v3 =	vld [tilespmem:$0x10];
	_ =	sdelay $0x4  }
0x21: {  	v4 =	vshll.u32 v3, $0x1  }
0x22: {  	v3 =	vand.u32 $0x7, v3;
	v4 =	vand.u32 $0xFFFFFFF0, v4  }
0x23: {  	v3 =	vor.u32 v3, v4  }
0x24: {  	v4 =	vperm.xlane v3, v0;
	_ =	sdelay $0x1  }
0x25: {  	v3 =	vperm.xlane v3, v2;
	v4 =	vadd.s32 v1, v4;
	_ =	sdelay $0x1  }
0x26: {  	v3 =	vadd.s32 v1, v3;
	_ =	sdelay $0x1  }
0x27: {  	s11 =	simm.s32 $0x1080  }
0x28: {  	[tilespmem:s11], [sflag:$0x1] =	stream.indirect_vreg.gather [hbm4b:s9+s7], $0x80, v4, vm0, $0xb8;
	[tilespmem:$0x10080] =	vst v63  }
0x29: {  	s12 =	simm.s32 $0x1880  }
0x2a: {  	[tilespmem:s12], [sflag:$0x1] =	stream.indirect_vreg.gather [hbm4b:s9+s7], $0x80, v3, vm0, $0xb8;
	[tilespmem:$0x10080] =	vst v63  }
0x2b: {  	v3 =	vld [tilespmem:$0x20];
	_ =	sdelay $0x4  }
0x2c: {  	v4 =	vshll.u32 v3, $0x1  }
0x2d: {  	v3 =	vand.u32 $0x7, v3;
	v4 =	vand.u32 $0xFFFFFFF0, v4  }
0x2e: {  	v3 =	vor.u32 v3, v4  }
0x2f: {  	v4 =	vperm.xlane v3, v0;
	_ =	sdelay $0x1  }
0x30: {  	v3 =	vperm.xlane v3, v2;
	v4 =	vadd.s32 v1, v4;
	_ =	sdelay $0x1  }
0x31: {  	v3 =	vadd.s32 v1, v3;
	_ =	sdelay $0x1  }
0x32: {  	s13 =	simm.s32 $0x2080  }
0x33: {  	[tilespmem:s13], [sflag:$0x1] =	stream.indirect_vreg.gather [hbm4b:s9+s7], $0x80, v4, vm0, $0xb8;
	[tilespmem:$0x10080] =	vst v63  }
0x34: {  	s14 =	simm.s32 $0x2880  }
0x35: {  	[tilespmem:s14], [sflag:$0x1] =	stream.indirect_vreg.gather [hbm4b:s9+s7], $0x80, v3, vm0, $0xb8;
	[tilespmem:$0x10080] =	vst v63  }
0x36: {  	v3 =	vld [tilespmem:$0x30];
	_ =	sdelay $0x4  }
0x37: {  	v4 =	vshll.u32 v3, $0x1  }
0x38: {  	v3 =	vand.u32 $0x7, v3;
	v4 =	vand.u32 $0xFFFFFFF0, v4  }
0x39: {  	v3 =	vor.u32 v3, v4  }
0x3a: {  	v4 =	vperm.xlane v3, v0;
	_ =	sdelay $0x1  }
0x3b: {  	v3 =	vperm.xlane v3, v2;
	v4 =	vadd.s32 v1, v4;
	_ =	sdelay $0x1  }
0x3c: {  	v3 =	vadd.s32 v1, v3;
	_ =	sdelay $0x1  }
0x3d: {  	s15 =	simm.s32 $0x3080  }
0x3e: {  	[tilespmem:s15], [sflag:$0x1] =	stream.indirect_vreg.gather [hbm4b:s9+s7], $0x80, v4, vm0, $0xb8;
	[tilespmem:$0x10080] =	vst v63  }
0x3f: {  	s16 =	simm.s32 $0x3880  }
0x40: {  	[tilespmem:s16], [sflag:$0x1] =	stream.indirect_vreg.gather [hbm4b:s9+s7], $0x80, v3, vm0, $0xb8;
	[tilespmem:$0x10080] =	vst v63  }
0x41: {  	v3 =	vld [tilespmem:$0x40];
	_ =	sdelay $0x4  }
0x42: {  	v4 =	vshll.u32 v3, $0x1  }
0x43: {  	v3 =	vand.u32 $0x7, v3;
	v4 =	vand.u32 $0xFFFFFFF0, v4  }
0x44: {  	v3 =	vor.u32 v3, v4  }
0x45: {  	v4 =	vperm.xlane v3, v0;
	_ =	sdelay $0x1  }
0x46: {  	v3 =	vperm.xlane v3, v2;
	v4 =	vadd.s32 v1, v4;
	_ =	sdelay $0x1  }
0x47: {  	v3 =	vadd.s32 v1, v3;
	_ =	sdelay $0x1  }
0x48: {  	s17 =	simm.s32 $0x4080  }
0x49: {  	[tilespmem:s17], [sflag:$0x1] =	stream.indirect_vreg.gather [hbm4b:s9+s7], $0x80, v4, vm0, $0xb8;
	[tilespmem:$0x10080] =	vst v63  }
0x4a: {  	s18 =	simm.s32 $0x4880  }
0x4b: {  	[tilespmem:s18], [sflag:$0x1] =	stream.indirect_vreg.gather [hbm4b:s9+s7], $0x80, v3, vm0, $0xb8;
	[tilespmem:$0x10080] =	vst v63  }
0x4c: {  	v3 =	vld [tilespmem:$0x50];
	_ =	sdelay $0x4  }
0x4d: {  	v4 =	vshll.u32 v3, $0x1  }
0x4e: {  	v3 =	vand.u32 $0x7, v3;
	v4 =	vand.u32 $0xFFFFFFF0, v4  }
0x4f: {  	v3 =	vor.u32 v3, v4  }
0x50: {  	v4 =	vperm.xlane v3, v0;
	_ =	sdelay $0x1  }
0x51: {  	v3 =	vperm.xlane v3, v2;
	v4 =	vadd.s32 v1, v4;
	_ =	sdelay $0x1  }
0x52: {  	v3 =	vadd.s32 v1, v3;
	_ =	sdelay $0x1  }
0x53: {  	s19 =	simm.s32 $0x5080  }
0x54: {  	[tilespmem:s19], [sflag:$0x1] =	stream.indirect_vreg.gather [hbm4b:s9+s7], $0x80, v4, vm0, $0xb8;
	[tilespmem:$0x10080] =	vst v63  }
0x55: {  	s20 =	simm.s32 $0x5880  }
0x56: {  	[tilespmem:s20], [sflag:$0x1] =	stream.indirect_vreg.gather [hbm4b:s9+s7], $0x80, v3, vm0, $0xb8;
	[tilespmem:$0x10080] =	vst v63  }
0x57: {  	v3 =	vld [tilespmem:$0x60];
	_ =	sdelay $0x4  }
0x58: {  	v4 =	vshll.u32 v3, $0x1  }
0x59: {  	v3 =	vand.u32 $0x7, v3;
	v4 =	vand.u32 $0xFFFFFFF0, v4  }
0x5a: {  	v3 =	vor.u32 v3, v4  }
0x5b: {  	v4 =	vperm.xlane v3, v0;
	_ =	sdelay $0x1  }
0x5c: {  	v3 =	vperm.xlane v3, v2;
	v4 =	vadd.s32 v1, v4;
	_ =	sdelay $0x1  }
0x5d: {  	v3 =	vadd.s32 v1, v3;
	_ =	sdelay $0x1  }
0x5e: {  	s21 =	simm.s32 $0x6080  }
0x5f: {  	[tilespmem:s21], [sflag:$0x1] =	stream.indirect_vreg.gather [hbm4b:s9+s7], $0x80, v4, vm0, $0xb8;
	[tilespmem:$0x10080] =	vst v63  }
0x60: {  	s22 =	simm.s32 $0x6880  }
0x61: {  	[tilespmem:s22], [sflag:$0x1] =	stream.indirect_vreg.gather [hbm4b:s9+s7], $0x80, v3, vm0, $0xb8;
	[tilespmem:$0x10080] =	vst v63  }
0x62: {  	v3 =	vld [tilespmem:$0x70];
	_ =	sdelay $0x4  }
0x63: {  	v4 =	vshll.u32 v3, $0x1  }
0x64: {  	v3 =	vand.u32 $0x7, v3;
	v4 =	vand.u32 $0xFFFFFFF0, v4  }
0x65: {  	v3 =	vor.u32 v3, v4  }
0x66: {  	v4 =	vperm.xlane v3, v0;
	_ =	sdelay $0x1  }
0x67: {  	v3 =	vperm.xlane v3, v2;
	v4 =	vadd.s32 v1, v4;
	_ =	sdelay $0x1  }
0x68: {  	v3 =	vadd.s32 v1, v3;
	_ =	sdelay $0x1  }
0x69: {  	s23 =	simm.s32 $0x7080  }
0x6a: {  	[tilespmem:s23], [sflag:$0x1] =	stream.indirect_vreg.gather [hbm4b:s9+s7], $0x80, v4, vm0, $0xb8;
	[tilespmem:$0x10080] =	vst v63  }
0x6b: {  	s24 =	simm.s32 $0x7880;
	s25 =	simm.s32 $0x2  }
0x6c: {  	[tilespmem:s24], [sflag:$0x1] =	stream.indirect_vreg.gather [hbm4b:s9+s7], $0x80, v3, vm0, $0xb8;
	[tilespmem:$0x10080] =	vst v63  }
0x6d: {  	_ =	swait.ge [sflag:s25], $0x8000  }
0x6e: {  	[sflag:s25] =	ssyncset.done $0x0  }
0x6f: {  	s26 =	simm.s32 $0x1;
	[sflag:s25] =	ssyncadd.s32 $0xFFFF8000  }
0x70: {  	_ =	swait.ge [sflag:s26], $0x8000  }
0x71: {  	s28 =	sand.u32 $0x7800, s7;
	s29 =	sand.u32 $0x200, s7;
	[sflag:s26] =	ssyncset.done $0x0  }
0x72: {  	s30 =	sor.u32 s29, s28;
	[sflag:s26] =	ssyncadd.s32 $0xFFFF8000  }
0x73: {  	v3 =	vld [tilespmem:s30+$0x200]  }
0x74: {  	v4 =	vld [tilespmem:s30+$0x8200]  }
0x75: {  	v5 =	vld [tilespmem:s30+$0x210]  }
0x76: {  	v6 =	vld [tilespmem:s30+$0x8210]  }
0x77: {  	v7 =	vld [tilespmem:s30+$0x220]  }
0x78: {  	v8 =	vld [tilespmem:s30+$0x8220]  }
0x79: {  	v9 =	vld [tilespmem:s30+$0x230]  }
0x7a: {  	v10 =	vld [tilespmem:s30+$0x8230]  }
0x7b: {  	v11 =	vld [tilespmem:s30+$0x240]  }
0x7c: {  	v12 =	vld [tilespmem:s30+$0x250]  }
0x7d: {  	v13 =	vld [tilespmem:s30+$0x8250]  }
0x7e: {  	v14 =	vld [tilespmem:s30+$0x260]  }
0x7f: {  	v15 =	vld [tilespmem:s30+$0x8260]  }
0x80: {  	v57 =	vld [tilespmem:s30+$0x80B0]  }
0x81: {  	v58 =	vld [tilespmem:s30+$0xC0]  }
0x82: {  	v59 =	vld [tilespmem:s30+$0x80C0]  }
0x83: {  	v60 =	vld [tilespmem:s30+$0xD0]  }
0x84: {  	v16 =	vld [tilespmem:s30+$0xE0]  }
0x85: {  	v18 =	vld [tilespmem:s30+$0x80E0]  }
0x86: {  	v19 =	vld [tilespmem:s30+$0xF0]  }
0x87: {  	v20 =	vld [tilespmem:s30+$0x80F0]  }
0x88: {  	v21 =	vld [tilespmem:s30+$0x100]  }
0x89: {  	v22 =	vld [tilespmem:s30+$0x8100]  }
0x8a: {  	v61 =	vld [tilespmem:s30+$0x110]  }
0x8b: {  	v23 =	vld [tilespmem:s30+$0x8110]  }
0x8c: {  	v25 =	vld [tilespmem:s30+$0x120]  }
0x8d: {  	v3 =	vadd.f32 v4, v3;
	v4 =	vld [tilespmem:s30+$0x270]  }
0x8e: {  	v5 =	vadd.f32 v6, v5;
	v6 =	vld [tilespmem:s30+$0x8270]  }
0x8f: {  	[tilespmem:s30+$0x200] =	vst v3;
	v3 =	vadd.f32 v8, v7;
	v7 =	vld [tilespmem:s30+$0x8240]  }
0x90: {  	v26 =	vld [tilespmem:s30+$0x8120];
	[tilespmem:s30+$0x210] =	vst v5;
	v5 =	vadd.f32 v10, v9  }
0x91: {  	p0 =	por $0x0, $0x0;
	s0 =	simm.s32 $0x1;
	v27 =	vld [tilespmem:s30+$0x130];
	[tilespmem:s30+$0x220] =	vst v3;
	v3 =	vadd.f32 v13, v12  }
0x92: {  	s0 =	simm.s32 @!p0 $0x0;
	v28 =	vld [tilespmem:s30+$0x8130];
	[tilespmem:s30+$0x230] =	vst v5;
	v5 =	vadd.f32 v15, v14  }
0x93: {  	s0 =	sshll.u32 s0, $0x9;
	v29 =	vld [tilespmem:s30+$0x140];
	[tilespmem:s30+$0x250] =	vst v3;
	v3 =	vadd.f32 v6, v4  }
0x94: {  	s0 =	sadd.s32 $0x0, s0;
	v30 =	vld [tilespmem:s30+$0x8140];
	[tilespmem:s30+$0x260] =	vst v5;
	v6 =	vadd.f32 v7, v11  }
0x95: {  	s31 =	sadd.s32 $0x180, s0;
	v31 =	vld [tilespmem:s30+$0x150];
	[tilespmem:s30+$0x270] =	vst v3  }
0x96: {  	s7 =	sor.u32 $0x400, s31;
	v32 =	vld [tilespmem:s30+$0x8150];
	[tilespmem:s30+$0x240] =	vst v6  }
0x97: {  	v6 =	vld [tilespmem:s7+$0x80]  }
0x98: {  	v7 =	vld [tilespmem:s7+$0x8080]  }
0x99: {  	v62 =	vld [tilespmem:s30+$0x190]  }
0x9a: {  	v8 =	vld [tilespmem:s30+$0x80]  }
0x9b: {  	v9 =	vld [tilespmem:s30+$0x8080]  }
0x9c: {  	v10 =	vld [tilespmem:s30+$0x90]  }
0x9d: {  	v4 =	vld [tilespmem:s30+$0x8090];
	v6 =	vadd.f32 v7, v6  }
0x9e: {  	v5 =	vld [tilespmem:s30+$0xA0]  }
0x9f: {  	s8 =	sor.u32 $0x410, s31;
	v11 =	vld [tilespmem:s30+$0xB0];
	[tilespmem:s7+$0x80] =	vst v6  }
0xa0: {  	v6 =	vld [tilespmem:s8+$0x80]  }
0xa1: {  	v17 =	vld [tilespmem:s8+$0x8080]  }
0xa2: {  	v3 =	vld [tilespmem:s30+$0x80A0]  }
0xa3: {  	v4 =	vadd.f32 v4, v10;
	v7 =	vld [tilespmem:s30+$0x80D0]  }
0xa4: {  	v63 =	vld [tilespmem:s30+$0x8190];
	v8 =	vadd.f32 v9, v8  }
0xa5: {  	v33 =	vld [tilespmem:s30+$0x81C0];
	[tilespmem:s30+$0x90] =	vst v4;
	v4 =	vadd.f32 v57, v11  }
0xa6: {  	v34 =	vld [tilespmem:s30+$0x1D0];
	[tilespmem:s30+$0x80] =	vst v8;
	v6 =	vadd.f32 v17, v6  }
0xa7: {  	v9 =	vld [tilespmem:s30+$0x160];
	v3 =	vadd.f32 v3, v5;
	[tilespmem:s30+$0xB0] =	vst v4  }
0xa8: {  	s9 =	sor.u32 $0x420, s31;
	v8 =	vld [tilespmem:s30+$0x8170];
	v4 =	vadd.f32 v7, v60;
	[tilespmem:s8+$0x80] =	vst v6  }
0xa9: {  	[tilespmem:s30+$0xA0] =	vst v3;
	v3 =	vadd.f32 v59, v58;
	v6 =	vld [tilespmem:s9+$0x80]  }
0xaa: {  	[tilespmem:s30+$0xD0] =	vst v4;
	v4 =	vadd.f32 v20, v19;
	v24 =	vld [tilespmem:s9+$0x8080]  }
0xab: {  	v10 =	vld [tilespmem:s30+$0x8160];
	[tilespmem:s30+$0xC0] =	vst v3;
	v3 =	vadd.f32 v18, v16  }
0xac: {  	v5 =	vld [tilespmem:s30+$0x170];
	[tilespmem:s30+$0xF0] =	vst v4;
	v4 =	vadd.f32 v23, v61  }
0xad: {  	v11 =	vld [tilespmem:s30+$0x180];
	[tilespmem:s30+$0xE0] =	vst v3;
	v3 =	vadd.f32 v22, v21  }
0xae: {  	v22 =	vld [tilespmem:s30+$0x1A0];
	[tilespmem:s30+$0x110] =	vst v4;
	v4 =	vadd.f32 v26, v25  }
0xaf: {  	v7 =	vld [tilespmem:s30+$0x8180];
	[tilespmem:s30+$0x100] =	vst v3;
	v3 =	vadd.f32 v24, v6  }
0xb0: {  	v23 =	vld [tilespmem:s30+$0x81A0];
	[tilespmem:s30+$0x120] =	vst v4;
	v4 =	vadd.f32 v30, v29  }
0xb1: {  	v26 =	vld [tilespmem:s30+$0x81B0];
	[tilespmem:s9+$0x80] =	vst v3;
	v3 =	vadd.f32 v28, v27  }
0xb2: {  	[tilespmem:s30+$0x140] =	vst v4;
	v4 =	vadd.f32 v10, v9;
	v9 =	vld [tilespmem:s30+$0x81D0]  }
0xb3: {  	v28 =	vld [tilespmem:s30+$0x1C0];
	[tilespmem:s30+$0x130] =	vst v3;
	v3 =	vadd.f32 v32, v31  }
0xb4: {  	v6 =	vld [tilespmem:s30+$0x1B0];
	[tilespmem:s30+$0x160] =	vst v4;
	v4 =	vadd.f32 v7, v11  }
0xb5: {  	v7 =	vld [tilespmem:s30+$0x81E0];
	[tilespmem:s30+$0x150] =	vst v3;
	v3 =	vadd.f32 v8, v5  }
0xb6: {  	[tilespmem:s30+$0x180] =	vst v4;
	v4 =	vadd.f32 v23, v22;
	v5 =	vld [tilespmem:s30+$0x1E0]  }
0xb7: {  	v10 =	vld [tilespmem:s30+$0x81F0];
	[tilespmem:s30+$0x170] =	vst v3;
	v3 =	vadd.f32 v63, v62  }
0xb8: {  	s4 =	sor.u32 $0x400, s0;
	[tilespmem:s30+$0x1A0] =	vst v4;
	v8 =	vld [tilespmem:s30+$0x1F0];
	v4 =	vadd.f32 v33, v28  }
0xb9: {  	s8 =	sadd.s32 $0x80, s0;
	v11 =	vld [tilespmem:s4+$0x8080];
	[tilespmem:s30+$0x190] =	vst v3;
	v3 =	vadd.f32 v26, v6  }
0xba: {  	s5 =	sor.u32 $0x400, s8;
	[tilespmem:s30+$0x1C0] =	vst v4;
	v6 =	vld [tilespmem:s4+$0x80]  }
0xbb: {  	v4 =	vadd.f32 v7, v5;
	v5 =	vld [tilespmem:s5+$0x8080];
	[tilespmem:s30+$0x1B0] =	vst v3;
	v3 =	vadd.f32 v9, v34  }
0xbc: {  	v9 =	vld [tilespmem:s5+$0x80]  }
0xbd: {  	s6 =	sor.u32 $0x430, s31;
	[tilespmem:s30+$0x1D0] =	vst v3;
	v3 =	vadd.f32 v10, v8  }
0xbe: {  	s1 =	sadd.s32 $0x100, s0;
	v7 =	vld [tilespmem:s6+$0x80];
	[tilespmem:s30+$0x1E0] =	vst v4  }
0xbf: {  	s10 =	sor.u32 $0x400, s1;
	v4 =	vld [tilespmem:s6+$0x8080];
	[tilespmem:s30+$0x1F0] =	vst v3;
	v3 =	vadd.f32 v11, v6  }
0xc0: {  	v6 =	vld [tilespmem:s10+$0x80]  }
0xc1: {  	s11 =	sor.u32 $0x410, s0;
	v8 =	vld [tilespmem:s10+$0x8080];
	[tilespmem:s4+$0x80] =	vst v3;
	v3 =	vadd.f32 v5, v9  }
0xc2: {  	v5 =	vld [tilespmem:s11+$0x80]  }
0xc3: {  	s28 =	simm.s32 $0x200;
	s29 =	simm.s32 $0x400;
	s12 =	sor.u32 $0x410, s8;
	v9 =	vld [tilespmem:s11+$0x8080];
	[tilespmem:s5+$0x80] =	vst v3  }
0xc4: {  	s4 =	sand.u32 $0x200, s28;
	v3 =	vadd.f32 v4, v7;
	s5 =	sand.u32 $0x7800, s29;
	v4 =	vld [tilespmem:s12+$0x80]  }
0xc5: {  	v7 =	vld [tilespmem:s12+$0x8080];
	s5 =	sor.u32 s4, s5  }
0xc6: {  	v35 =	vld [tilespmem:s5+$0x210]  }
0xc7: {  	v36 =	vld [tilespmem:s5+$0x8210]  }
0xc8: {  	v37 =	vld [tilespmem:s5+$0x220]  }
0xc9: {  	v38 =	vld [tilespmem:s5+$0x8220]  }
0xca: {  	v39 =	vld [tilespmem:s5+$0x230]  }
0xcb: {  	v40 =	vld [tilespmem:s5+$0x8230]  }
0xcc: {  	v41 =	vld [tilespmem:s5+$0x240]  }
0xcd: {  	v42 =	vld [tilespmem:s5+$0x250]  }
0xce: {  	v43 =	vld [tilespmem:s5+$0x8250]  }
0xcf: {  	v44 =	vld [tilespmem:s5+$0x260]  }
0xd0: {  	v45 =	vld [tilespmem:s5+$0x8260]  }
0xd1: {  	v46 =	vld [tilespmem:s5+$0x8270]  }
0xd2: {  	v47 =	vld [tilespmem:s5+$0x8240]  }
0xd3: {  	v16 =	vld [tilespmem:s5+$0x80]  }
0xd4: {  	v17 =	vld [tilespmem:s5+$0x8080]  }
0xd5: {  	v19 =	vld [tilespmem:s5+$0x90]  }
0xd6: {  	v13 =	vld [tilespmem:s5+$0x8090]  }
0xd7: {  	v53 =	vld [tilespmem:s5+$0xB0]  }
0xd8: {  	s13 =	sor.u32 $0x440, s31;
	[tilespmem:s6+$0x80] =	vst v3;
	v3 =	vadd.f32 v8, v6;
	v54 =	vld [tilespmem:s5+$0x80B0]  }
0xd9: {  	v6 =	vld [tilespmem:s13+$0x80]  }
0xda: {  	s14 =	sor.u32 $0x410, s1;
	v8 =	vld [tilespmem:s13+$0x8080];
	[tilespmem:s10+$0x80] =	vst v3;
	v3 =	vadd.f32 v9, v5  }
0xdb: {  	v5 =	vld [tilespmem:s14+$0x80]  }
0xdc: {  	s15 =	sor.u32 $0x420, s0;
	v9 =	vld [tilespmem:s14+$0x8080];
	[tilespmem:s11+$0x80] =	vst v3;
	v3 =	vadd.f32 v7, v4  }
0xdd: {  	v4 =	vld [tilespmem:s15+$0x80]  }
0xde: {  	s16 =	sor.u32 $0x420, s8;
	v7 =	vld [tilespmem:s15+$0x8080];
	[tilespmem:s12+$0x80] =	vst v3  }
0xdf: {  	v3 =	vadd.f32 v8, v6;
	v6 =	vld [tilespmem:s16+$0x80]  }
0xe0: {  	v8 =	vld [tilespmem:s16+$0x8080]  }
0xe1: {  	s17 =	sor.u32 $0x450, s31;
	v55 =	vld [tilespmem:s5+$0xC0];
	[tilespmem:s13+$0x80] =	vst v3;
	v3 =	vadd.f32 v9, v5  }
0xe2: {  	v5 =	vld [tilespmem:s17+$0x80]  }
0xe3: {  	s18 =	sor.u32 $0x420, s1;
	v9 =	vld [tilespmem:s17+$0x8080];
	[tilespmem:s14+$0x80] =	vst v3;
	v3 =	vadd.f32 v7, v4  }
0xe4: {  	v4 =	vld [tilespmem:s18+$0x80]  }
0xe5: {  	s19 =	sor.u32 $0x430, s0;
	v7 =	vld [tilespmem:s18+$0x8080];
	[tilespmem:s15+$0x80] =	vst v3;
	v3 =	vadd.f32 v8, v6  }
0xe6: {  	v6 =	vld [tilespmem:s19+$0x80]  }
0xe7: {  	s20 =	sor.u32 $0x430, s8;
	v8 =	vld [tilespmem:s19+$0x8080];
	[tilespmem:s16+$0x80] =	vst v3  }
0xe8: {  	v3 =	vadd.f32 v9, v5;
	v5 =	vld [tilespmem:s20+$0x80]  }
0xe9: {  	v9 =	vld [tilespmem:s20+$0x8080]  }
0xea: {  	s21 =	sor.u32 $0x460, s31;
	v56 =	vld [tilespmem:s5+$0x80C0];
	[tilespmem:s17+$0x80] =	vst v3;
	v3 =	vadd.f32 v7, v4  }
0xeb: {  	v4 =	vld [tilespmem:s21+$0x80]  }
0xec: {  	v7 =	vld [tilespmem:s21+$0x8080];
	[tilespmem:s18+$0x80] =	vst v3;
	v3 =	vadd.f32 v8, v6  }
0xed: {  	v57 =	vld [tilespmem:s5+$0xD0]  }
0xee: {  	s22 =	sor.u32 $0x430, s1;
	v58 =	vld [tilespmem:s5+$0x80D0];
	[tilespmem:s19+$0x80] =	vst v3;
	v3 =	vadd.f32 v9, v5  }
0xef: {  	v6 =	vld [tilespmem:s22+$0x80]  }
0xf0: {  	s24 =	sor.u32 $0x440, s8;
	v8 =	vld [tilespmem:s22+$0x8080];
	[tilespmem:s20+$0x80] =	vst v3  }
0xf1: {  	v3 =	vadd.f32 v7, v4;
	v7 =	vld [tilespmem:s24+$0x80]  }
0xf2: {  	v10 =	vld [tilespmem:s24+$0x8080]  }
0xf3: {  	v59 =	vld [tilespmem:s5+$0xE0]  }
0xf4: {  	v61 =	vld [tilespmem:s5+$0x80E0]  }
0xf5: {  	v62 =	vld [tilespmem:s5+$0xF0];
	v6 =	vadd.f32 v8, v6  }
0xf6: {  	v8 =	vld [tilespmem:s5+$0x200]  }
0xf7: {  	[tilespmem:s22+$0x80] =	vst v6;
	v6 =	vadd.f32 v10, v7;
	v10 =	vld [tilespmem:s5+$0x8200]  }
0xf8: {  	v63 =	vld [tilespmem:s5+$0x80F0]  }
0xf9: {  	v33 =	vld [tilespmem:s5+$0x120]  }
0xfa: {  	v34 =	vld [tilespmem:s5+$0x8120];
	v12 =	vadd.f32 v36, v35  }
0xfb: {  	v28 =	vld [tilespmem:s5+$0x81B0];
	v14 =	vadd.f32 v38, v37  }
0xfc: {  	v48 =	vadd.f32 v40, v39;
	[tilespmem:s5+$0x210] =	vst v12;
	v8 =	vadd.f32 v10, v8;
	v10 =	vld [tilespmem:s5+$0x270]  }
0xfd: {  	v30 =	vld [tilespmem:s5+$0x1C0];
	v49 =	vadd.f32 v43, v42;
	[tilespmem:s5+$0x220] =	vst v14  }
0xfe: {  	p0 =	por !p0, !p0;
	s4 =	simm.s32 $0x1;
	v50 =	vadd.f32 v45, v44;
	v44 =	vld [tilespmem:s5+$0x100];
	[tilespmem:s5+$0x230] =	vst v48  }
0xff: {  	s4 =	simm.s32 @!p0 $0x0;
	v51 =	vadd.f32 v47, v41;
	v45 =	vld [tilespmem:s5+$0x8100];
	[tilespmem:s5+$0x250] =	vst v49  }
0x100: {  	s4 =	sshll.u32 s4, $0x9;
	v47 =	vld [tilespmem:s5+$0x8110];
	[tilespmem:s5+$0x260] =	vst v50  }
0x101: {  	s4 =	sadd.s32 $0x400, s4;
	v35 =	vld [tilespmem:s5+$0x130];
	[tilespmem:s5+$0x240] =	vst v51;
	v10 =	vadd.f32 v46, v10  }
0x102: {  	s11 =	sor.u32 $0x470, s31;
	s31 =	sadd.s32 $0x180, s4;
	v36 =	vld [tilespmem:s5+$0x8130];
	[tilespmem:s5+$0x200] =	vst v8  }
0x103: {  	s9 =	sor.u32 $0x400, s31;
	v37 =	vld [tilespmem:s5+$0x140];
	[tilespmem:s5+$0x270] =	vst v10  }
0x104: {  	v14 =	vld [tilespmem:s9+$0x80]  }
0x105: {  	v52 =	vld [tilespmem:s9+$0x8080]  }
0x106: {  	v38 =	vld [tilespmem:s5+$0x150]  }
0x107: {  	v40 =	vld [tilespmem:s5+$0x8150]  }
0x108: {  	v41 =	vld [tilespmem:s5+$0x160]  }
0x109: {  	v29 =	vadd.f32 v34, v33;
	v34 =	vld [tilespmem:s5+$0x81C0]  }
0x10a: {  	v12 =	vld [tilespmem:s5+$0xA0];
	v14 =	vadd.f32 v52, v14  }
0x10b: {  	s23 =	sor.u32 $0x440, s0;
	v49 =	vld [tilespmem:s5+$0x8140]  }
0x10c: {  	s10 =	sor.u32 $0x410, s31;
	v5 =	vld [tilespmem:s23+$0x80];
	[tilespmem:s9+$0x80] =	vst v14  }
0x10d: {  	v14 =	vld [tilespmem:s10+$0x80]  }
0x10e: {  	v60 =	vld [tilespmem:s10+$0x8080]  }
0x10f: {  	v9 =	vld [tilespmem:s23+$0x8080]  }
0x110: {  	v50 =	vld [tilespmem:s5+$0x170]  }
0x111: {  	v51 =	vld [tilespmem:s5+$0x8170]  }
0x112: {  	v10 =	vld [tilespmem:s5+$0x80A0]  }
0x113: {  	s25 =	sor.u32 $0x440, s1;
	v32 =	vadd.f32 v49, v37;
	v37 =	vld [tilespmem:s5+$0x81E0];
	v14 =	vadd.f32 v60, v14  }
0x114: {  	v5 =	vadd.f32 v9, v5;
	v9 =	vld [tilespmem:s25+$0x80]  }
0x115: {  	s12 =	sor.u32 $0x420, s31;
	v11 =	vld [tilespmem:s25+$0x8080];
	[tilespmem:s10+$0x80] =	vst v14  }
0x116: {  	v14 =	vld [tilespmem:s12+$0x80]  }
0x117: {  	[tilespmem:s21+$0x80] =	vst v3;
	v10 =	vadd.f32 v10, v12;
	v48 =	vld [tilespmem:s12+$0x8080]  }
0x118: {  	s26 =	sor.u32 $0x450, s0;
	v16 =	vadd.f32 v17, v16;
	v3 =	vld [tilespmem:s11+$0x80];
	[tilespmem:s23+$0x80] =	vst v5  }
0x119: {  	v5 =	vld [tilespmem:s26+$0x80];
	[tilespmem:s5+$0xA0] =	vst v10;
	v10 =	vadd.f32 v56, v55  }
0x11a: {  	[tilespmem:s5+$0x80] =	vst v16;
	v9 =	vadd.f32 v11, v9;
	v11 =	vld [tilespmem:s5+$0x8160]  }
0x11b: {  	v46 =	vld [tilespmem:s5+$0x110];
	[tilespmem:s5+$0xC0] =	vst v10;
	v10 =	vadd.f32 v61, v59  }
0x11c: {  	s30 =	sor.u32 $0x450, s8;
	v7 =	vld [tilespmem:s26+$0x8080];
	[tilespmem:s24+$0x80] =	vst v6;
	v14 =	vadd.f32 v48, v14  }
0x11d: {  	v13 =	vadd.f32 v13, v19;
	v6 =	vld [tilespmem:s30+$0x80];
	[tilespmem:s5+$0xE0] =	vst v10  }
0x11e: {  	s13 =	sor.u32 $0x430, s31;
	v8 =	vld [tilespmem:s30+$0x8080];
	v10 =	vadd.f32 v45, v44;
	[tilespmem:s12+$0x80] =	vst v14  }
0x11f: {  	[tilespmem:s5+$0x90] =	vst v13;
	v11 =	vadd.f32 v11, v41;
	v14 =	vld [tilespmem:s13+$0x80]  }
0x120: {  	[tilespmem:s5+$0x100] =	vst v10;
	v10 =	vadd.f32 v47, v46;
	v39 =	vld [tilespmem:s13+$0x8080]  }
0x121: {  	v53 =	vadd.f32 v54, v53;
	[tilespmem:s5+$0x160] =	vst v11;
	v11 =	vld [tilespmem:s5+$0x1E0]  }
0x122: {  	v52 =	vld [tilespmem:s5+$0x180];
	[tilespmem:s5+$0x110] =	vst v10;
	v10 =	vadd.f32 v36, v35  }
0x123: {  	[tilespmem:s5+$0xB0] =	vst v53;
	v56 =	vadd.f32 v58, v57;
	v57 =	vld [tilespmem:s5+$0x190]  }
0x124: {  	v58 =	vld [tilespmem:s5+$0x8190];
	[tilespmem:s5+$0x130] =	vst v10;
	v10 =	vadd.f32 v40, v38  }
0x125: {  	[tilespmem:s25+$0x80] =	vst v9;
	v61 =	vld [tilespmem:s5+$0x81A0];
	v9 =	vadd.f32 v39, v14  }
0x126: {  	v60 =	vld [tilespmem:s5+$0x1A0];
	[tilespmem:s5+$0x150] =	vst v10  }
0x127: {  	s14 =	sor.u32 $0x440, s31;
	v59 =	vadd.f32 v63, v62;
	v63 =	vld [tilespmem:s5+$0x1B0];
	v10 =	vadd.f32 v51, v50;
	[tilespmem:s13+$0x80] =	vst v9  }
0x128: {  	[tilespmem:s5+$0x120] =	vst v29;
	v5 =	vadd.f32 v7, v5;
	v54 =	vld [tilespmem:s14+$0x80]  }
0x129: {  	[tilespmem:s5+$0x170] =	vst v10;
	v10 =	vadd.f32 v58, v57;
	v55 =	vld [tilespmem:s14+$0x8080]  }
0x12a: {  	[tilespmem:s26+$0x80] =	vst v5;
	v35 =	vld [tilespmem:s5+$0x1D0]  }
0x12b: {  	v36 =	vld [tilespmem:s5+$0x81D0];
	[tilespmem:s5+$0x190] =	vst v10;
	v10 =	vadd.f32 v61, v60  }
0x12c: {  	[tilespmem:s5+$0xD0] =	vst v56;
	v38 =	vld [tilespmem:s5+$0x1F0]  }
0x12d: {  	[tilespmem:s5+$0x1A0] =	vst v10;
	v10 =	vadd.f32 v34, v30;
	v39 =	vld [tilespmem:s5+$0x81F0]  }
0x12e: {  	[tilespmem:s5+$0xF0] =	vst v59;
	v9 =	vld [tilespmem:s5+$0x8180];
	s13 =	sor.u32 $0x400, s4;
	v62 =	vadd.f32 v55, v54  }
0x12f: {  	[tilespmem:s5+$0x1C0] =	vst v10;
	v10 =	vadd.f32 v37, v11;
	v11 =	vld [tilespmem:s13+$0x80]  }
0x130: {  	s15 =	sor.u32 $0x450, s31;
	v5 =	vadd.f32 v8, v6;
	v43 =	vld [tilespmem:s13+$0x8080];
	[tilespmem:s14+$0x80] =	vst v62  }
0x131: {  	[tilespmem:s5+$0x140] =	vst v32;
	v13 =	vadd.f32 v28, v63;
	v31 =	vld [tilespmem:s15+$0x80]  }
0x132: {  	[tilespmem:s30+$0x80] =	vst v5;
	v41 =	vadd.f32 v36, v35;
	v33 =	vld [tilespmem:s15+$0x8080]  }
0x133: {  	s7 =	sadd.s32 $0x80, s4;
	s19 =	sor.u32 $0x460, s0;
	v4 =	vld [tilespmem:s11+$0x8080];
	[tilespmem:s5+$0x1B0] =	vst v13  }
0x134: {  	v5 =	vld [tilespmem:s19+$0x8080];
	[tilespmem:s5+$0x1D0] =	vst v41;
	v44 =	vadd.f32 v39, v38;
	s14 =	sor.u32 $0x400, s7  }
0x135: {  	[tilespmem:s5+$0x1E0] =	vst v10;
	v9 =	vadd.f32 v9, v52;
	v45 =	vld [tilespmem:s14+$0x80]  }
0x136: {  	s10 =	sor.u32 $0x450, s1;
	[tilespmem:s5+$0x1F0] =	vst v44;
	v11 =	vadd.f32 v43, v11;
	v10 =	vld [tilespmem:s14+$0x8080]  }
0x137: {  	s20 =	sor.u32 $0x460, s8;
	v47 =	vld [tilespmem:s10+$0x8080];
	[tilespmem:s5+$0x180] =	vst v9;
	v9 =	vadd.f32 v33, v31  }
0x138: {  	s16 =	sor.u32 $0x410, s4;
	s9 =	sadd.s32 $0x100, s4;
	v55 =	vld [tilespmem:s20+$0x8080];
	[tilespmem:s13+$0x80] =	vst v11  }
0x139: {  	v49 =	vld [tilespmem:s16+$0x80];
	[tilespmem:s15+$0x80] =	vst v9;
	s15 =	sor.u32 $0x400, s9  }
0x13a: {  	v15 =	vld [tilespmem:s15+$0x80]  }
0x13b: {  	v10 =	vadd.f32 v10, v45;
	v46 =	vld [tilespmem:s15+$0x8080]  }
0x13c: {  	v9 =	vld [tilespmem:s10+$0x80]  }
0x13d: {  	s12 =	sor.u32 $0x460, s31;
	[tilespmem:s14+$0x80] =	vst v10;
	v10 =	vld [tilespmem:s16+$0x8080]  }
0x13e: {  	v40 =	vld [tilespmem:s12+$0x80]  }
0x13f: {  	s17 =	sor.u32 $0x410, s7;
	v42 =	vld [tilespmem:s12+$0x8080]  }
0x140: {  	v50 =	vld [tilespmem:s17+$0x80];
	v14 =	vadd.f32 v46, v15  }
0x141: {  	v7 =	vld [tilespmem:s17+$0x8080]  }
0x142: {  	s18 =	sor.u32 $0x410, s9;
	v8 =	vadd.f32 v10, v49;
	v10 =	vld [tilespmem:s19+$0x80];
	[tilespmem:s15+$0x80] =	vst v14  }
0x143: {  	v14 =	vld [tilespmem:s18+$0x80]  }
0x144: {  	v6 =	vld [tilespmem:s18+$0x8080]  }
0x145: {  	s21 =	sor.u32 $0x420, s4;
	v12 =	vadd.f32 v42, v40;
	[tilespmem:s16+$0x80] =	vst v8;
	v8 =	vld [tilespmem:s20+$0x80]  }
0x146: {  	v7 =	vadd.f32 v7, v50;
	v51 =	vld [tilespmem:s21+$0x80]  }
0x147: {  	s5 =	sor.u32 $0x470, s31;
	[tilespmem:s12+$0x80] =	vst v12;
	v52 =	vld [tilespmem:s21+$0x8080]  }
0x148: {  	s22 =	sor.u32 $0x420, s7;
	[tilespmem:s17+$0x80] =	vst v7;
	v48 =	vld [tilespmem:s5+$0x80]  }
0x149: {  	v7 =	vld [tilespmem:s22+$0x80];
	v6 =	vadd.f32 v6, v14  }
0x14a: {  	v53 =	vld [tilespmem:s22+$0x8080];
	v5 =	vadd.f32 v5, v10  }
0x14b: {  	s23 =	sor.u32 $0x420, s9;
	v11 =	vld [tilespmem:s5+$0x8080];
	[tilespmem:s18+$0x80] =	vst v6;
	v6 =	vadd.f32 v47, v9  }
0x14c: {  	[tilespmem:s19+$0x80] =	vst v5;
	v9 =	vld [tilespmem:s23+$0x80]  }
0x14d: {  	s29 =	sor.u32 $0x470, s0;
	v54 =	vld [tilespmem:s23+$0x8080];
	[tilespmem:s10+$0x80] =	vst v6;
	v6 =	vadd.f32 v52, v51  }
0x14e: {  	v59 =	vld [tilespmem:s29+$0x80]  }
0x14f: {  	s25 =	sor.u32 $0x430, s4;
	v60 =	vld [tilespmem:s29+$0x8080];
	[tilespmem:s21+$0x80] =	vst v6;
	v6 =	vadd.f32 v53, v7  }
0x150: {  	v57 =	vld [tilespmem:s25+$0x80]  }
0x151: {  	s26 =	sor.u32 $0x430, s7;
	v5 =	vadd.f32 v55, v8;
	[tilespmem:s22+$0x80] =	vst v6;
	v6 =	vld [tilespmem:s25+$0x8080]  }
0x152: {  	v9 =	vadd.f32 v54, v9;
	v58 =	vld [tilespmem:s26+$0x80]  }
0x153: {  	s19 =	sor.u32 $0x470, s8;
	[tilespmem:s20+$0x80] =	vst v5;
	v10 =	vld [tilespmem:s26+$0x8080]  }
0x154: {  	s28 =	sor.u32 $0x430, s9;
	v63 =	vld [tilespmem:s19+$0x8080];
	[tilespmem:s23+$0x80] =	vst v9  }
0x155: {  	v9 =	vld [tilespmem:s28+$0x80]  }
0x156: {  	s24 =	sor.u32 $0x460, s1;
	v8 =	vld [tilespmem:s28+$0x8080];
	v6 =	vadd.f32 v6, v57  }
0x157: {  	v56 =	vld [tilespmem:s24+$0x80]  }
0x158: {  	s30 =	sor.u32 $0x440, s4;
	v7 =	vld [tilespmem:s24+$0x8080];
	v5 =	vadd.f32 v10, v58;
	[tilespmem:s25+$0x80] =	vst v6  }
0x159: {  	v6 =	vld [tilespmem:s30+$0x80]  }
0x15a: {  	s31 =	sor.u32 $0x440, s7;
	v61 =	vld [tilespmem:s30+$0x8080];
	[tilespmem:s26+$0x80] =	vst v5  }
0x15b: {  	v5 =	vadd.f32 v8, v9;
	v8 =	vld [tilespmem:s31+$0x80]  }
0x15c: {  	v9 =	vld [tilespmem:s31+$0x8080]  }
0x15d: {  	s18 =	sor.u32 $0x440, s9;
	v10 =	vld [tilespmem:s19+$0x80];
	[tilespmem:s28+$0x80] =	vst v5;
	v5 =	vadd.f32 v7, v56  }
0x15e: {  	v3 =	vadd.f32 v4, v3;
	v7 =	vld [tilespmem:s18+$0x80]  }
0x15f: {  	s6 =	sor.u32 $0x470, s1;
	v62 =	vld [tilespmem:s18+$0x8080];
	[tilespmem:s24+$0x80] =	vst v5;
	v5 =	vadd.f32 v61, v6  }
0x160: {  	[tilespmem:s11+$0x80] =	vst v3;
	v3 =	vadd.f32 v11, v48;
	v4 =	vld [tilespmem:s6+$0x80]  }
0x161: {  	s0 =	sor.u32 $0x470, s4;
	s11 =	sor.u32 $0x460, s4;
	s17 =	sor.u32 $0x450, s4;
	v8 =	vadd.f32 v9, v8;
	[tilespmem:s30+$0x80] =	vst v5;
	v5 =	vld [tilespmem:s6+$0x8080]  }
0x162: {  	s3 =	sor.u32 $0x470, s9;
	s1 =	sor.u32 $0x460, s9;
	s13 =	simm.s32 $0x4;
	[tilespmem:s5+$0x80] =	vst v3;
	v3 =	vadd.f32 v60, v59;
	v6 =	vld [tilespmem:s17+$0x80]  }
0x163: {  	s14 =	simm.s32 $0x400;
	s16 =	sor.u32 $0x450, s7;
	s12 =	sor.u32 $0x450, s9;
	v9 =	vld [tilespmem:s17+$0x8080];
	[tilespmem:s31+$0x80] =	vst v8  }
0x164: {  	s15 =	simm.s32 $0x800;
	s8 =	sor.u32 $0x460, s7;
	s20 =	sor.u32 $0x470, s7;
	[tilespmem:s29+$0x80] =	vst v3;
	v3 =	vadd.f32 v62, v7;
	v7 =	vadd.f32 v63, v10;
	v8 =	vld [tilespmem:s16+$0x80]  }
.LBB2_2:
0x165: {  	_ = 	snop  }
0x166: {  	s2 =	sand.u32 $0x7800, s15;
	s4 =	sand.u32 $0x200, s14;
	v10 =	vld [tilespmem:s16+$0x8080];
	[tilespmem:s18+$0x80] =	vst v3  }
0x167: {  	s25 =	sor.u32 s4, s2;
	v3 =	vld [tilespmem:s12+$0x80]  }
0x168: {  	[tilespmem:s19+$0x80] =	vst v7;
	v7 =	vld [tilespmem:s25+$0x8200]  }
0x169: {  	v11 =	vld [tilespmem:s25+$0x8230]  }
0x16a: {  	v12 =	vld [tilespmem:s25+$0x240]  }
0x16b: {  	v13 =	vld [tilespmem:s25+$0x250]  }
0x16c: {  	v14 =	vld [tilespmem:s25+$0x8250]  }
0x16d: {  	v15 =	vld [tilespmem:s25+$0x260]  }
0x16e: {  	v16 =	vld [tilespmem:s25+$0x8260]  }
0x16f: {  	v4 =	vadd.f32 v5, v4;
	v5 =	vld [tilespmem:s25+$0x200]  }
0x170: {  	v6 =	vadd.f32 v9, v6;
	v9 =	vld [tilespmem:s25+$0x8210]  }
0x171: {  	[tilespmem:s6+$0x80] =	vst v4;
	v4 =	vld [tilespmem:s25+$0x210]  }
0x172: {  	[tilespmem:s17+$0x80] =	vst v6;
	v6 =	vadd.f32 v10, v8;
	v8 =	vld [tilespmem:s25+$0x220]  }
0x173: {  	v10 =	vld [tilespmem:s25+$0x8220]  }
0x174: {  	[tilespmem:s16+$0x80] =	vst v6;
	v6 =	vld [tilespmem:s25+$0x230]  }
0x175: {  	v62 =	vld [tilespmem:s25+$0x8090]  }
0x176: {  	v5 =	vadd.f32 v7, v5;
	v7 =	vld [tilespmem:s25+$0x270]  }
0x177: {  	v4 =	vadd.f32 v9, v4;
	v9 =	vld [tilespmem:s25+$0x8270]  }
0x178: {  	[tilespmem:s25+$0x200] =	vst v5;
	v5 =	vadd.f32 v10, v8;
	v8 =	vld [tilespmem:s25+$0x8240]  }
0x179: {  	v10 =	vld [tilespmem:s25+$0x80];
	[tilespmem:s25+$0x210] =	vst v4;
	v4 =	vadd.f32 v11, v6  }
0x17a: {  	p0 =	por !p0, !p0;
	s2 =	simm.s32 $0x1;
	v6 =	vld [tilespmem:s25+$0x8080];
	[tilespmem:s25+$0x220] =	vst v5;
	v5 =	vadd.f32 v14, v13  }
0x17b: {  	s2 =	simm.s32 @!p0 $0x0;
	v11 =	vld [tilespmem:s25+$0x90];
	[tilespmem:s25+$0x230] =	vst v4  }
0x17c: {  	s2 =	sshll.u32 s2, $0x9;
	v4 =	vadd.f32 v16, v15;
	[tilespmem:s25+$0x250] =	vst v5;
	v5 =	vadd.f32 v9, v7;
	v7 =	vld [tilespmem:s25+$0xA0]  }
0x17d: {  	s10 =	smov.u32 s3;
	s3 =	sadd.s32 s2, s15;
	v9 =	vld [tilespmem:s25+$0xB0]  }
0x17e: {  	s7 =	sadd.s32 $0x180, s3;
	v8 =	vadd.f32 v8, v12;
	[tilespmem:s25+$0x260] =	vst v4;
	v4 =	vld [tilespmem:s25+$0x80A0]  }
0x17f: {  	s31 =	sor.u32 $0x400, s7;
	[tilespmem:s25+$0x270] =	vst v5;
	v5 =	vadd.f32 v6, v10;
	v10 =	vld [tilespmem:s25+$0x80B0]  }
0x180: {  	[tilespmem:s25+$0x240] =	vst v8;
	v6 =	vld [tilespmem:s31+$0x80]  }
0x181: {  	v8 =	vld [tilespmem:s31+$0x8080]  }
0x182: {  	[tilespmem:s25+$0x80] =	vst v5;
	v5 =	vadd.f32 v62, v11  }
0x183: {  	s30 =	sadd.s32 $0x100, s3  }
0x184: {  	s9 =	smov.u32 s20;
	s21 =	sor.u32 $0x450, s30;
	[tilespmem:s25+$0x90] =	vst v5;
	v5 =	vld [tilespmem:s25+$0xC0]  }
0x185: {  	s20 =	sadd.s32 $0x80, s3;
	[dreg:$0xc] =	wrdreg s21;
	s21 =	sor.u32 $0x460, s3;
	v4 =	vadd.f32 v4, v7;
	v7 =	vld [tilespmem:s25+$0x80C0]  }
0x186: {  	[dreg:$0xb] =	wrdreg s21;
	s21 =	sor.u32 $0x460, s20;
	v9 =	vadd.f32 v10, v9;
	v10 =	vld [tilespmem:s25+$0xE0];
	v6 =	vadd.f32 v8, v6  }
0x187: {  	[dreg:$0xa] =	wrdreg s21;
	s21 =	sor.u32 $0x460, s30;
	[tilespmem:s25+$0xA0] =	vst v4;
	v4 =	vld [tilespmem:s25+$0xD0]  }
0x188: {  	[dreg:$0x8] =	wrdreg s21;
	s21 =	sor.u32 $0x410, s7;
	v8 =	vld [tilespmem:s25+$0x80D0];
	[tilespmem:s31+$0x80] =	vst v6  }
0x189: {  	v6 =	vld [tilespmem:s21+$0x80]  }
0x18a: {  	v5 =	vadd.f32 v7, v5;
	v7 =	vld [tilespmem:s21+$0x8080]  }
0x18b: {  	[tilespmem:s25+$0xB0] =	vst v9;
	v9 =	vld [tilespmem:s25+$0x80E0]  }
0x18c: {  	v11 =	vld [tilespmem:s25+$0x8100]  }
0x18d: {  	[tilespmem:s25+$0xC0] =	vst v5;
	v4 =	vadd.f32 v8, v4;
	v5 =	vld [tilespmem:s25+$0xF0]  }
0x18e: {  	v8 =	vld [tilespmem:s25+$0x80F0]  }
0x18f: {  	[tilespmem:s25+$0xD0] =	vst v4;
	v4 =	vld [tilespmem:s25+$0x100];
	v6 =	vadd.f32 v7, v6  }
0x190: {  	v7 =	vadd.f32 v9, v10;
	v9 =	vld [tilespmem:s25+$0x110]  }
0x191: {  	s31 =	sor.u32 $0x420, s7;
	v10 =	vld [tilespmem:s25+$0x8110];
	[tilespmem:s21+$0x80] =	vst v6  }
0x192: {  	v6 =	vld [tilespmem:s31+$0x80]  }
0x193: {  	[tilespmem:s25+$0xE0] =	vst v7;
	v5 =	vadd.f32 v8, v5;
	v7 =	vld [tilespmem:s31+$0x8080]  }
0x194: {  	v8 =	vld [tilespmem:s25+$0x8120];
	v4 =	vadd.f32 v11, v4  }
0x195: {  	[tilespmem:s25+$0xF0] =	vst v5;
	v5 =	vld [tilespmem:s25+$0x120]  }
0x196: {  	[tilespmem:s25+$0x100] =	vst v4;
	v4 =	vadd.f32 v10, v9;
	v9 =	vld [tilespmem:s25+$0x130]  }
0x197: {  	v10 =	vld [tilespmem:s25+$0x8130]  }
0x198: {  	v11 =	vld [tilespmem:s25+$0x8170];
	v6 =	vadd.f32 v7, v6  }
0x199: {  	[tilespmem:s25+$0x110] =	vst v4;
	v4 =	vld [tilespmem:s25+$0x140]  }
0x19a: {  	s21 =	sor.u32 $0x430, s7;
	v7 =	vld [tilespmem:s25+$0x8140];
	v5 =	vadd.f32 v8, v5;
	[tilespmem:s31+$0x80] =	vst v6  }
0x19b: {  	v6 =	vld [tilespmem:s21+$0x80]  }
0x19c: {  	[tilespmem:s25+$0x120] =	vst v5;
	v5 =	vadd.f32 v10, v9;
	v9 =	vld [tilespmem:s21+$0x8080]  }
0x19d: {  	v8 =	vld [tilespmem:s25+$0x150]  }
0x19e: {  	v10 =	vld [tilespmem:s25+$0x8150]  }
0x19f: {  	[tilespmem:s25+$0x130] =	vst v5;
	v4 =	vadd.f32 v7, v4;
	v5 =	vld [tilespmem:s25+$0x160]  }
0x1a0: {  	v7 =	vld [tilespmem:s25+$0x8160]  }
0x1a1: {  	[tilespmem:s25+$0x140] =	vst v4;
	v4 =	vld [tilespmem:s25+$0x170];
	v6 =	vadd.f32 v9, v6  }
0x1a2: {  	v9 =	vld [tilespmem:s25+$0x180]  }
0x1a3: {  	s31 =	sor.u32 $0x440, s7;
	v8 =	vadd.f32 v10, v8;
	v10 =	vld [tilespmem:s25+$0x8180];
	[tilespmem:s21+$0x80] =	vst v6  }
0x1a4: {  	v6 =	vld [tilespmem:s31+$0x80]  }
0x1a5: {  	v5 =	vadd.f32 v7, v5;
	v7 =	vld [tilespmem:s31+$0x8080]  }
0x1a6: {  	[tilespmem:s25+$0x150] =	vst v8;
	v8 =	vld [tilespmem:s25+$0x8190];
	v4 =	vadd.f32 v11, v4  }
0x1a7: {  	[tilespmem:s25+$0x160] =	vst v5;
	v5 =	vld [tilespmem:s25+$0x190]  }
0x1a8: {  	[tilespmem:s25+$0x170] =	vst v4;
	v4 =	vadd.f32 v10, v9;
	v9 =	vld [tilespmem:s25+$0x1A0]  }
0x1a9: {  	v10 =	vld [tilespmem:s25+$0x81A0]  }
0x1aa: {  	v11 =	vld [tilespmem:s25+$0x81E0];
	v6 =	vadd.f32 v7, v6  }
0x1ab: {  	[tilespmem:s25+$0x180] =	vst v4;
	v4 =	vld [tilespmem:s25+$0x1B0]  }
0x1ac: {  	s21 =	sor.u32 $0x450, s7;
	v7 =	vld [tilespmem:s25+$0x81B0];
	v5 =	vadd.f32 v8, v5;
	[tilespmem:s31+$0x80] =	vst v6  }
0x1ad: {  	v6 =	vld [tilespmem:s21+$0x80]  }
0x1ae: {  	[tilespmem:s25+$0x190] =	vst v5;
	v5 =	vadd.f32 v10, v9;
	v9 =	vld [tilespmem:s21+$0x8080]  }
0x1af: {  	v8 =	vld [tilespmem:s25+$0x1C0]  }
0x1b0: {  	v10 =	vld [tilespmem:s25+$0x81C0]  }
0x1b1: {  	[tilespmem:s25+$0x1A0] =	vst v5;
	v4 =	vadd.f32 v7, v4;
	v5 =	vld [tilespmem:s25+$0x1D0]  }
0x1b2: {  	v7 =	vld [tilespmem:s25+$0x81D0]  }
0x1b3: {  	[tilespmem:s25+$0x1B0] =	vst v4;
	v4 =	vld [tilespmem:s25+$0x1E0];
	v6 =	vadd.f32 v9, v6  }
0x1b4: {  	v9 =	vld [tilespmem:s25+$0x1F0]  }
0x1b5: {  	s31 =	sor.u32 $0x460, s7;
	v8 =	vadd.f32 v10, v8;
	v10 =	vld [tilespmem:s25+$0x81F0];
	[tilespmem:s21+$0x80] =	vst v6  }
0x1b6: {  	v6 =	vld [tilespmem:s31+$0x80]  }
0x1b7: {  	s28 =	sor.u32 $0x400, s3;
	v5 =	vadd.f32 v7, v5;
	v7 =	vld [tilespmem:s31+$0x8080]  }
0x1b8: {  	[tilespmem:s25+$0x1C0] =	vst v8;
	v8 =	vld [tilespmem:s28+$0x80];
	v4 =	vadd.f32 v11, v4  }
0x1b9: {  	s4 =	sor.u32 $0x400, s20;
	[tilespmem:s25+$0x1D0] =	vst v5;
	v5 =	vld [tilespmem:s28+$0x8080]  }
0x1ba: {  	v11 =	vld [tilespmem:s4+$0x80];
	[tilespmem:s25+$0x1E0] =	vst v4;
	v4 =	vadd.f32 v10, v9  }
0x1bb: {  	s19 =	sor.u32 $0x400, s30;
	v9 =	vld [tilespmem:s4+$0x8080]  }
0x1bc: {  	[tilespmem:s25+$0x1F0] =	vst v4;
	v4 =	vld [tilespmem:s19+$0x80];
	v6 =	vadd.f32 v7, v6  }
0x1bd: {  	v7 =	vld [tilespmem:s19+$0x8080]  }
0x1be: {  	s7 =	sor.u32 $0x470, s7;
	v5 =	vadd.f32 v5, v8;
	[tilespmem:s31+$0x80] =	vst v6;
	v6 =	vld [tilespmem:s12+$0x8080]  }
0x1bf: {  	v8 =	vld [tilespmem:s7+$0x80]  }
0x1c0: {  	s2 =	sor.u32 $0x410, s3;
	[tilespmem:s28+$0x80] =	vst v5;
	v5 =	vadd.f32 v9, v11;
	v9 =	vld [tilespmem:s7+$0x8080]  }
0x1c1: {  	v10 =	vld [tilespmem:s2+$0x80]  }
0x1c2: {  	s29 =	sor.u32 $0x410, s20;
	v11 =	vld [tilespmem:s2+$0x8080];
	[tilespmem:s4+$0x80] =	vst v5;
	v4 =	vadd.f32 v7, v4  }
0x1c3: {  	v5 =	vld [tilespmem:s29+$0x80];
	v3 =	vadd.f32 v6, v3  }
0x1c4: {  	[dreg:$0x6] =	wrdreg s9;
	s9 =	sor.u32 $0x410, s30;
	v6 =	vld [tilespmem:s29+$0x8080];
	[tilespmem:s19+$0x80] =	vst v4  }
0x1c5: {  	v4 =	vld [tilespmem:s9+$0x80];
	[tilespmem:s12+$0x80] =	vst v3  }
0x1c6: {  	v7 =	vadd.f32 v9, v8;
	v3 =	vld [tilespmem:s9+$0x8080]  }
0x1c7: {  	v9 =	vld [tilespmem:s11+$0x8080];
	v8 =	vadd.f32 v11, v10  }
0x1c8: {  	[tilespmem:s7+$0x80] =	vst v7;
	v7 =	vld [tilespmem:s11+$0x80]  }
0x1c9: {  	s26 =	sor.u32 $0x420, s3;
	[tilespmem:s2+$0x80] =	vst v8;
	v5 =	vadd.f32 v6, v5;
	v6 =	vld [tilespmem:s8+$0x80]  }
0x1ca: {  	v8 =	vld [tilespmem:s26+$0x80]  }
0x1cb: {  	s6 =	sor.u32 $0x420, s20;
	v10 =	vld [tilespmem:s26+$0x8080];
	[tilespmem:s29+$0x80] =	vst v5;
	v3 =	vadd.f32 v3, v4  }
0x1cc: {  	v4 =	vld [tilespmem:s6+$0x80]  }
0x1cd: {  	s5 =	sor.u32 $0x420, s30;
	v5 =	vld [tilespmem:s6+$0x8080];
	[tilespmem:s9+$0x80] =	vst v3  }
0x1ce: {  	v3 =	vadd.f32 v9, v7;
	v7 =	vld [tilespmem:s5+$0x80]  }
0x1cf: {  	v9 =	vld [tilespmem:s5+$0x8080]  }
0x1d0: {  	[tilespmem:s11+$0x80] =	vst v3;
	v3 =	vadd.f32 v10, v8;
	v8 =	vld [tilespmem:s8+$0x8080]  }
0x1d1: {  	v10 =	vld [tilespmem:s1+$0x80]  }
0x1d2: {  	[dreg:$0x5] =	wrdreg s10;
	s10 =	sor.u32 $0x430, s3;
	[tilespmem:s26+$0x80] =	vst v3;
	v3 =	vadd.f32 v5, v4;
	v4 =	vld [tilespmem:s1+$0x8080]  }
0x1d3: {  	v5 =	vld [tilespmem:s10+$0x80]  }
0x1d4: {  	s24 =	sor.u32 $0x430, s20;
	v11 =	vld [tilespmem:s10+$0x8080];
	[tilespmem:s6+$0x80] =	vst v3;
	v3 =	vadd.f32 v9, v7  }
0x1d5: {  	v7 =	vld [tilespmem:s24+$0x80]  }
0x1d6: {  	s23 =	sor.u32 $0x430, s30;
	v6 =	vadd.f32 v8, v6;
	v8 =	vld [tilespmem:s24+$0x8080];
	[tilespmem:s5+$0x80] =	vst v3  }
0x1d7: {  	v3 =	vld [tilespmem:s23+$0x80]  }
0x1d8: {  	[tilespmem:s8+$0x80] =	vst v6;
	v4 =	vadd.f32 v4, v10;
	v6 =	vld [tilespmem:s23+$0x8080]  }
0x1d9: {  	v9 =	vld [tilespmem:s0+$0x80];
	v5 =	vadd.f32 v11, v5  }
0x1da: {  	s19 =	rddreg [dreg:$0x6];
	[tilespmem:s1+$0x80] =	vst v4;
	v4 =	vld [tilespmem:s0+$0x8080]  }
0x1db: {  	s22 =	sor.u32 $0x440, s3;
	s18 =	sor.u32 $0x440, s20;
	[tilespmem:s10+$0x80] =	vst v5;
	v5 =	vadd.f32 v8, v7;
	v7 =	vld [tilespmem:s19+$0x80]  }
0x1dc: {  	[dreg:$0x9] =	wrdreg s18;
	v8 =	vld [tilespmem:s22+$0x80]  }
0x1dd: {  	s29 =	rddreg [dreg:$0x9];
	v10 =	vld [tilespmem:s22+$0x8080];
	[tilespmem:s24+$0x80] =	vst v5;
	v3 =	vadd.f32 v6, v3  }
0x1de: {  	v5 =	vld [tilespmem:s29+$0x80]  }
0x1df: {  	s17 =	sor.u32 $0x450, s3;
	s18 =	sor.u32 $0x440, s30;
	s3 =	sor.u32 $0x470, s3;
	v6 =	vld [tilespmem:s29+$0x8080];
	[tilespmem:s23+$0x80] =	vst v3  }
0x1e0: {  	[dreg:$0x7] =	wrdreg s3;
	v3 =	vadd.f32 v4, v9;
	v11 =	vld [tilespmem:s18+$0x80]  }
0x1e1: {  	s13 =	sadd.s32 $0x4, s13;
	s21 =	rddreg [dreg:$0xc];
	v63 =	vld [tilespmem:s18+$0x8080]  }
0x1e2: {  	s14 =	sadd.s32 $0x200, s14;
	p1 =	slt.u32 s13, $0x7C;
	s6 =	rddreg [dreg:$0x5];
	[tilespmem:s0+$0x80] =	vst v3;
	v3 =	vadd.f32 v10, v8;
	v10 =	vld [tilespmem:s19+$0x8080]  }
.Ltmp0:
0x1e3: {  	s15 =	sadd.s32 $0x400, s15;
	s25 =	rddreg [dreg:$0xb];
	v4 =	vld [tilespmem:s6+$0x80];
	(pc) =	sbr.rel @p1 .LBB2_2-.Ltmp0, $4  }
0x1e4: {  	s16 =	sor.u32 $0x450, s20;
	s20 =	sor.u32 $0x470, s20;
	s31 =	rddreg [dreg:$0x7];
	[tilespmem:s22+$0x80] =	vst v3;
	v3 =	vadd.f32 v6, v5;
	v5 =	vld [tilespmem:s6+$0x8080]  }
0x1e5: {  	s3 =	sor.u32 $0x470, s30;
	s28 =	rddreg [dreg:$0x8];
	s30 =	smov.u32 s29;
	v6 =	vld [tilespmem:s17+$0x80]  }
0x1e6: {  	s12 =	smov.u32 s21;
	s11 =	smov.u32 s25;
	s26 =	rddreg [dreg:$0xa];
	v9 =	vld [tilespmem:s17+$0x8080];
	[tilespmem:s30+$0x80] =	vst v3  }
0x1e7: {  	s8 =	smov.u32 s26;
	s1 =	smov.u32 s28;
	s0 =	smov.u32 s31;
	v3 =	vadd.f32 v63, v11;
	v8 =	vld [tilespmem:s16+$0x80];
	v7 =	vadd.f32 v10, v7  }
0x1e8: {  	_ = 	snop  }
0x1e9: {  	v10 =	vld [tilespmem:s16+$0x8080];
	[tilespmem:s18+$0x80] =	vst v3  }
0x1ea: {  	v3 =	vld [tilespmem:s12+$0x80]  }
0x1eb: {  	v11 =	vld [tilespmem:s12+$0x8080]  }
0x1ec: {  	v6 =	vadd.f32 v9, v6;
	_ =	sdelay $0x1  }
0x1ed: {  	[tilespmem:s17+$0x80] =	vst v6;
	v52 =	vadd.f32 v10, v8  }
0x1ee: {  	v53 =	vld [tilespmem:s11+$0x80]  }
0x1ef: {  	v54 =	vld [tilespmem:s11+$0x8080];
	[tilespmem:s16+$0x80] =	vst v52;
	v3 =	vadd.f32 v11, v3  }
0x1f0: {  	v55 =	vld [tilespmem:s8+$0x80]  }
0x1f1: {  	[tilespmem:s12+$0x80] =	vst v3;
	v3 =	vld [tilespmem:s8+$0x8080]  }
0x1f2: {  	v56 =	vld [tilespmem:s1+$0x80]  }
0x1f3: {  	v57 =	vld [tilespmem:s1+$0x8080]  }
0x1f4: {  	v6 =	vadd.f32 v54, v53;
	_ =	sdelay $0x1  }
0x1f5: {  	[tilespmem:s11+$0x80] =	vst v6;
	v3 =	vadd.f32 v3, v55  }
0x1f6: {  	v6 =	vld [tilespmem:s0+$0x80]  }
0x1f7: {  	v58 =	vld [tilespmem:s0+$0x8080];
	[tilespmem:s8+$0x80] =	vst v3;
	v3 =	vadd.f32 v57, v56  }
0x1f8: {  	v59 =	vld [tilespmem:s20+$0x80]  }
0x1f9: {  	[tilespmem:s1+$0x80] =	vst v3;
	v3 =	vld [tilespmem:s20+$0x8080]  }
0x1fa: {  	v60 =	vld [tilespmem:s3+$0x80]  }
0x1fb: {  	v61 =	vld [tilespmem:s3+$0x8080];
	_ =	sdelay $0x1  }
0x1fc: {  	v4 =	vadd.f32 v5, v4  }
0x1fd: {  	[tilespmem:s19+$0x80] =	vst v7;
	v62 =	vadd.f32 v58, v6  }
0x1fe: {  	[tilespmem:s6+$0x80] =	vst v4;
	v3 =	vadd.f32 v3, v59  }
0x1ff: {  	[tilespmem:s0+$0x80] =	vst v62;
	v63 =	vadd.f32 v61, v60  }
0x200: {  	[tilespmem:s20+$0x80] =	vst v3  }
0x201: {  	s7 =	simm.s32 $0x0;
	[tilespmem:s3+$0x80] =	vst v63  }
0x202: {  	s2 =	simm.s32 $0x3;
	s3 =	simm.s32 $0x80;
	s0 =	rddreg [dreg:$0xf]  }
0x203: {  	[hbm4b:s0+s7] =	stream.linear.scatter [tilespmem:s3], [sflag:$0x3], $0x8000, $0x38;
	[tilespmem:$0x10080] =	vst v63  }
0x204: {  	_ =	swait.ge [sflag:s2], $0x8000  }
0x205: {  	s30 =	rddreg [dreg:$0x11]  }
0x206: {  	s31 =	rddreg [dreg:$0x10];
	s1 =	sadd.s32 $0x1, s30  }
0x207: {  	p0 =	sne.s32 s1, s31  }
.Ltmp1:
0x208: {  	_ = 	snop;
	(pc) =	sbr.rel @p0 .LBB2_1-.Ltmp1, $3  }
0x209: {  	_ =	sdelay $0x1  }
0x20a: {  	[sflag:s2] =	ssyncset.done $0x0  }
0x20b: {  	[sflag:s2] =	ssyncadd.s32 $0xFFFF8000  }
0x20c: {  	_ =	sfence.sel $0x180000  }
0x20d: {  	[bflag:$0x0] =	sbarrier.arrive $0xFFFF  }
0x20e: {  	_ =	strace $0x9000004A  }
0x20f: {  	s0 =	stileid.u32;
	[bflag:$0x2] =	sbarrier.arrive $0xFFFF  }
0x210: {  	p0 =	sne.s32 s0, $0x0;
	s0 =	rddreg [dreg:$0x4]  }
0x211: {  	s0 =	sadd.s32 @!p0 $0x100000, s0  }
0x212: {  	[sflag:s0] =	ssyncadd.tile.s32 @!p0 $0x1;
	_ =	shalt  }
.Lfunc_end2:
_tile_overlayer_lowered:
.L_overlay_start_2:
0x213: {  	(tag) =	ssettag $0x2  }
0x214: {  	s0 =	rddreg [dreg:$0x0];
	s2 =	stileid.u32  }
0x215: {  	s1 =	rddreg [dreg:$0x1];
	p0 =	sne.s32 s2, $0x0  }
0x216: {  	s3 =	rddreg [dreg:$0x2];
	[bflag:$0x3] =	sbarrier.arrive $0xFFFF;
	s2 =	simm.s32 @!p0 $0x1C03  }
0x217: {  	[timem:s3], [sflag:s2] =	dma.local @!p0 [hbm:s0], s1  }
0x218: {  	s0 =	simm.s32 @!p0 $0x3  }
0x219: {  	_ =	swait.ge @!p0 [sflag:s0], s1  }
0x21a: {  	s1 =	ssub.s32 @!p0 $0x0, s1;
	[sflag:s0] =	ssyncset.done @!p0 $0x0  }
0x21b: {  	[sflag:s0] =	ssyncadd.s32 @!p0 s1  }
0x21c: {  	[bflag:$0x3] =	sbarrier.arrive $0xFFFF  }
0x21d: {  	_ =	shalt  }

// kernel: kernel.14.cloned.1.call-start
scs
__scs_entry_jumppad:
0x0: {  	(pc) =	sbr.rel $0x88, $3  }
0x1: {  	(tag) =	ssettag $0x0;
	lr =	simm.s32 $0x1  }
0x2: {  	[smem:$0x3F9E] =	sst lr;
	_ =	strace $0xD0000000  }
0x3: {  	_ = 	snop  }
0x4: {  	_ = 	snop  }
0x5: {  	_ = 	snop  }
0x6: {  	_ = 	snop  }
0x7: {  	_ = 	snop  }
__scs_overlays_trampoline_lowered:
0x8: {  	[smem:$0x3FAD] =	sst s0  }
0x9: {  	[smem:$0x3FAE] =	sst s1  }
0xa: {  	[smem:$0x3FAF] =	sst s2  }
0xb: {  	[smem:$0x3FB0] =	sst s3  }
0xc: {  	[smem:$0x3FB1] =	sst s4  }
0xd: {  	[smem:$0x3FB2] =	sst s5  }
0xe: {  	[smem:$0x3FB3] =	sst s6  }
0xf: {  	[smem:$0x3FB4] =	sst s7  }
0x10: {  	[smem:$0x3FB5] =	sst s8  }
0x11: {  	[smem:$0x3FB6] =	sst s9;
	s0 =	simm.s32 @!p0 $0x0  }
0x12: {  	s1 =	sld [smem:$0x3F9C];
	s0 =	simm.s32 @p0 $0x1  }
0x13: {  	[smem:$0x3FB7] =	sst s0;
	s0 =	simm.s32 @!p1 $0x0  }
0x14: {  	s2 =	sld [smem:$0x3F9B];
	s0 =	simm.s32 @p1 $0x1  }
0x15: {  	[smem:$0x3FB8] =	sst s0;
	s0 =	simm.s32 @!p2 $0x0  }
0x16: {  	s3 =	sld [smem:$0x3FDB];
	s0 =	simm.s32 @p2 $0x1  }
0x17: {  	s4 =	simm.s32 $0x1BF5;
	[smem:$0x3FBA] =	sst s0  }
0x18: {  	s0 =	sld [smem:$0x3F9D];
	_ =	swait.ge [sflag:s4], $0x0  }
0x19: {  	s7 =	sld [smem:$0x3F9E]  }
0x1a: {  	s8 =	sadd.s32 $0xFFFFE003, lr  }
0x1b: {  	s9 =	sadd.s32 $0xFFFFFEF7, lr;
	s5 =	simm.s32 $0xFFFFFFFF;
	p2 =	slt.u32 s8, $0xFFFFF086  }
0x1c: {  	p1 =	slt.u32 s9, $0xF7A;
	s5 =	simm.s32 @!p2 $0x0  }
0x1d: {  	s5 =	simm.s32 @p1 $0x1;
	p0 =	seq.s32 s7, s2  }
0x1e: {  	s7 =	smul.u32 @!p0 $0xF7A, s2;
	p2 =	seq.s32 @!p0 s5, $0x0  }
0x1f: {  	s9 =	smul.u32 $0xF7A, s1;
	s8 =	simm.s32 @!p0 $0x1BF5;
	p2 =	por !p2, p0  }
0x20: {  	[sflag:s8] =	ssyncset.s32 @!p0 $0xFFFFF086;
	s6 =	sadd.s32 @!p0 s3, s7;
	s7 =	simm.s32 @!p0 $0x108  }
0x21: {  	s3 =	sadd.s32 s3, s9;
	s6 =	sadd.s32 @!p0 $0x88, s6;
	s7 =	simm.s32 @p2 $0x1082  }
0x22: {  	[simem:s7], [sflag:s8] =	dma.local @!p0 [hbm:s6], $0xF7A  }
0x23: {  	s9 =	sor.u32 $0xD0000000, s2;
	s6 =	simm.s32 $0x108;
	_ =	swait.ge @!p0 [sflag:s8], $0x0  }
0x24: {  	s3 =	sadd.s32 $0x88, s3;
	s6 =	simm.s32 @!p1 $0x1082;
	[sflag:s4] =	ssyncset.s32 $0xFFFFF086  }
0x25: {  	[simem:s6], [sflag:s4] =	dma.local [hbm:s3], $0xF7A  }
0x26: {  	[smem:$0x3F9E] =	sst s1;
	(tag) =	ssettag s2;
	_ =	strace s9  }
0x27: {  	s1 =	sld [smem:$0x3FAE]  }
0x28: {  	s2 =	sld [smem:$0x3FAF]  }
0x29: {  	s4 =	sld [smem:$0x3FB1]  }
0x2a: {  	p0 =	seq.s32 s5, $0x0;
	s5 =	sld [smem:$0x3FB2]  }
0x2b: {  	s6 =	sld [smem:$0x3FB3]  }
0x2c: {  	s7 =	sld [smem:$0x3FB4]  }
0x2d: {  	s3 =	simm.s32 $0x108;
	s8 =	sld [smem:$0x3FB5]  }
0x2e: {  	s3 =	simm.s32 @!p0 $0x1082;
	s9 =	sld [smem:$0x3FB6]  }
0x2f: {  	lr =	sadd.s32 s0, s3;
	s0 =	sld [smem:$0x3FAD]  }
0x30: {  	s3 =	sld [smem:$0x3FB0]  }
0x31: {  	[smem:$0x3FB9] =	sst s10  }
0x32: {  	s10 =	sld [smem:$0x3FB7];
	_ =	sdelay $0x3  }
0x33: {  	p0 =	seq.s32 s10, $0x1;
	s10 =	sld [smem:$0x3FB9];
	_ =	sdelay $0x3  }
0x34: {  	[smem:$0x3FB9] =	sst s10  }
0x35: {  	s10 =	sld [smem:$0x3FB8];
	_ =	sdelay $0x3  }
0x36: {  	p1 =	seq.s32 s10, $0x1;
	s10 =	sld [smem:$0x3FB9];
	_ =	sdelay $0x3  }
0x37: {  	[smem:$0x3FB9] =	sst s10  }
0x38: {  	s10 =	sld [smem:$0x3FBA]  }
0x39: {  	_ = 	snop;
	(pc) =	sbr.ind lr, $3  }
0x3a: {  	_ = 	snop  }
0x3b: {  	_ = 	snop  }
0x3c: {  	p2 =	seq.s32 s10, $0x1;
	s10 =	sld [smem:$0x3FB9]  }
0x3d: {  	_ =	shalt  }
0x3e: {  	_ =	shalt  }
0x3f: {  	_ =	shalt  }
0x40: {  	_ =	shalt  }
0x41: {  	_ =	shalt  }
0x42: {  	_ =	shalt  }
0x43: {  	_ =	shalt  }
0x44: {  	_ =	shalt  }
0x45: {  	_ =	shalt  }
0x46: {  	_ =	shalt  }
0x47: {  	_ =	shalt  }
0x48: {  	_ =	shalt  }
0x49: {  	_ =	shalt  }
0x4a: {  	_ =	shalt  }
0x4b: {  	_ =	shalt  }
0x4c: {  	_ =	shalt  }
0x4d: {  	_ =	shalt  }
0x4e: {  	_ =	shalt  }
0x4f: {  	_ =	shalt  }
0x50: {  	_ =	shalt  }
0x51: {  	_ =	shalt  }
0x52: {  	_ =	shalt  }
0x53: {  	_ =	shalt  }
0x54: {  	_ =	shalt  }
0x55: {  	_ =	shalt  }
0x56: {  	_ =	shalt  }
0x57: {  	_ =	shalt  }
0x58: {  	_ =	shalt  }
0x59: {  	_ =	shalt  }
0x5a: {  	_ =	shalt  }
0x5b: {  	_ =	shalt  }
0x5c: {  	_ =	shalt  }
0x5d: {  	_ =	shalt  }
0x5e: {  	_ =	shalt  }
0x5f: {  	_ =	shalt  }
0x60: {  	_ =	shalt  }
0x61: {  	_ =	shalt  }
0x62: {  	_ =	shalt  }
0x63: {  	_ =	shalt  }
0x64: {  	_ =	shalt  }
0x65: {  	_ =	shalt  }
0x66: {  	_ =	shalt  }
0x67: {  	_ =	shalt  }
0x68: {  	_ =	shalt  }
0x69: {  	_ =	shalt  }
0x6a: {  	_ =	shalt  }
0x6b: {  	_ =	shalt  }
0x6c: {  	_ =	shalt  }
0x6d: {  	_ =	shalt  }
0x6e: {  	_ =	shalt  }
0x6f: {  	_ =	shalt  }
0x70: {  	_ =	shalt  }
0x71: {  	_ =	shalt  }
0x72: {  	_ =	shalt  }
0x73: {  	_ =	shalt  }
0x74: {  	_ =	shalt  }
0x75: {  	_ =	shalt  }
0x76: {  	_ =	shalt  }
0x77: {  	_ =	shalt  }
0x78: {  	_ =	shalt  }
0x79: {  	_ =	shalt  }
0x7a: {  	_ =	shalt  }
0x7b: {  	_ =	shalt  }
0x7c: {  	_ =	shalt  }
0x7d: {  	_ =	shalt  }
0x7e: {  	_ =	shalt  }
0x7f: {  	_ =	shalt  }
0x80: {  	_ =	shalt  }
0x81: {  	_ =	shalt  }
0x82: {  	_ =	shalt  }
0x83: {  	_ =	shalt  }
0x84: {  	_ =	shalt  }
0x85: {  	_ =	shalt  }
0x86: {  	_ =	shalt  }
0x87: {  	_ =	shalt  }
.Lfunc_end0:
.L_simem_size_0:
called_computation.2_lowered:
.L_overlay_start_0:
0x88: {  	s2 =	sld [smem:$0x3FD9]  }
0x89: {  	s3 =	sld [smem:$0x3FFE];
	_ =	sdelay $0x1  }
0x8a: {  	s1 =	srdreg.scid  }
0x8b: {  	s0 =	sand.u32 $0x1, s1  }
0x8c: {  	s17 =	sshll.u32 s0, $0xA;
	s2 =	sadd.s32 s3, s2  }
0x8d: {  	s2 =	sadd.s32 s2, s17  }
0x8e: {  	[smem:$0x3FC5] =	sst s2  }
0x8f: {  	_ = 	snop  }
0x90: {  	s2 =	sld [smem:$0x3FC9]  }
0x91: {  	s18 =	sld [smem:$0x3FC7]  }
0x92: {  	s4 =	sld [smem:$0x3FD0];
	(tm) =	ssettm $0x1  }
0x93: {  	s5 =	sld [smem:$0x3FFB];
	_ =	sdelay $0x3  }
0x94: {  	_ =	strace s5  }
0x95: {  	s5 =	sld [smem:$0x3FFC];
	_ =	sdelay $0x3  }
0x96: {  	_ =	strace s5  }
0x97: {  	s5 =	sld [smem:$0x3FFD];
	_ =	sdelay $0x3  }
0x98: {  	_ =	strace s5  }
0x99: {  	_ =	strace $0x8FFFFFFF  }
0x9a: {  	s19 =	sld [smem:$0x3FDB];
	_ =	sdelay $0x1  }
0x9b: {  	s6 =	simm.s32 $_scs_section_size  }
0x9c: {  	s7 =	simm.s32 $_size__tile_overlayer_lowered;
	s8 =	simm.s32 $_tile_overlayer_lowered  }
0x9d: {  	s22 =	simm.s32 $0x1BFF;
	s21 =	sshll.u32 s8, $0x1;
	s5 =	sadd.s32 s6, s19  }
0x9e: {  	s9 =	simm.s32 $0x0;
	s20 =	sshll.u32 s7, $0x1;
	s7 =	sadd.s32 s21, s5  }
0x9f: {  	[timem:s9], [sflag:s22] =	dma.local [hbm:s7], s20  }
0xa0: {  	_ =	swait.ge [sflag:s22], s20  }
0xa1: {  	s6 =	ssub.s32 $0x0, s20;
	[sflag:s22] =	ssyncset.done $0x0  }
0xa2: {  	[sflag:s22] =	ssyncadd.s32 s6;
	_ =	sdelay $0x1  }
0xa3: {  	s23 =	simm.s32 $0x1B8B  }
0xa4: {  	_ =	swait.ge [sflag:s23], $0x1  }
0xa5: {  	[sflag:s23] =	ssyncset.done $0x0  }
0xa6: {  	s25 =	simm.s32 $0x1B8E;
	s24 =	sld [smem:$0x3FFE];
	[sflag:s23] =	ssyncadd.s32 $0xFFFFFFFF  }
0xa7: {  	s26 =	simm.s32 $execute0_lowered;
	[smem:$0x3FD2] =	sst s25  }
0xa8: {  	s7 =	sshll.u32 s26, $0x1;
	_ =	strace $0x8000004C;
	[dreg:$0x1] =	wrdreg $0xFFFFFFFF  }
0xa9: {  	s28 =	simm.s32 $_size_execute0_lowered;
	s5 =	sadd.s32 s5, s7;
	[dreg:$0x0] =	wrdreg $0x0  }
0xaa: {  	s7 =	sshll.u32 s28, $0x1;
	[dreg:$0x2] =	wrdreg s5  }
0xab: {  	[dreg:$0x3] =	wrdreg s7  }
0xac: {  	[dreg:$0x4] =	wrdreg $0xC0  }
0xad: {  	_ =	task [dreg:s9], $0x5FFFF  }
0xae: {  	[dreg:$0x1] =	wrdreg $0xFFFFFFFF  }
0xaf: {  	[dreg:$0x0] =	wrdreg $0x60  }
0xb0: {  	[dreg:$0x2] =	wrdreg s2  }
0xb1: {  	[dreg:$0x3] =	wrdreg s24  }
0xb2: {  	[dreg:$0x4] =	wrdreg s18  }
0xb3: {  	[dreg:$0x5] =	wrdreg s4  }
0xb4: {  	[dreg:$0x6] =	wrdreg $0x9  }
0xb5: {  	_ =	task.clear_ibuf [dreg:s9], $0x7FFFF;
	_ =	strace $0x9000004C  }
0xb6: {  	s29 =	simm.s32 $0x9;
	_ =	strace $0x8000004E  }
0xb7: {  	_ =	swait.ge [sflag:s29], $0x1  }
0xb8: {  	[sflag:s29] =	ssyncadd.s32 $0xFFFFFFFF  }
0xb9: {  	_ =	strace $0x9000004E  }
0xba: {  	_ =	sfence  }
0xbb: {  	s30 =	sld [smem:$0x0];
	_ =	sdelay $0x2  }
0xbc: {  	s31 =	sshll.u32 s1, $0xD;
	s1 =	sshrl.u32 s1, $0x2  }
0xbd: {  	s3 =	sand.u32 $0x4000, s31;
	s1 =	sadd.s32 s1, s30  }
0xbe: {  	s0 =	sor.u32 s3, s0;
	s1 =	sshll.u32 s1, $0x11  }
0xbf: {  	s0 =	sor.u32 s1, s0  }
0xc0: {  	s0 =	sadd.s32 $0x8F2B, s0  }
0xc1: {  	[sflag:s0] =	ssyncadd.remote.s32 $0x1  }
0xc2: {  	_ =	sfence.sel $0xFFFF  }
0xc3: {  	[dreg:$0x0] =	wrdreg $0xFFFFFFFF;
	(pc) =	sbr.abs _section_cstart, $3  }
0xc4: {  	[dreg:$0x1] =	wrdreg $0xFFFFFFFF  }
0xc5: {  	_ =	task.clear_ibuf [dreg:s9], $0x2FFFF;
	_ =	strace $0x9FFFFFFF  }
0xc6: {  	(tm) =	ssettm $0x7FFFFFFF  }
0xc7: {  	_ =	shalt  }
tec
execute0_lowered:
.L_overlay_start_1:
0x0: {  	(tag) =	ssettag $0x1  }
0x1: {  	s2 =	srdreg.scid;
	s3 =	stileid.u32  }
0x2: {  	s0 =	rddreg [dreg:$0x0];
	s2 =	sand.u32 $0x1, s2;
	s3 =	sshll.u32 s3, $0x1  }
0x3: {  	s1 =	rddreg [dreg:$0x1];
	s3 =	sor.u32 s2, s3  }
0x4: {  	s7 =	simm.s32 $0x0;
	s2 =	ssub.s32 $0x2, s2;
	s5 =	smul.u32 $0x6000, s3  }
0x5: {  	[smem:$0x7FF] =	sst s7;
	s3 =	smul.u32 $0xC, s3;
	s6 =	sshrl.u32 s2, $0x1  }
0x6: {  	s4 =	rddreg [dreg:$0x3];
	_ =	strace $0x8000004D;
	s2 =	ssub.s32 s2, s6  }
0x7: {  	s5 =	sshrl.u32 s5, $0x3;
	s1 =	sadd.s32 s3, s1;
	s31 =	smax.u32 s2, $0x1  }
0x8: {  	s28 =	sadd.s32 $0x30000, s5;
	s29 =	sadd.s32 $0x2800, s1;
	[dreg:$0x10] =	wrdreg s31  }
0x9: {  	v2 =	vlaneseq.u32;
	s0 =	sadd.s32 s0, s28;
	[dreg:$0xe] =	wrdreg s29  }
0xa: {  	vm0 =	vmmov $0xffff;
	v1 =	vshrl.u32 v2, $0x3;
	s2 =	simm.s32 $0x3;
	s30 =	sadd.s32 s4, s28;
	[dreg:$0xd] =	wrdreg s0  }
0xb: {  	v0 =	vand.u32 $0x7, v2;
	v2 =	vor.u32 $0x8, v2;
	v1 =	vmul.u32 $0x8, v1;
	s3 =	simm.s32 $0x80;
	s1 =	simm.s32 $0x0;
	[dreg:$0xf] =	wrdreg s30  }
.LBB2_1:
0xc: {  	[dreg:$0x11] =	wrdreg s1  }
0xd: {  	s0 =	rddreg [dreg:$0xd];
	s22 =	simm.s32 $0x6080  }
0xe: {  	[tilespmem:s22], [sflag:$0x2] =	stream.linear.gather [hbm4b:s0+s7], $0x6000, $0x38;
	[tilespmem:$0xC080] =	vst v63  }
0xf: {  	s23 =	rddreg [dreg:$0xe]  }
0x10: {  	[tilespmem:s7], [sflag:$0x3] =	stream.linear.gather [hbm4b:s23+s7], $0x60, $0x38;
	[tilespmem:$0xC080] =	vst v63  }
0x11: {  	_ =	swait.ge [sflag:s2], $0x60  }
0x12: {  	[sflag:s2] =	ssyncset.done $0x0  }
0x13: {  	[sflag:s2] =	ssyncadd.s32 $0xFFFFFFA0  }
0x14: {  	v3 =	vld [tilespmem:$0x0];
	_ =	sdelay $0x4  }
0x15: {  	v4 =	vshll.u32 v3, $0x1  }
0x16: {  	v3 =	vand.u32 $0x7, v3;
	v4 =	vand.u32 $0xFFFFFFF0, v4  }
0x17: {  	v3 =	vor.u32 v3, v4  }
0x18: {  	v4 =	vperm.xlane v3, v0;
	_ =	sdelay $0x1  }
0x19: {  	v3 =	vperm.xlane v3, v2;
	v4 =	vadd.s32 v1, v4;
	_ =	sdelay $0x1  }
0x1a: {  	v3 =	vadd.s32 v1, v3;
	_ =	sdelay $0x1  }
0x1b: {  	s24 =	rddreg [dreg:$0x2]  }
0x1c: {  	[tilespmem:s3], [sflag:$0x1] =	stream.indirect_vreg.gather [hbm4b:s24+s7], $0x80, v4, vm0, $0xb8;
	[tilespmem:$0xC080] =	vst v63  }
0x1d: {  	s25 =	simm.s32 $0x880  }
0x1e: {  	[tilespmem:s25], [sflag:$0x1] =	stream.indirect_vreg.gather [hbm4b:s24+s7], $0x80, v3, vm0, $0xb8;
	[tilespmem:$0xC080] =	vst v63  }
0x1f: {  	v3 =	vld [tilespmem:$0x10];
	_ =	sdelay $0x4  }
0x20: {  	v4 =	vshll.u32 v3, $0x1  }
0x21: {  	v3 =	vand.u32 $0x7, v3;
	v4 =	vand.u32 $0xFFFFFFF0, v4  }
0x22: {  	v3 =	vor.u32 v3, v4  }
0x23: {  	v4 =	vperm.xlane v3, v0;
	_ =	sdelay $0x1  }
0x24: {  	v3 =	vperm.xlane v3, v2;
	v4 =	vadd.s32 v1, v4;
	_ =	sdelay $0x1  }
0x25: {  	v3 =	vadd.s32 v1, v3;
	_ =	sdelay $0x1  }
0x26: {  	s26 =	simm.s32 $0x1080  }
0x27: {  	[tilespmem:s26], [sflag:$0x1] =	stream.indirect_vreg.gather [hbm4b:s24+s7], $0x80, v4, vm0, $0xb8;
	[tilespmem:$0xC080] =	vst v63  }
0x28: {  	s2 =	simm.s32 $0x1880  }
0x29: {  	[tilespmem:s2], [sflag:$0x1] =	stream.indirect_vreg.gather [hbm4b:s24+s7], $0x80, v3, vm0, $0xb8;
	[tilespmem:$0xC080] =	vst v63  }
0x2a: {  	v3 =	vld [tilespmem:$0x20];
	_ =	sdelay $0x4  }
0x2b: {  	v4 =	vshll.u32 v3, $0x1  }
0x2c: {  	v3 =	vand.u32 $0x7, v3;
	v4 =	vand.u32 $0xFFFFFFF0, v4  }
0x2d: {  	v3 =	vor.u32 v3, v4  }
0x2e: {  	v4 =	vperm.xlane v3, v0;
	_ =	sdelay $0x1  }
0x2f: {  	v3 =	vperm.xlane v3, v2;
	v4 =	vadd.s32 v1, v4;
	_ =	sdelay $0x1  }
0x30: {  	v3 =	vadd.s32 v1, v3;
	_ =	sdelay $0x1  }
0x31: {  	s3 =	simm.s32 $0x2080  }
0x32: {  	[tilespmem:s3], [sflag:$0x1] =	stream.indirect_vreg.gather [hbm4b:s24+s7], $0x80, v4, vm0, $0xb8;
	[tilespmem:$0xC080] =	vst v63  }
0x33: {  	s4 =	simm.s32 $0x2880  }
0x34: {  	[tilespmem:s4], [sflag:$0x1] =	stream.indirect_vreg.gather [hbm4b:s24+s7], $0x80, v3, vm0, $0xb8;
	[tilespmem:$0xC080] =	vst v63  }
0x35: {  	v3 =	vld [tilespmem:$0x30];
	_ =	sdelay $0x4  }
0x36: {  	v4 =	vshll.u32 v3, $0x1  }
0x37: {  	v3 =	vand.u32 $0x7, v3;
	v4 =	vand.u32 $0xFFFFFFF0, v4  }
0x38: {  	v3 =	vor.u32 v3, v4  }
0x39: {  	v4 =	vperm.xlane v3, v0;
	_ =	sdelay $0x1  }
0x3a: {  	v3 =	vperm.xlane v3, v2;
	v4 =	vadd.s32 v1, v4;
	_ =	sdelay $0x1  }
0x3b: {  	v3 =	vadd.s32 v1, v3;
	_ =	sdelay $0x1  }
0x3c: {  	s5 =	simm.s32 $0x3080  }
0x3d: {  	[tilespmem:s5], [sflag:$0x1] =	stream.indirect_vreg.gather [hbm4b:s24+s7], $0x80, v4, vm0, $0xb8;
	[tilespmem:$0xC080] =	vst v63  }
0x3e: {  	s6 =	simm.s32 $0x3880  }
0x3f: {  	[tilespmem:s6], [sflag:$0x1] =	stream.indirect_vreg.gather [hbm4b:s24+s7], $0x80, v3, vm0, $0xb8;
	[tilespmem:$0xC080] =	vst v63  }
0x40: {  	v3 =	vld [tilespmem:$0x40];
	_ =	sdelay $0x4  }
0x41: {  	v4 =	vshll.u32 v3, $0x1  }
0x42: {  	v3 =	vand.u32 $0x7, v3;
	v4 =	vand.u32 $0xFFFFFFF0, v4  }
0x43: {  	v3 =	vor.u32 v3, v4  }
0x44: {  	v4 =	vperm.xlane v3, v0;
	_ =	sdelay $0x1  }
0x45: {  	v3 =	vperm.xlane v3, v2;
	v4 =	vadd.s32 v1, v4;
	_ =	sdelay $0x1  }
0x46: {  	v3 =	vadd.s32 v1, v3;
	_ =	sdelay $0x1  }
0x47: {  	s8 =	simm.s32 $0x4080  }
0x48: {  	[tilespmem:s8], [sflag:$0x1] =	stream.indirect_vreg.gather [hbm4b:s24+s7], $0x80, v4, vm0, $0xb8;
	[tilespmem:$0xC080] =	vst v63  }
0x49: {  	s9 =	simm.s32 $0x4880  }
0x4a: {  	[tilespmem:s9], [sflag:$0x1] =	stream.indirect_vreg.gather [hbm4b:s24+s7], $0x80, v3, vm0, $0xb8;
	[tilespmem:$0xC080] =	vst v63  }
0x4b: {  	v3 =	vld [tilespmem:$0x50];
	_ =	sdelay $0x4  }
0x4c: {  	v4 =	vshll.u32 v3, $0x1  }
0x4d: {  	v3 =	vand.u32 $0x7, v3;
	v4 =	vand.u32 $0xFFFFFFF0, v4  }
0x4e: {  	v3 =	vor.u32 v3, v4  }
0x4f: {  	v4 =	vperm.xlane v3, v0;
	_ =	sdelay $0x1  }
0x50: {  	v3 =	vperm.xlane v3, v2;
	v4 =	vadd.s32 v1, v4;
	_ =	sdelay $0x1  }
0x51: {  	v3 =	vadd.s32 v1, v3;
	_ =	sdelay $0x1  }
0x52: {  	s10 =	simm.s32 $0x5080  }
0x53: {  	[tilespmem:s10], [sflag:$0x1] =	stream.indirect_vreg.gather [hbm4b:s24+s7], $0x80, v4, vm0, $0xb8;
	[tilespmem:$0xC080] =	vst v63  }
0x54: {  	s11 =	simm.s32 $0x5880;
	s12 =	simm.s32 $0x2  }
0x55: {  	[tilespmem:s11], [sflag:$0x1] =	stream.indirect_vreg.gather [hbm4b:s24+s7], $0x80, v3, vm0, $0xb8;
	[tilespmem:$0xC080] =	vst v63  }
0x56: {  	_ =	swait.ge [sflag:s12], $0x6000  }
0x57: {  	[sflag:s12] =	ssyncset.done $0x0  }
0x58: {  	s13 =	simm.s32 $0x1;
	[sflag:s12] =	ssyncadd.s32 $0xFFFFA000  }
0x59: {  	_ =	swait.ge [sflag:s13], $0x6000  }
0x5a: {  	s14 =	sand.u32 $0x7800, s7;
	s15 =	sand.u32 $0x200, s7;
	[sflag:s13] =	ssyncset.done $0x0  }
0x5b: {  	s16 =	sor.u32 s15, s14;
	[sflag:s13] =	ssyncadd.s32 $0xFFFFA000  }
0x5c: {  	v3 =	vld [tilespmem:s16+$0x200]  }
0x5d: {  	v4 =	vld [tilespmem:s16+$0x6200]  }
0x5e: {  	v5 =	vld [tilespmem:s16+$0x210]  }
0x5f: {  	v6 =	vld [tilespmem:s16+$0x6210]  }
0x60: {  	v7 =	vld [tilespmem:s16+$0x220]  }
0x61: {  	v8 =	vld [tilespmem:s16+$0x6220]  }
0x62: {  	v9 =	vld [tilespmem:s16+$0x230]  }
0x63: {  	v10 =	vld [tilespmem:s16+$0x6230]  }
0x64: {  	v11 =	vld [tilespmem:s16+$0x240]  }
0x65: {  	v12 =	vld [tilespmem:s16+$0x250]  }
0x66: {  	v13 =	vld [tilespmem:s16+$0x6250]  }
0x67: {  	v14 =	vld [tilespmem:s16+$0x260]  }
0x68: {  	v15 =	vld [tilespmem:s16+$0x6260]  }
0x69: {  	v57 =	vld [tilespmem:s16+$0x60B0]  }
0x6a: {  	v58 =	vld [tilespmem:s16+$0xC0]  }
0x6b: {  	v59 =	vld [tilespmem:s16+$0x60C0]  }
0x6c: {  	v60 =	vld [tilespmem:s16+$0xD0]  }
0x6d: {  	v16 =	vld [tilespmem:s16+$0xE0]  }
0x6e: {  	v18 =	vld [tilespmem:s16+$0x60E0]  }
0x6f: {  	v19 =	vld [tilespmem:s16+$0xF0]  }
0x70: {  	v20 =	vld [tilespmem:s16+$0x60F0]  }
0x71: {  	v21 =	vld [tilespmem:s16+$0x100]  }
0x72: {  	v22 =	vld [tilespmem:s16+$0x6100]  }
0x73: {  	v61 =	vld [tilespmem:s16+$0x110]  }
0x74: {  	v23 =	vld [tilespmem:s16+$0x6110]  }
0x75: {  	v25 =	vld [tilespmem:s16+$0x120]  }
0x76: {  	v3 =	vadd.f32 v4, v3;
	v4 =	vld [tilespmem:s16+$0x270]  }
0x77: {  	v5 =	vadd.f32 v6, v5;
	v6 =	vld [tilespmem:s16+$0x6270]  }
0x78: {  	[tilespmem:s16+$0x200] =	vst v3;
	v3 =	vadd.f32 v8, v7;
	v7 =	vld [tilespmem:s16+$0x6240]  }
0x79: {  	v26 =	vld [tilespmem:s16+$0x6120];
	[tilespmem:s16+$0x210] =	vst v5;
	v5 =	vadd.f32 v10, v9  }
0x7a: {  	p0 =	por $0x0, $0x0;
	s0 =	simm.s32 $0x1;
	v27 =	vld [tilespmem:s16+$0x130];
	[tilespmem:s16+$0x220] =	vst v3;
	v3 =	vadd.f32 v13, v12  }
0x7b: {  	s0 =	simm.s32 @!p0 $0x0;
	v28 =	vld [tilespmem:s16+$0x6130];
	[tilespmem:s16+$0x230] =	vst v5;
	v5 =	vadd.f32 v15, v14  }
0x7c: {  	s0 =	sshll.u32 s0, $0x9;
	v29 =	vld [tilespmem:s16+$0x140];
	[tilespmem:s16+$0x250] =	vst v3;
	v3 =	vadd.f32 v6, v4  }
0x7d: {  	s1 =	sadd.s32 $0x0, s0;
	v30 =	vld [tilespmem:s16+$0x6140];
	[tilespmem:s16+$0x260] =	vst v5;
	v6 =	vadd.f32 v7, v11  }
0x7e: {  	s2 =	sadd.s32 $0x180, s1;
	v31 =	vld [tilespmem:s16+$0x150];
	[tilespmem:s16+$0x270] =	vst v3  }
0x7f: {  	s17 =	sor.u32 $0x400, s2;
	v32 =	vld [tilespmem:s16+$0x6150];
	[tilespmem:s16+$0x240] =	vst v6  }
0x80: {  	v6 =	vld [tilespmem:s17+$0x80]  }
0x81: {  	v7 =	vld [tilespmem:s17+$0x6080]  }
0x82: {  	v62 =	vld [tilespmem:s16+$0x190]  }
0x83: {  	v8 =	vld [tilespmem:s16+$0x80]  }
0x84: {  	v9 =	vld [tilespmem:s16+$0x6080]  }
0x85: {  	v10 =	vld [tilespmem:s16+$0x90]  }
0x86: {  	v4 =	vld [tilespmem:s16+$0x6090];
	v6 =	vadd.f32 v7, v6  }
0x87: {  	v5 =	vld [tilespmem:s16+$0xA0]  }
0x88: {  	s18 =	sor.u32 $0x410, s2;
	v11 =	vld [tilespmem:s16+$0xB0];
	[tilespmem:s17+$0x80] =	vst v6  }
0x89: {  	v6 =	vld [tilespmem:s18+$0x80]  }
0x8a: {  	v17 =	vld [tilespmem:s18+$0x6080]  }
0x8b: {  	v3 =	vld [tilespmem:s16+$0x60A0]  }
0x8c: {  	v4 =	vadd.f32 v4, v10;
	v7 =	vld [tilespmem:s16+$0x60D0]  }
0x8d: {  	v63 =	vld [tilespmem:s16+$0x6190];
	v8 =	vadd.f32 v9, v8  }
0x8e: {  	v33 =	vld [tilespmem:s16+$0x61C0];
	[tilespmem:s16+$0x90] =	vst v4;
	v4 =	vadd.f32 v57, v11  }
0x8f: {  	v34 =	vld [tilespmem:s16+$0x1D0];
	[tilespmem:s16+$0x80] =	vst v8;
	v6 =	vadd.f32 v17, v6  }
0x90: {  	v9 =	vld [tilespmem:s16+$0x160];
	v3 =	vadd.f32 v3, v5;
	[tilespmem:s16+$0xB0] =	vst v4  }
0x91: {  	s19 =	sor.u32 $0x420, s2;
	v8 =	vld [tilespmem:s16+$0x6170];
	v4 =	vadd.f32 v7, v60;
	[tilespmem:s18+$0x80] =	vst v6  }
0x92: {  	[tilespmem:s16+$0xA0] =	vst v3;
	v3 =	vadd.f32 v59, v58;
	v6 =	vld [tilespmem:s19+$0x80]  }
0x93: {  	[tilespmem:s16+$0xD0] =	vst v4;
	v4 =	vadd.f32 v20, v19;
	v24 =	vld [tilespmem:s19+$0x6080]  }
0x94: {  	v10 =	vld [tilespmem:s16+$0x6160];
	[tilespmem:s16+$0xC0] =	vst v3;
	v3 =	vadd.f32 v18, v16  }
0x95: {  	v5 =	vld [tilespmem:s16+$0x170];
	[tilespmem:s16+$0xF0] =	vst v4;
	v4 =	vadd.f32 v23, v61  }
0x96: {  	v11 =	vld [tilespmem:s16+$0x180];
	[tilespmem:s16+$0xE0] =	vst v3;
	v3 =	vadd.f32 v22, v21  }
0x97: {  	v22 =	vld [tilespmem:s16+$0x1A0];
	[tilespmem:s16+$0x110] =	vst v4;
	v4 =	vadd.f32 v26, v25  }
0x98: {  	v7 =	vld [tilespmem:s16+$0x6180];
	[tilespmem:s16+$0x100] =	vst v3;
	v3 =	vadd.f32 v24, v6  }
0x99: {  	v23 =	vld [tilespmem:s16+$0x61A0];
	[tilespmem:s16+$0x120] =	vst v4;
	v4 =	vadd.f32 v30, v29  }
0x9a: {  	v26 =	vld [tilespmem:s16+$0x61B0];
	[tilespmem:s19+$0x80] =	vst v3;
	v3 =	vadd.f32 v28, v27  }
0x9b: {  	[tilespmem:s16+$0x140] =	vst v4;
	v4 =	vadd.f32 v10, v9;
	v9 =	vld [tilespmem:s16+$0x61D0]  }
0x9c: {  	v10 =	vld [tilespmem:s16+$0x61F0];
	[tilespmem:s16+$0x130] =	vst v3;
	v3 =	vadd.f32 v32, v31  }
0x9d: {  	v6 =	vld [tilespmem:s16+$0x1B0]  }
0x9e: {  	v28 =	vld [tilespmem:s16+$0x1C0];
	[tilespmem:s16+$0x150] =	vst v3;
	v3 =	vadd.f32 v8, v5  }
0x9f: {  	[tilespmem:s16+$0x160] =	vst v4;
	v4 =	vadd.f32 v7, v11;
	v7 =	vld [tilespmem:s16+$0x61E0]  }
0xa0: {  	v5 =	vld [tilespmem:s16+$0x1E0];
	[tilespmem:s16+$0x170] =	vst v3;
	v3 =	vadd.f32 v63, v62  }
0xa1: {  	s4 =	sor.u32 $0x400, s1;
	[tilespmem:s16+$0x180] =	vst v4;
	v4 =	vadd.f32 v23, v22;
	v8 =	vld [tilespmem:s16+$0x1F0]  }
0xa2: {  	v11 =	vld [tilespmem:s4+$0x6080];
	[tilespmem:s16+$0x190] =	vst v3;
	v3 =	vadd.f32 v26, v6  }
0xa3: {  	s8 =	sadd.s32 $0x80, s1;
	[tilespmem:s16+$0x1A0] =	vst v4;
	v4 =	vadd.f32 v33, v28;
	v6 =	vld [tilespmem:s4+$0x80]  }
0xa4: {  	s5 =	sor.u32 $0x400, s8;
	[tilespmem:s16+$0x1B0] =	vst v3;
	v3 =	vadd.f32 v9, v34  }
0xa5: {  	[tilespmem:s16+$0x1C0] =	vst v4;
	v4 =	vadd.f32 v7, v5;
	v5 =	vld [tilespmem:s5+$0x6080]  }
0xa6: {  	s6 =	sor.u32 $0x430, s2;
	v9 =	vld [tilespmem:s5+$0x80];
	[tilespmem:s16+$0x1D0] =	vst v3;
	v3 =	vadd.f32 v10, v8  }
0xa7: {  	s0 =	sadd.s32 $0x100, s1;
	v7 =	vld [tilespmem:s6+$0x80];
	[tilespmem:s16+$0x1E0] =	vst v4  }
0xa8: {  	s20 =	sor.u32 $0x400, s0;
	v4 =	vld [tilespmem:s6+$0x6080];
	[tilespmem:s16+$0x1F0] =	vst v3;
	v3 =	vadd.f32 v11, v6  }
0xa9: {  	v6 =	vld [tilespmem:s20+$0x80]  }
0xaa: {  	s21 =	sor.u32 $0x410, s1;
	v8 =	vld [tilespmem:s20+$0x6080];
	[tilespmem:s4+$0x80] =	vst v3  }
0xab: {  	v3 =	vadd.f32 v5, v9;
	v5 =	vld [tilespmem:s21+$0x80]  }
0xac: {  	v9 =	vld [tilespmem:s21+$0x6080]  }
0xad: {  	s22 =	sor.u32 $0x410, s8;
	[tilespmem:s5+$0x80] =	vst v3;
	v3 =	vadd.f32 v4, v7  }
0xae: {  	v4 =	vld [tilespmem:s22+$0x80]  }
0xaf: {  	s23 =	sor.u32 $0x440, s2;
	v7 =	vld [tilespmem:s22+$0x6080];
	[tilespmem:s6+$0x80] =	vst v3;
	v3 =	vadd.f32 v8, v6  }
0xb0: {  	v6 =	vld [tilespmem:s23+$0x80]  }
0xb1: {  	s24 =	sor.u32 $0x410, s0;
	v8 =	vld [tilespmem:s23+$0x6080];
	[tilespmem:s20+$0x80] =	vst v3;
	v3 =	vadd.f32 v9, v5  }
0xb2: {  	v5 =	vld [tilespmem:s24+$0x80]  }
0xb3: {  	s25 =	sor.u32 $0x420, s1;
	s19 =	simm.s32 $0x200;
	s20 =	simm.s32 $0x400;
	v9 =	vld [tilespmem:s24+$0x6080];
	[tilespmem:s21+$0x80] =	vst v3  }
0xb4: {  	s4 =	sand.u32 $0x200, s19;
	s5 =	sand.u32 $0x7800, s20;
	v3 =	vadd.f32 v7, v4;
	v4 =	vld [tilespmem:s25+$0x80]  }
0xb5: {  	s5 =	sor.u32 s4, s5;
	v7 =	vld [tilespmem:s25+$0x6080]  }
0xb6: {  	v35 =	vld [tilespmem:s5+$0x210]  }
0xb7: {  	v36 =	vld [tilespmem:s5+$0x6210]  }
0xb8: {  	v37 =	vld [tilespmem:s5+$0x220]  }
0xb9: {  	v38 =	vld [tilespmem:s5+$0x6220]  }
0xba: {  	v39 =	vld [tilespmem:s5+$0x230]  }
0xbb: {  	v40 =	vld [tilespmem:s5+$0x6230]  }
0xbc: {  	v41 =	vld [tilespmem:s5+$0x240]  }
0xbd: {  	v42 =	vld [tilespmem:s5+$0x250]  }
0xbe: {  	v43 =	vld [tilespmem:s5+$0x6250]  }
0xbf: {  	v44 =	vld [tilespmem:s5+$0x260]  }
0xc0: {  	v45 =	vld [tilespmem:s5+$0x6260]  }
0xc1: {  	v46 =	vld [tilespmem:s5+$0x6270]  }
0xc2: {  	v47 =	vld [tilespmem:s5+$0x6240]  }
0xc3: {  	s26 =	sor.u32 $0x420, s8;
	v16 =	vld [tilespmem:s5+$0x80];
	[tilespmem:s22+$0x80] =	vst v3  }
0xc4: {  	v3 =	vadd.f32 v8, v6;
	v6 =	vld [tilespmem:s26+$0x80]  }
0xc5: {  	v8 =	vld [tilespmem:s26+$0x6080]  }
0xc6: {  	s9 =	sor.u32 $0x450, s2;
	v17 =	vld [tilespmem:s5+$0x6080];
	[tilespmem:s23+$0x80] =	vst v3;
	v3 =	vadd.f32 v9, v5  }
0xc7: {  	v5 =	vld [tilespmem:s9+$0x80]  }
0xc8: {  	s10 =	sor.u32 $0x420, s0;
	v9 =	vld [tilespmem:s9+$0x6080];
	[tilespmem:s24+$0x80] =	vst v3;
	v3 =	vadd.f32 v7, v4  }
0xc9: {  	v4 =	vld [tilespmem:s10+$0x80]  }
0xca: {  	s11 =	sor.u32 $0x430, s1;
	v7 =	vld [tilespmem:s10+$0x6080];
	[tilespmem:s25+$0x80] =	vst v3;
	v3 =	vadd.f32 v8, v6  }
0xcb: {  	v6 =	vld [tilespmem:s11+$0x80]  }
0xcc: {  	s12 =	sor.u32 $0x430, s8;
	v8 =	vld [tilespmem:s11+$0x6080];
	[tilespmem:s26+$0x80] =	vst v3  }
0xcd: {  	v3 =	vadd.f32 v9, v5;
	v5 =	vld [tilespmem:s12+$0x80]  }
0xce: {  	v9 =	vld [tilespmem:s12+$0x6080]  }
0xcf: {  	s13 =	sor.u32 $0x460, s2;
	v19 =	vld [tilespmem:s5+$0x90];
	[tilespmem:s9+$0x80] =	vst v3;
	v3 =	vadd.f32 v7, v4  }
0xd0: {  	v4 =	vld [tilespmem:s13+$0x80]  }
0xd1: {  	v7 =	vld [tilespmem:s13+$0x6080];
	[tilespmem:s10+$0x80] =	vst v3;
	v3 =	vadd.f32 v8, v6  }
0xd2: {  	v13 =	vld [tilespmem:s5+$0x6090]  }
0xd3: {  	s14 =	sor.u32 $0x430, s0;
	v53 =	vld [tilespmem:s5+$0xB0];
	[tilespmem:s11+$0x80] =	vst v3;
	v3 =	vadd.f32 v9, v5  }
0xd4: {  	v6 =	vld [tilespmem:s14+$0x80]  }
0xd5: {  	s16 =	sor.u32 $0x440, s8;
	v8 =	vld [tilespmem:s14+$0x6080];
	[tilespmem:s12+$0x80] =	vst v3  }
0xd6: {  	v3 =	vadd.f32 v7, v4;
	v7 =	vld [tilespmem:s16+$0x80]  }
0xd7: {  	v10 =	vld [tilespmem:s16+$0x6080]  }
0xd8: {  	v54 =	vld [tilespmem:s5+$0x60B0]  }
0xd9: {  	v55 =	vld [tilespmem:s5+$0xC0]  }
0xda: {  	v56 =	vld [tilespmem:s5+$0x60C0];
	v6 =	vadd.f32 v8, v6  }
0xdb: {  	v8 =	vld [tilespmem:s5+$0x200]  }
0xdc: {  	[tilespmem:s14+$0x80] =	vst v6;
	v6 =	vadd.f32 v10, v7;
	v10 =	vld [tilespmem:s5+$0x6200]  }
0xdd: {  	v57 =	vld [tilespmem:s5+$0xD0]  }
0xde: {  	v58 =	vld [tilespmem:s5+$0x60D0]  }
0xdf: {  	v59 =	vld [tilespmem:s5+$0xE0];
	v12 =	vadd.f32 v36, v35  }
0xe0: {  	v61 =	vld [tilespmem:s5+$0x60E0];
	v14 =	vadd.f32 v38, v37  }
0xe1: {  	v48 =	vadd.f32 v40, v39;
	[tilespmem:s5+$0x210] =	vst v12;
	v8 =	vadd.f32 v10, v8;
	v10 =	vld [tilespmem:s5+$0x270]  }
0xe2: {  	v62 =	vld [tilespmem:s5+$0xF0];
	v49 =	vadd.f32 v43, v42;
	[tilespmem:s5+$0x220] =	vst v14  }
0xe3: {  	p0 =	por !p0, !p0;
	s4 =	simm.s32 $0x1;
	v63 =	vld [tilespmem:s5+$0x60F0];
	v50 =	vadd.f32 v45, v44;
	[tilespmem:s5+$0x230] =	vst v48  }
0xe4: {  	s4 =	simm.s32 @!p0 $0x0;
	v33 =	vld [tilespmem:s5+$0x120];
	v51 =	vadd.f32 v47, v41;
	[tilespmem:s5+$0x250] =	vst v49  }
0xe5: {  	v34 =	vld [tilespmem:s5+$0x6120];
	s4 =	sshll.u32 s4, $0x9;
	[tilespmem:s5+$0x260] =	vst v50  }
0xe6: {  	v28 =	vld [tilespmem:s5+$0x61B0];
	s4 =	sadd.s32 $0x400, s4;
	[tilespmem:s5+$0x240] =	vst v51;
	v10 =	vadd.f32 v46, v10  }
0xe7: {  	v30 =	vld [tilespmem:s5+$0x1C0];
	s22 =	sadd.s32 $0x180, s4;
	[tilespmem:s5+$0x200] =	vst v8  }
0xe8: {  	v44 =	vld [tilespmem:s5+$0x100];
	s9 =	sor.u32 $0x400, s22;
	[tilespmem:s5+$0x270] =	vst v10  }
0xe9: {  	v14 =	vld [tilespmem:s9+$0x80]  }
0xea: {  	v52 =	vld [tilespmem:s9+$0x6080]  }
0xeb: {  	v45 =	vld [tilespmem:s5+$0x6100]  }
0xec: {  	v47 =	vld [tilespmem:s5+$0x6110]  }
0xed: {  	v35 =	vld [tilespmem:s5+$0x130]  }
0xee: {  	v36 =	vld [tilespmem:s5+$0x6130]  }
0xef: {  	v37 =	vld [tilespmem:s5+$0x140];
	v14 =	vadd.f32 v52, v14  }
0xf0: {  	v38 =	vld [tilespmem:s5+$0x150]  }
0xf1: {  	s23 =	sor.u32 $0x410, s22;
	v40 =	vld [tilespmem:s5+$0x6150];
	[tilespmem:s9+$0x80] =	vst v14  }
0xf2: {  	v14 =	vld [tilespmem:s23+$0x80]  }
0xf3: {  	v60 =	vld [tilespmem:s23+$0x6080]  }
0xf4: {  	v41 =	vld [tilespmem:s5+$0x160]  }
0xf5: {  	v29 =	vadd.f32 v34, v33;
	v34 =	vld [tilespmem:s5+$0x61C0]  }
0xf6: {  	v12 =	vld [tilespmem:s5+$0xA0]  }
0xf7: {  	s15 =	sor.u32 $0x440, s1;
	v49 =	vld [tilespmem:s5+$0x6140]  }
0xf8: {  	v5 =	vld [tilespmem:s15+$0x80];
	v14 =	vadd.f32 v60, v14  }
0xf9: {  	v10 =	vld [tilespmem:s5+$0x60A0]  }
0xfa: {  	s24 =	sor.u32 $0x420, s22;
	v9 =	vld [tilespmem:s15+$0x6080];
	[tilespmem:s23+$0x80] =	vst v14  }
0xfb: {  	v14 =	vld [tilespmem:s24+$0x80]  }
0xfc: {  	v16 =	vadd.f32 v17, v16;
	v48 =	vld [tilespmem:s24+$0x6080]  }
0xfd: {  	v13 =	vadd.f32 v13, v19;
	v50 =	vld [tilespmem:s5+$0x170]  }
0xfe: {  	v51 =	vld [tilespmem:s5+$0x6170];
	[tilespmem:s5+$0x80] =	vst v16;
	v10 =	vadd.f32 v10, v12  }
0xff: {  	s17 =	sor.u32 $0x440, s0;
	[tilespmem:s5+$0x90] =	vst v13;
	v32 =	vadd.f32 v49, v37;
	v37 =	vld [tilespmem:s5+$0x61E0]  }
0x100: {  	v5 =	vadd.f32 v9, v5;
	v9 =	vld [tilespmem:s17+$0x80];
	[tilespmem:s5+$0xA0] =	vst v10;
	v10 =	vadd.f32 v56, v55  }
0x101: {  	[tilespmem:s13+$0x80] =	vst v3;
	v11 =	vld [tilespmem:s17+$0x6080];
	v14 =	vadd.f32 v48, v14  }
0x102: {  	v53 =	vadd.f32 v54, v53;
	s11 =	sor.u32 $0x470, s2;
	v46 =	vld [tilespmem:s5+$0x110];
	[tilespmem:s5+$0xC0] =	vst v10  }
0x103: {  	s25 =	sor.u32 $0x430, s22;
	v3 =	vld [tilespmem:s11+$0x80];
	v10 =	vadd.f32 v61, v59;
	[tilespmem:s24+$0x80] =	vst v14  }
0x104: {  	[tilespmem:s5+$0xB0] =	vst v53;
	v14 =	vld [tilespmem:s25+$0x80]  }
0x105: {  	[tilespmem:s5+$0xE0] =	vst v10;
	v10 =	vadd.f32 v45, v44;
	v39 =	vld [tilespmem:s25+$0x6080]  }
0x106: {  	s18 =	sor.u32 $0x450, s1;
	[tilespmem:s15+$0x80] =	vst v5;
	v9 =	vadd.f32 v11, v9;
	v11 =	vld [tilespmem:s5+$0x6160]  }
0x107: {  	v5 =	vld [tilespmem:s18+$0x80];
	[tilespmem:s5+$0x100] =	vst v10;
	v10 =	vadd.f32 v47, v46  }
0x108: {  	[tilespmem:s5+$0x120] =	vst v29;
	v7 =	vld [tilespmem:s18+$0x6080]  }
0x109: {  	v56 =	vadd.f32 v58, v57;
	v57 =	vld [tilespmem:s5+$0x190];
	[tilespmem:s5+$0x110] =	vst v10;
	v10 =	vadd.f32 v36, v35  }
0x10a: {  	[tilespmem:s17+$0x80] =	vst v9;
	v58 =	vld [tilespmem:s5+$0x6190];
	v9 =	vadd.f32 v39, v14  }
0x10b: {  	v11 =	vadd.f32 v11, v41;
	v61 =	vld [tilespmem:s5+$0x61A0];
	[tilespmem:s5+$0x130] =	vst v10  }
0x10c: {  	s26 =	sor.u32 $0x440, s22;
	v60 =	vld [tilespmem:s5+$0x1A0];
	v10 =	vadd.f32 v40, v38;
	[tilespmem:s25+$0x80] =	vst v9  }
0x10d: {  	[tilespmem:s5+$0x160] =	vst v11;
	v54 =	vld [tilespmem:s26+$0x80]  }
0x10e: {  	[tilespmem:s5+$0x150] =	vst v10;
	v10 =	vadd.f32 v51, v50;
	v55 =	vld [tilespmem:s26+$0x6080]  }
0x10f: {  	v11 =	vld [tilespmem:s5+$0x1E0];
	[tilespmem:s5+$0xD0] =	vst v56;
	v59 =	vadd.f32 v63, v62  }
0x110: {  	v52 =	vld [tilespmem:s5+$0x180];
	[tilespmem:s5+$0x170] =	vst v10;
	v10 =	vadd.f32 v58, v57  }
0x111: {  	s13 =	sor.u32 $0x400, s4;
	v63 =	vld [tilespmem:s5+$0x1B0];
	[tilespmem:s5+$0xF0] =	vst v59  }
0x112: {  	s7 =	sadd.s32 $0x80, s4;
	v43 =	vld [tilespmem:s13+$0x6080];
	[tilespmem:s5+$0x190] =	vst v10;
	v10 =	vadd.f32 v61, v60  }
0x113: {  	[tilespmem:s5+$0x140] =	vst v32;
	s14 =	sor.u32 $0x400, s7;
	v35 =	vld [tilespmem:s5+$0x1D0];
	v62 =	vadd.f32 v55, v54  }
0x114: {  	v45 =	vld [tilespmem:s14+$0x80];
	[tilespmem:s5+$0x1A0] =	vst v10  }
0x115: {  	s9 =	sor.u32 $0x450, s22;
	v10 =	vadd.f32 v34, v30;
	v9 =	vld [tilespmem:s5+$0x6180];
	[tilespmem:s26+$0x80] =	vst v62  }
0x116: {  	v31 =	vld [tilespmem:s9+$0x80]  }
0x117: {  	[tilespmem:s5+$0x1C0] =	vst v10;
	v10 =	vadd.f32 v37, v11;
	v33 =	vld [tilespmem:s9+$0x6080]  }
0x118: {  	v11 =	vld [tilespmem:s13+$0x80]  }
0x119: {  	[tilespmem:s5+$0x1E0] =	vst v10;
	v10 =	vld [tilespmem:s14+$0x6080]  }
0x11a: {  	v36 =	vld [tilespmem:s5+$0x61D0];
	v9 =	vadd.f32 v9, v52  }
0x11b: {  	[tilespmem:s16+$0x80] =	vst v6;
	v38 =	vld [tilespmem:s5+$0x1F0]  }
0x11c: {  	s21 =	sor.u32 $0x450, s8;
	v39 =	vld [tilespmem:s5+$0x61F0];
	[tilespmem:s5+$0x180] =	vst v9;
	v9 =	vadd.f32 v33, v31  }
0x11d: {  	v6 =	vld [tilespmem:s21+$0x80];
	v11 =	vadd.f32 v43, v11  }
0x11e: {  	s12 =	sor.u32 $0x460, s22;
	v8 =	vld [tilespmem:s21+$0x6080];
	v10 =	vadd.f32 v10, v45;
	[tilespmem:s9+$0x80] =	vst v9  }
0x11f: {  	v13 =	vadd.f32 v28, v63;
	[tilespmem:s13+$0x80] =	vst v11;
	v40 =	vld [tilespmem:s12+$0x80]  }
0x120: {  	v41 =	vadd.f32 v36, v35;
	s13 =	sor.u32 $0x410, s7;
	[tilespmem:s14+$0x80] =	vst v10;
	v42 =	vld [tilespmem:s12+$0x6080]  }
0x121: {  	[tilespmem:s5+$0x1B0] =	vst v13;
	v44 =	vadd.f32 v39, v38;
	v50 =	vld [tilespmem:s13+$0x80]  }
0x122: {  	v5 =	vadd.f32 v7, v5;
	[tilespmem:s5+$0x1D0] =	vst v41;
	v7 =	vld [tilespmem:s13+$0x6080];
	s9 =	sadd.s32 $0x100, s4  }
0x123: {  	v4 =	vld [tilespmem:s11+$0x6080];
	[tilespmem:s5+$0x1F0] =	vst v44;
	s15 =	sor.u32 $0x400, s9  }
0x124: {  	[tilespmem:s18+$0x80] =	vst v5;
	v5 =	vadd.f32 v8, v6;
	v15 =	vld [tilespmem:s15+$0x80]  }
0x125: {  	s10 =	sor.u32 $0x450, s0;
	v46 =	vld [tilespmem:s15+$0x6080];
	v12 =	vadd.f32 v42, v40  }
0x126: {  	s16 =	sor.u32 $0x460, s8;
	[tilespmem:s21+$0x80] =	vst v5;
	v47 =	vld [tilespmem:s10+$0x6080]  }
0x127: {  	v55 =	vld [tilespmem:s16+$0x6080];
	v7 =	vadd.f32 v7, v50;
	[tilespmem:s12+$0x80] =	vst v12;
	s12 =	sor.u32 $0x410, s4  }
0x128: {  	v49 =	vld [tilespmem:s12+$0x80]  }
0x129: {  	s18 =	sor.u32 $0x420, s7;
	[tilespmem:s13+$0x80] =	vst v7;
	v10 =	vld [tilespmem:s12+$0x6080]  }
0x12a: {  	v7 =	vld [tilespmem:s18+$0x80];
	v14 =	vadd.f32 v46, v15  }
0x12b: {  	v53 =	vld [tilespmem:s18+$0x6080]  }
0x12c: {  	v9 =	vld [tilespmem:s10+$0x80];
	s14 =	sor.u32 $0x410, s9;
	[tilespmem:s15+$0x80] =	vst v14  }
0x12d: {  	v14 =	vld [tilespmem:s14+$0x80]  }
0x12e: {  	s15 =	sor.u32 $0x460, s1;
	v6 =	vld [tilespmem:s14+$0x6080];
	v8 =	vadd.f32 v10, v49  }
0x12f: {  	v5 =	vld [tilespmem:s15+$0x6080]  }
0x130: {  	s17 =	sor.u32 $0x420, s4;
	v10 =	vld [tilespmem:s15+$0x80];
	[tilespmem:s12+$0x80] =	vst v8  }
0x131: {  	v51 =	vld [tilespmem:s17+$0x80]  }
0x132: {  	s5 =	sor.u32 $0x470, s22;
	v52 =	vld [tilespmem:s17+$0x6080]  }
0x133: {  	v48 =	vld [tilespmem:s5+$0x80];
	v6 =	vadd.f32 v6, v14  }
0x134: {  	v11 =	vld [tilespmem:s5+$0x6080]  }
0x135: {  	s19 =	sor.u32 $0x420, s9;
	v8 =	vld [tilespmem:s16+$0x80];
	[tilespmem:s14+$0x80] =	vst v6;
	v6 =	vadd.f32 v47, v9  }
0x136: {  	v9 =	vld [tilespmem:s19+$0x80];
	v5 =	vadd.f32 v5, v10  }
0x137: {  	s20 =	sor.u32 $0x460, s0;
	v54 =	vld [tilespmem:s19+$0x6080];
	[tilespmem:s10+$0x80] =	vst v6;
	v6 =	vadd.f32 v52, v51  }
0x138: {  	s24 =	sor.u32 $0x470, s1;
	v56 =	vld [tilespmem:s20+$0x80];
	[tilespmem:s15+$0x80] =	vst v5  }
0x139: {  	s21 =	sor.u32 $0x430, s4;
	v59 =	vld [tilespmem:s24+$0x80];
	[tilespmem:s17+$0x80] =	vst v6;
	v6 =	vadd.f32 v53, v7  }
0x13a: {  	v57 =	vld [tilespmem:s21+$0x80]  }
0x13b: {  	s22 =	sor.u32 $0x430, s7;
	[tilespmem:s18+$0x80] =	vst v6;
	v6 =	vld [tilespmem:s21+$0x6080]  }
0x13c: {  	v9 =	vadd.f32 v54, v9;
	v58 =	vld [tilespmem:s22+$0x80]  }
0x13d: {  	v10 =	vld [tilespmem:s22+$0x6080]  }
0x13e: {  	s23 =	sor.u32 $0x430, s9;
	v60 =	vld [tilespmem:s24+$0x6080];
	[tilespmem:s19+$0x80] =	vst v9  }
0x13f: {  	v5 =	vadd.f32 v55, v8;
	v9 =	vld [tilespmem:s23+$0x80]  }
0x140: {  	v8 =	vld [tilespmem:s23+$0x6080];
	v6 =	vadd.f32 v6, v57  }
0x141: {  	[tilespmem:s16+$0x80] =	vst v5;
	v7 =	vld [tilespmem:s20+$0x6080];
	s19 =	sor.u32 $0x470, s8  }
0x142: {  	s25 =	sor.u32 $0x440, s4;
	v63 =	vld [tilespmem:s19+$0x6080];
	v5 =	vadd.f32 v10, v58;
	[tilespmem:s21+$0x80] =	vst v6  }
0x143: {  	v6 =	vld [tilespmem:s25+$0x80]  }
0x144: {  	s26 =	sor.u32 $0x440, s7;
	v61 =	vld [tilespmem:s25+$0x6080];
	[tilespmem:s22+$0x80] =	vst v5  }
0x145: {  	v5 =	vadd.f32 v8, v9;
	v8 =	vld [tilespmem:s26+$0x80]  }
0x146: {  	v9 =	vld [tilespmem:s26+$0x6080]  }
0x147: {  	s14 =	sor.u32 $0x440, s9;
	v10 =	vld [tilespmem:s19+$0x80];
	[tilespmem:s23+$0x80] =	vst v5;
	v5 =	vadd.f32 v7, v56  }
0x148: {  	v3 =	vadd.f32 v4, v3;
	v7 =	vld [tilespmem:s14+$0x80]  }
0x149: {  	s6 =	sor.u32 $0x470, s0;
	v62 =	vld [tilespmem:s14+$0x6080];
	[tilespmem:s20+$0x80] =	vst v5;
	v5 =	vadd.f32 v61, v6  }
0x14a: {  	[tilespmem:s11+$0x80] =	vst v3;
	v3 =	vadd.f32 v11, v48;
	v4 =	vld [tilespmem:s6+$0x80]  }
0x14b: {  	s31 =	sor.u32 $0x460, s4;
	s28 =	sor.u32 $0x470, s4;
	s13 =	sor.u32 $0x450, s4;
	v8 =	vadd.f32 v9, v8;
	[tilespmem:s25+$0x80] =	vst v5;
	v5 =	vld [tilespmem:s6+$0x6080]  }
0x14c: {  	s30 =	sor.u32 $0x460, s7;
	s0 =	simm.s32 $0x4;
	s11 =	simm.s32 $0x800;
	[tilespmem:s5+$0x80] =	vst v3;
	v3 =	vadd.f32 v60, v59;
	v6 =	vld [tilespmem:s13+$0x80]  }
0x14d: {  	s29 =	sor.u32 $0x460, s9;
	s3 =	sor.u32 $0x470, s9;
	s12 =	sor.u32 $0x450, s7;
	v9 =	vld [tilespmem:s13+$0x6080];
	[tilespmem:s26+$0x80] =	vst v8  }
0x14e: {  	s1 =	sor.u32 $0x450, s9;
	s16 =	sor.u32 $0x470, s7;
	s8 =	simm.s32 $0x400;
	[tilespmem:s24+$0x80] =	vst v3;
	v3 =	vadd.f32 v62, v7;
	v7 =	vadd.f32 v63, v10;
	v8 =	vld [tilespmem:s12+$0x80]  }
.LBB2_2:
0x14f: {  	_ = 	snop  }
0x150: {  	s2 =	sand.u32 $0x7800, s11;
	s4 =	sand.u32 $0x200, s8;
	v10 =	vld [tilespmem:s12+$0x6080];
	[tilespmem:s14+$0x80] =	vst v3  }
0x151: {  	s21 =	sor.u32 s4, s2;
	v3 =	vld [tilespmem:s1+$0x80]  }
0x152: {  	[tilespmem:s19+$0x80] =	vst v7;
	v7 =	vld [tilespmem:s21+$0x6200]  }
0x153: {  	v11 =	vld [tilespmem:s21+$0x6230]  }
0x154: {  	v12 =	vld [tilespmem:s21+$0x240]  }
0x155: {  	v13 =	vld [tilespmem:s21+$0x250]  }
0x156: {  	v14 =	vld [tilespmem:s21+$0x6250]  }
0x157: {  	v15 =	vld [tilespmem:s21+$0x260]  }
0x158: {  	v16 =	vld [tilespmem:s21+$0x6260]  }
0x159: {  	v4 =	vadd.f32 v5, v4;
	v5 =	vld [tilespmem:s21+$0x200]  }
0x15a: {  	v6 =	vadd.f32 v9, v6;
	v9 =	vld [tilespmem:s21+$0x6210]  }
0x15b: {  	[tilespmem:s6+$0x80] =	vst v4;
	v4 =	vld [tilespmem:s21+$0x210]  }
0x15c: {  	[tilespmem:s13+$0x80] =	vst v6;
	v6 =	vadd.f32 v10, v8;
	v8 =	vld [tilespmem:s21+$0x220]  }
0x15d: {  	v10 =	vld [tilespmem:s21+$0x6220]  }
0x15e: {  	[tilespmem:s12+$0x80] =	vst v6;
	v6 =	vld [tilespmem:s21+$0x230]  }
0x15f: {  	v62 =	vld [tilespmem:s21+$0x6090]  }
0x160: {  	v5 =	vadd.f32 v7, v5;
	v7 =	vld [tilespmem:s21+$0x270]  }
0x161: {  	v4 =	vadd.f32 v9, v4;
	v9 =	vld [tilespmem:s21+$0x6270]  }
0x162: {  	[tilespmem:s21+$0x200] =	vst v5;
	v5 =	vadd.f32 v10, v8;
	v8 =	vld [tilespmem:s21+$0x6240]  }
0x163: {  	v10 =	vld [tilespmem:s21+$0x80];
	[tilespmem:s21+$0x210] =	vst v4;
	v4 =	vadd.f32 v11, v6  }
0x164: {  	p0 =	por !p0, !p0;
	s2 =	simm.s32 $0x1;
	v6 =	vld [tilespmem:s21+$0x6080];
	[tilespmem:s21+$0x220] =	vst v5;
	v5 =	vadd.f32 v14, v13  }
0x165: {  	s2 =	simm.s32 @!p0 $0x0;
	v11 =	vld [tilespmem:s21+$0x90];
	[tilespmem:s21+$0x230] =	vst v4  }
0x166: {  	s2 =	sshll.u32 s2, $0x9;
	v4 =	vadd.f32 v16, v15;
	[tilespmem:s21+$0x250] =	vst v5;
	v5 =	vadd.f32 v9, v7;
	v7 =	vld [tilespmem:s21+$0xA0]  }
0x167: {  	s10 =	smov.u32 s3;
	s3 =	sadd.s32 s2, s11;
	v9 =	vld [tilespmem:s21+$0xB0]  }
0x168: {  	s7 =	sadd.s32 $0x180, s3;
	v8 =	vadd.f32 v8, v12;
	[tilespmem:s21+$0x260] =	vst v4;
	v4 =	vld [tilespmem:s21+$0x60A0]  }
0x169: {  	s26 =	sor.u32 $0x400, s7;
	[tilespmem:s21+$0x270] =	vst v5;
	v5 =	vadd.f32 v6, v10;
	v10 =	vld [tilespmem:s21+$0x60B0]  }
0x16a: {  	[tilespmem:s21+$0x240] =	vst v8;
	v6 =	vld [tilespmem:s26+$0x80]  }
0x16b: {  	v8 =	vld [tilespmem:s26+$0x6080]  }
0x16c: {  	[tilespmem:s21+$0x80] =	vst v5;
	v5 =	vadd.f32 v62, v11  }
0x16d: {  	s25 =	sadd.s32 $0x100, s3  }
0x16e: {  	s9 =	smov.u32 s16;
	s17 =	sor.u32 $0x450, s25;
	[tilespmem:s21+$0x90] =	vst v5;
	v5 =	vld [tilespmem:s21+$0xC0]  }
0x16f: {  	s16 =	sadd.s32 $0x80, s3;
	[dreg:$0xc] =	wrdreg s17;
	s17 =	sor.u32 $0x460, s3;
	v4 =	vadd.f32 v4, v7;
	v7 =	vld [tilespmem:s21+$0x60C0]  }
0x170: {  	[dreg:$0xb] =	wrdreg s17;
	s17 =	sor.u32 $0x460, s16;
	v9 =	vadd.f32 v10, v9;
	v10 =	vld [tilespmem:s21+$0xE0];
	v6 =	vadd.f32 v8, v6  }
0x171: {  	[dreg:$0xa] =	wrdreg s17;
	s17 =	sor.u32 $0x460, s25;
	[tilespmem:s21+$0xA0] =	vst v4;
	v4 =	vld [tilespmem:s21+$0xD0]  }
0x172: {  	[dreg:$0x8] =	wrdreg s17;
	s17 =	sor.u32 $0x410, s7;
	v8 =	vld [tilespmem:s21+$0x60D0];
	[tilespmem:s26+$0x80] =	vst v6  }
0x173: {  	v6 =	vld [tilespmem:s17+$0x80]  }
0x174: {  	v5 =	vadd.f32 v7, v5;
	v7 =	vld [tilespmem:s17+$0x6080]  }
0x175: {  	[tilespmem:s21+$0xB0] =	vst v9;
	v9 =	vld [tilespmem:s21+$0x60E0]  }
0x176: {  	v11 =	vld [tilespmem:s21+$0x6100]  }
0x177: {  	[tilespmem:s21+$0xC0] =	vst v5;
	v4 =	vadd.f32 v8, v4;
	v5 =	vld [tilespmem:s21+$0xF0]  }
0x178: {  	v8 =	vld [tilespmem:s21+$0x60F0]  }
0x179: {  	[tilespmem:s21+$0xD0] =	vst v4;
	v4 =	vld [tilespmem:s21+$0x100];
	v6 =	vadd.f32 v7, v6  }
0x17a: {  	v7 =	vadd.f32 v9, v10;
	v9 =	vld [tilespmem:s21+$0x110]  }
0x17b: {  	s26 =	sor.u32 $0x420, s7;
	v10 =	vld [tilespmem:s21+$0x6110];
	[tilespmem:s17+$0x80] =	vst v6  }
0x17c: {  	v6 =	vld [tilespmem:s26+$0x80]  }
0x17d: {  	[tilespmem:s21+$0xE0] =	vst v7;
	v5 =	vadd.f32 v8, v5;
	v7 =	vld [tilespmem:s26+$0x6080]  }
0x17e: {  	v8 =	vld [tilespmem:s21+$0x6120];
	v4 =	vadd.f32 v11, v4  }
0x17f: {  	[tilespmem:s21+$0xF0] =	vst v5;
	v5 =	vld [tilespmem:s21+$0x120]  }
0x180: {  	[tilespmem:s21+$0x100] =	vst v4;
	v4 =	vadd.f32 v10, v9;
	v9 =	vld [tilespmem:s21+$0x130]  }
0x181: {  	v10 =	vld [tilespmem:s21+$0x6130]  }
0x182: {  	v11 =	vld [tilespmem:s21+$0x6170];
	v6 =	vadd.f32 v7, v6  }
0x183: {  	[tilespmem:s21+$0x110] =	vst v4;
	v4 =	vld [tilespmem:s21+$0x140]  }
0x184: {  	s17 =	sor.u32 $0x430, s7;
	v7 =	vld [tilespmem:s21+$0x6140];
	v5 =	vadd.f32 v8, v5;
	[tilespmem:s26+$0x80] =	vst v6  }
0x185: {  	v6 =	vld [tilespmem:s17+$0x80]  }
0x186: {  	[tilespmem:s21+$0x120] =	vst v5;
	v5 =	vadd.f32 v10, v9;
	v9 =	vld [tilespmem:s17+$0x6080]  }
0x187: {  	v8 =	vld [tilespmem:s21+$0x150]  }
0x188: {  	v10 =	vld [tilespmem:s21+$0x6150]  }
0x189: {  	[tilespmem:s21+$0x130] =	vst v5;
	v4 =	vadd.f32 v7, v4;
	v5 =	vld [tilespmem:s21+$0x160]  }
0x18a: {  	v7 =	vld [tilespmem:s21+$0x6160]  }
0x18b: {  	[tilespmem:s21+$0x140] =	vst v4;
	v4 =	vld [tilespmem:s21+$0x170];
	v6 =	vadd.f32 v9, v6  }
0x18c: {  	v9 =	vld [tilespmem:s21+$0x180]  }
0x18d: {  	s26 =	sor.u32 $0x440, s7;
	v8 =	vadd.f32 v10, v8;
	v10 =	vld [tilespmem:s21+$0x6180];
	[tilespmem:s17+$0x80] =	vst v6  }
0x18e: {  	v6 =	vld [tilespmem:s26+$0x80]  }
0x18f: {  	v5 =	vadd.f32 v7, v5;
	v7 =	vld [tilespmem:s26+$0x6080]  }
0x190: {  	[tilespmem:s21+$0x150] =	vst v8;
	v8 =	vld [tilespmem:s21+$0x6190];
	v4 =	vadd.f32 v11, v4  }
0x191: {  	[tilespmem:s21+$0x160] =	vst v5;
	v5 =	vld [tilespmem:s21+$0x190]  }
0x192: {  	[tilespmem:s21+$0x170] =	vst v4;
	v4 =	vadd.f32 v10, v9;
	v9 =	vld [tilespmem:s21+$0x1A0]  }
0x193: {  	v10 =	vld [tilespmem:s21+$0x61A0]  }
0x194: {  	v11 =	vld [tilespmem:s21+$0x61E0];
	v6 =	vadd.f32 v7, v6  }
0x195: {  	[tilespmem:s21+$0x180] =	vst v4;
	v4 =	vld [tilespmem:s21+$0x1B0]  }
0x196: {  	s17 =	sor.u32 $0x450, s7;
	v7 =	vld [tilespmem:s21+$0x61B0];
	v5 =	vadd.f32 v8, v5;
	[tilespmem:s26+$0x80] =	vst v6  }
0x197: {  	v6 =	vld [tilespmem:s17+$0x80]  }
0x198: {  	[tilespmem:s21+$0x190] =	vst v5;
	v5 =	vadd.f32 v10, v9;
	v9 =	vld [tilespmem:s17+$0x6080]  }
0x199: {  	v8 =	vld [tilespmem:s21+$0x1C0]  }
0x19a: {  	v10 =	vld [tilespmem:s21+$0x61C0]  }
0x19b: {  	[tilespmem:s21+$0x1A0] =	vst v5;
	v4 =	vadd.f32 v7, v4;
	v5 =	vld [tilespmem:s21+$0x1D0]  }
0x19c: {  	v7 =	vld [tilespmem:s21+$0x61D0]  }
0x19d: {  	[tilespmem:s21+$0x1B0] =	vst v4;
	v4 =	vld [tilespmem:s21+$0x1E0];
	v6 =	vadd.f32 v9, v6  }
0x19e: {  	v9 =	vld [tilespmem:s21+$0x1F0]  }
0x19f: {  	s26 =	sor.u32 $0x460, s7;
	v8 =	vadd.f32 v10, v8;
	v10 =	vld [tilespmem:s21+$0x61F0];
	[tilespmem:s17+$0x80] =	vst v6  }
0x1a0: {  	v6 =	vld [tilespmem:s26+$0x80]  }
0x1a1: {  	s23 =	sor.u32 $0x400, s3;
	v5 =	vadd.f32 v7, v5;
	v7 =	vld [tilespmem:s26+$0x6080]  }
0x1a2: {  	[tilespmem:s21+$0x1C0] =	vst v8;
	v8 =	vld [tilespmem:s23+$0x80];
	v4 =	vadd.f32 v11, v4  }
0x1a3: {  	s4 =	sor.u32 $0x400, s16;
	[tilespmem:s21+$0x1D0] =	vst v5;
	v5 =	vld [tilespmem:s23+$0x6080]  }
0x1a4: {  	v11 =	vld [tilespmem:s4+$0x80];
	[tilespmem:s21+$0x1E0] =	vst v4;
	v4 =	vadd.f32 v10, v9  }
0x1a5: {  	s15 =	sor.u32 $0x400, s25;
	v9 =	vld [tilespmem:s4+$0x6080]  }
0x1a6: {  	[tilespmem:s21+$0x1F0] =	vst v4;
	v4 =	vld [tilespmem:s15+$0x80];
	v6 =	vadd.f32 v7, v6  }
0x1a7: {  	v7 =	vld [tilespmem:s15+$0x6080]  }
0x1a8: {  	s7 =	sor.u32 $0x470, s7;
	v5 =	vadd.f32 v5, v8;
	[tilespmem:s26+$0x80] =	vst v6;
	v6 =	vld [tilespmem:s1+$0x6080]  }
0x1a9: {  	v8 =	vld [tilespmem:s7+$0x80]  }
0x1aa: {  	s24 =	sor.u32 $0x410, s3;
	[tilespmem:s23+$0x80] =	vst v5;
	v5 =	vadd.f32 v9, v11;
	v9 =	vld [tilespmem:s7+$0x6080]  }
0x1ab: {  	v10 =	vld [tilespmem:s24+$0x80]  }
0x1ac: {  	s2 =	sor.u32 $0x410, s16;
	v11 =	vld [tilespmem:s24+$0x6080];
	[tilespmem:s4+$0x80] =	vst v5;
	v4 =	vadd.f32 v7, v4  }
0x1ad: {  	v5 =	vld [tilespmem:s2+$0x80];
	v3 =	vadd.f32 v6, v3  }
0x1ae: {  	[dreg:$0x5] =	wrdreg s9;
	s9 =	sor.u32 $0x410, s25;
	v6 =	vld [tilespmem:s2+$0x6080];
	[tilespmem:s15+$0x80] =	vst v4  }
0x1af: {  	v4 =	vld [tilespmem:s9+$0x80];
	[tilespmem:s1+$0x80] =	vst v3  }
0x1b0: {  	v7 =	vadd.f32 v9, v8;
	v3 =	vld [tilespmem:s9+$0x6080]  }
0x1b1: {  	v9 =	vld [tilespmem:s31+$0x6080];
	v8 =	vadd.f32 v11, v10  }
0x1b2: {  	[tilespmem:s7+$0x80] =	vst v7;
	v7 =	vld [tilespmem:s31+$0x80]  }
0x1b3: {  	s22 =	sor.u32 $0x420, s3;
	[tilespmem:s24+$0x80] =	vst v8;
	v5 =	vadd.f32 v6, v5;
	v6 =	vld [tilespmem:s30+$0x80]  }
0x1b4: {  	v8 =	vld [tilespmem:s22+$0x80]  }
0x1b5: {  	s6 =	sor.u32 $0x420, s16;
	v10 =	vld [tilespmem:s22+$0x6080];
	[tilespmem:s2+$0x80] =	vst v5;
	v3 =	vadd.f32 v3, v4  }
0x1b6: {  	v4 =	vld [tilespmem:s6+$0x80]  }
0x1b7: {  	s5 =	sor.u32 $0x420, s25;
	v5 =	vld [tilespmem:s6+$0x6080];
	[tilespmem:s9+$0x80] =	vst v3  }
0x1b8: {  	v3 =	vadd.f32 v9, v7;
	v7 =	vld [tilespmem:s5+$0x80]  }
0x1b9: {  	v9 =	vld [tilespmem:s5+$0x6080]  }
0x1ba: {  	[tilespmem:s31+$0x80] =	vst v3;
	v3 =	vadd.f32 v10, v8;
	v8 =	vld [tilespmem:s30+$0x6080]  }
0x1bb: {  	v10 =	vld [tilespmem:s29+$0x80]  }
0x1bc: {  	[dreg:$0x6] =	wrdreg s10;
	s10 =	sor.u32 $0x430, s3;
	[tilespmem:s22+$0x80] =	vst v3;
	v3 =	vadd.f32 v5, v4;
	v4 =	vld [tilespmem:s29+$0x6080]  }
0x1bd: {  	v5 =	vld [tilespmem:s10+$0x80]  }
0x1be: {  	s20 =	sor.u32 $0x430, s16;
	v11 =	vld [tilespmem:s10+$0x6080];
	[tilespmem:s6+$0x80] =	vst v3;
	v3 =	vadd.f32 v9, v7  }
0x1bf: {  	v7 =	vld [tilespmem:s20+$0x80]  }
0x1c0: {  	s19 =	sor.u32 $0x430, s25;
	v6 =	vadd.f32 v8, v6;
	v8 =	vld [tilespmem:s20+$0x6080];
	[tilespmem:s5+$0x80] =	vst v3  }
0x1c1: {  	v3 =	vld [tilespmem:s19+$0x80]  }
0x1c2: {  	[tilespmem:s30+$0x80] =	vst v6;
	v4 =	vadd.f32 v4, v10;
	v6 =	vld [tilespmem:s19+$0x6080]  }
0x1c3: {  	v9 =	vld [tilespmem:s28+$0x80];
	v5 =	vadd.f32 v11, v5  }
0x1c4: {  	s18 =	sor.u32 $0x440, s3;
	s14 =	sor.u32 $0x440, s16;
	s24 =	rddreg [dreg:$0x5];
	[tilespmem:s29+$0x80] =	vst v4;
	v4 =	vld [tilespmem:s28+$0x6080]  }
0x1c5: {  	s13 =	sor.u32 $0x450, s3;
	[dreg:$0x9] =	wrdreg s14;
	s3 =	sor.u32 $0x470, s3;
	[tilespmem:s10+$0x80] =	vst v5;
	v5 =	vadd.f32 v8, v7;
	v7 =	vld [tilespmem:s24+$0x80]  }
0x1c6: {  	[dreg:$0x7] =	wrdreg s3;
	v8 =	vld [tilespmem:s18+$0x80]  }
0x1c7: {  	s14 =	sor.u32 $0x440, s25;
	s3 =	sor.u32 $0x470, s25;
	s25 =	rddreg [dreg:$0x9];
	v10 =	vld [tilespmem:s18+$0x6080];
	[tilespmem:s20+$0x80] =	vst v5;
	v3 =	vadd.f32 v6, v3  }
0x1c8: {  	v5 =	vld [tilespmem:s25+$0x80]  }
0x1c9: {  	v6 =	vld [tilespmem:s25+$0x6080];
	[tilespmem:s19+$0x80] =	vst v3  }
0x1ca: {  	v3 =	vadd.f32 v4, v9;
	v11 =	vld [tilespmem:s14+$0x80]  }
0x1cb: {  	s0 =	sadd.s32 $0x4, s0;
	s17 =	rddreg [dreg:$0xc];
	s19 =	smov.u32 s24;
	v63 =	vld [tilespmem:s14+$0x6080]  }
0x1cc: {  	p1 =	slt.u32 s0, $0x5C;
	s6 =	rddreg [dreg:$0x6];
	[tilespmem:s28+$0x80] =	vst v3;
	v3 =	vadd.f32 v10, v8;
	v10 =	vld [tilespmem:s19+$0x6080]  }
.Ltmp0:
0x1cd: {  	s21 =	rddreg [dreg:$0xb];
	v4 =	vld [tilespmem:s6+$0x80];
	(pc) =	sbr.rel @p1 .LBB2_2-.Ltmp0, $4  }
0x1ce: {  	s8 =	sadd.s32 $0x200, s8;
	s11 =	sadd.s32 $0x400, s11;
	s26 =	rddreg [dreg:$0x7];
	[tilespmem:s18+$0x80] =	vst v3;
	v3 =	vadd.f32 v6, v5;
	v5 =	vld [tilespmem:s6+$0x6080]  }
0x1cf: {  	s12 =	sor.u32 $0x450, s16;
	s16 =	sor.u32 $0x470, s16;
	s23 =	rddreg [dreg:$0x8];
	v6 =	vld [tilespmem:s13+$0x80]  }
0x1d0: {  	s1 =	smov.u32 s17;
	s31 =	smov.u32 s21;
	s22 =	rddreg [dreg:$0xa];
	v9 =	vld [tilespmem:s13+$0x6080];
	[tilespmem:s25+$0x80] =	vst v3  }
0x1d1: {  	s30 =	smov.u32 s22;
	s29 =	smov.u32 s23;
	s28 =	smov.u32 s26;
	v3 =	vadd.f32 v63, v11;
	v8 =	vld [tilespmem:s12+$0x80];
	v7 =	vadd.f32 v10, v7  }
0x1d2: {  	_ = 	snop  }
0x1d3: {  	v10 =	vld [tilespmem:s12+$0x6080];
	[tilespmem:s14+$0x80] =	vst v3  }
0x1d4: {  	v3 =	vld [tilespmem:s1+$0x80]  }
0x1d5: {  	v11 =	vld [tilespmem:s1+$0x6080]  }
0x1d6: {  	v6 =	vadd.f32 v9, v6;
	_ =	sdelay $0x1  }
0x1d7: {  	[tilespmem:s13+$0x80] =	vst v6;
	v52 =	vadd.f32 v10, v8  }
0x1d8: {  	v53 =	vld [tilespmem:s31+$0x80]  }
0x1d9: {  	v54 =	vld [tilespmem:s31+$0x6080];
	[tilespmem:s12+$0x80] =	vst v52;
	v3 =	vadd.f32 v11, v3  }
0x1da: {  	v55 =	vld [tilespmem:s30+$0x80]  }
0x1db: {  	[tilespmem:s1+$0x80] =	vst v3;
	v3 =	vld [tilespmem:s30+$0x6080]  }
0x1dc: {  	v56 =	vld [tilespmem:s29+$0x80]  }
0x1dd: {  	v57 =	vld [tilespmem:s29+$0x6080]  }
0x1de: {  	v6 =	vadd.f32 v54, v53;
	_ =	sdelay $0x1  }
0x1df: {  	[tilespmem:s31+$0x80] =	vst v6;
	v3 =	vadd.f32 v3, v55  }
0x1e0: {  	v6 =	vld [tilespmem:s28+$0x80]  }
0x1e1: {  	v58 =	vld [tilespmem:s28+$0x6080];
	[tilespmem:s30+$0x80] =	vst v3;
	v3 =	vadd.f32 v57, v56  }
0x1e2: {  	v59 =	vld [tilespmem:s16+$0x80]  }
0x1e3: {  	[tilespmem:s29+$0x80] =	vst v3;
	v3 =	vld [tilespmem:s16+$0x6080]  }
0x1e4: {  	v60 =	vld [tilespmem:s3+$0x80]  }
0x1e5: {  	v61 =	vld [tilespmem:s3+$0x6080];
	_ =	sdelay $0x1  }
0x1e6: {  	v4 =	vadd.f32 v5, v4  }
0x1e7: {  	[tilespmem:s19+$0x80] =	vst v7;
	v62 =	vadd.f32 v58, v6  }
0x1e8: {  	[tilespmem:s6+$0x80] =	vst v4;
	v3 =	vadd.f32 v3, v59  }
0x1e9: {  	[tilespmem:s28+$0x80] =	vst v62;
	v63 =	vadd.f32 v61, v60  }
0x1ea: {  	[tilespmem:s16+$0x80] =	vst v3  }
0x1eb: {  	s7 =	simm.s32 $0x0;
	[tilespmem:s3+$0x80] =	vst v63  }
0x1ec: {  	s2 =	simm.s32 $0x3;
	s3 =	simm.s32 $0x80;
	s0 =	rddreg [dreg:$0xf]  }
0x1ed: {  	[hbm4b:s0+s7] =	stream.linear.scatter [tilespmem:s3], [sflag:$0x3], $0x6000, $0x38;
	[tilespmem:$0xC080] =	vst v63  }
0x1ee: {  	_ =	swait.ge [sflag:s2], $0x6000  }
0x1ef: {  	s30 =	rddreg [dreg:$0x11]  }
0x1f0: {  	s31 =	rddreg [dreg:$0x10];
	s1 =	sadd.s32 $0x1, s30  }
0x1f1: {  	p0 =	sne.s32 s1, s31  }
.Ltmp1:
0x1f2: {  	_ = 	snop;
	(pc) =	sbr.rel @p0 .LBB2_1-.Ltmp1, $3  }
0x1f3: {  	_ =	sdelay $0x1  }
0x1f4: {  	[sflag:s2] =	ssyncset.done $0x0  }
0x1f5: {  	[sflag:s2] =	ssyncadd.s32 $0xFFFFA000  }
0x1f6: {  	_ =	sfence.sel $0x180000  }
0x1f7: {  	[bflag:$0x0] =	sbarrier.arrive $0xFFFF  }
0x1f8: {  	_ =	strace $0x9000004D  }
0x1f9: {  	s0 =	stileid.u32;
	[bflag:$0x2] =	sbarrier.arrive $0xFFFF  }
0x1fa: {  	p0 =	sne.s32 s0, $0x0;
	s0 =	rddreg [dreg:$0x4]  }
0x1fb: {  	s0 =	sadd.s32 @!p0 $0x100000, s0  }
0x1fc: {  	[sflag:s0] =	ssyncadd.tile.s32 @!p0 $0x1;
	_ =	shalt  }
.Lfunc_end2:
_tile_overlayer_lowered:
.L_overlay_start_2:
0x1fd: {  	(tag) =	ssettag $0x2  }
0x1fe: {  	s0 =	rddreg [dreg:$0x0];
	s2 =	stileid.u32  }
0x1ff: {  	s1 =	rddreg [dreg:$0x1];
	p0 =	sne.s32 s2, $0x0  }
0x200: {  	s3 =	rddreg [dreg:$0x2];
	[bflag:$0x3] =	sbarrier.arrive $0xFFFF;
	s2 =	simm.s32 @!p0 $0x1C03  }
0x201: {  	[timem:s3], [sflag:s2] =	dma.local @!p0 [hbm:s0], s1  }
0x202: {  	s0 =	simm.s32 @!p0 $0x3  }
0x203: {  	_ =	swait.ge @!p0 [sflag:s0], s1  }
0x204: {  	s1 =	ssub.s32 @!p0 $0x0, s1;
	[sflag:s0] =	ssyncset.done @!p0 $0x0  }
0x205: {  	[sflag:s0] =	ssyncadd.s32 @!p0 s1  }
0x206: {  	[bflag:$0x3] =	sbarrier.arrive $0xFFFF  }
0x207: {  	_ =	shalt  }

// kernel: kernel.8.cloned.1.call-start
scs
__scs_entry_jumppad:
0x0: {  	(pc) =	sbr.rel $0x88, $3  }
0x1: {  	(tag) =	ssettag $0x0;
	lr =	simm.s32 $0x1  }
0x2: {  	[smem:$0x3F9E] =	sst lr;
	_ =	strace $0xD0000000  }
0x3: {  	_ = 	snop  }
0x4: {  	_ = 	snop  }
0x5: {  	_ = 	snop  }
0x6: {  	_ = 	snop  }
0x7: {  	_ = 	snop  }
__scs_overlays_trampoline_lowered:
0x8: {  	[smem:$0x3FAD] =	sst s0  }
0x9: {  	[smem:$0x3FAE] =	sst s1  }
0xa: {  	[smem:$0x3FAF] =	sst s2  }
0xb: {  	[smem:$0x3FB0] =	sst s3  }
0xc: {  	[smem:$0x3FB1] =	sst s4  }
0xd: {  	[smem:$0x3FB2] =	sst s5  }
0xe: {  	[smem:$0x3FB3] =	sst s6  }
0xf: {  	[smem:$0x3FB4] =	sst s7  }
0x10: {  	[smem:$0x3FB5] =	sst s8  }
0x11: {  	[smem:$0x3FB6] =	sst s9;
	s0 =	simm.s32 @!p0 $0x0  }
0x12: {  	s1 =	sld [smem:$0x3F9C];
	s0 =	simm.s32 @p0 $0x1  }
0x13: {  	[smem:$0x3FB7] =	sst s0;
	s0 =	simm.s32 @!p1 $0x0  }
0x14: {  	s2 =	sld [smem:$0x3F9B];
	s0 =	simm.s32 @p1 $0x1  }
0x15: {  	[smem:$0x3FB8] =	sst s0;
	s0 =	simm.s32 @!p2 $0x0  }
0x16: {  	s3 =	sld [smem:$0x3FDB];
	s0 =	simm.s32 @p2 $0x1  }
0x17: {  	s4 =	simm.s32 $0x1BF5;
	[smem:$0x3FBA] =	sst s0  }
0x18: {  	s0 =	sld [smem:$0x3F9D];
	_ =	swait.ge [sflag:s4], $0x0  }
0x19: {  	s7 =	sld [smem:$0x3F9E]  }
0x1a: {  	s8 =	sadd.s32 $0xFFFFE003, lr  }
0x1b: {  	s9 =	sadd.s32 $0xFFFFFEF7, lr;
	s5 =	simm.s32 $0xFFFFFFFF;
	p2 =	slt.u32 s8, $0xFFFFF086  }
0x1c: {  	p1 =	slt.u32 s9, $0xF7A;
	s5 =	simm.s32 @!p2 $0x0  }
0x1d: {  	s5 =	simm.s32 @p1 $0x1;
	p0 =	seq.s32 s7, s2  }
0x1e: {  	s7 =	smul.u32 @!p0 $0xF7A, s2;
	p2 =	seq.s32 @!p0 s5, $0x0  }
0x1f: {  	s9 =	smul.u32 $0xF7A, s1;
	s8 =	simm.s32 @!p0 $0x1BF5;
	p2 =	por !p2, p0  }
0x20: {  	[sflag:s8] =	ssyncset.s32 @!p0 $0xFFFFF086;
	s6 =	sadd.s32 @!p0 s3, s7;
	s7 =	simm.s32 @!p0 $0x108  }
0x21: {  	s3 =	sadd.s32 s3, s9;
	s6 =	sadd.s32 @!p0 $0x88, s6;
	s7 =	simm.s32 @p2 $0x1082  }
0x22: {  	[simem:s7], [sflag:s8] =	dma.local @!p0 [hbm:s6], $0xF7A  }
0x23: {  	s9 =	sor.u32 $0xD0000000, s2;
	s6 =	simm.s32 $0x108;
	_ =	swait.ge @!p0 [sflag:s8], $0x0  }
0x24: {  	s3 =	sadd.s32 $0x88, s3;
	s6 =	simm.s32 @!p1 $0x1082;
	[sflag:s4] =	ssyncset.s32 $0xFFFFF086  }
0x25: {  	[simem:s6], [sflag:s4] =	dma.local [hbm:s3], $0xF7A  }
0x26: {  	[smem:$0x3F9E] =	sst s1;
	(tag) =	ssettag s2;
	_ =	strace s9  }
0x27: {  	s1 =	sld [smem:$0x3FAE]  }
0x28: {  	s2 =	sld [smem:$0x3FAF]  }
0x29: {  	s4 =	sld [smem:$0x3FB1]  }
0x2a: {  	p0 =	seq.s32 s5, $0x0;
	s5 =	sld [smem:$0x3FB2]  }
0x2b: {  	s6 =	sld [smem:$0x3FB3]  }
0x2c: {  	s7 =	sld [smem:$0x3FB4]  }
0x2d: {  	s3 =	simm.s32 $0x108;
	s8 =	sld [smem:$0x3FB5]  }
0x2e: {  	s3 =	simm.s32 @!p0 $0x1082;
	s9 =	sld [smem:$0x3FB6]  }
0x2f: {  	lr =	sadd.s32 s0, s3;
	s0 =	sld [smem:$0x3FAD]  }
0x30: {  	s3 =	sld [smem:$0x3FB0]  }
0x31: {  	[smem:$0x3FB9] =	sst s10  }
0x32: {  	s10 =	sld [smem:$0x3FB7];
	_ =	sdelay $0x3  }
0x33: {  	p0 =	seq.s32 s10, $0x1;
	s10 =	sld [smem:$0x3FB9];
	_ =	sdelay $0x3  }
0x34: {  	[smem:$0x3FB9] =	sst s10  }
0x35: {  	s10 =	sld [smem:$0x3FB8];
	_ =	sdelay $0x3  }
0x36: {  	p1 =	seq.s32 s10, $0x1;
	s10 =	sld [smem:$0x3FB9];
	_ =	sdelay $0x3  }
0x37: {  	[smem:$0x3FB9] =	sst s10  }
0x38: {  	s10 =	sld [smem:$0x3FBA]  }
0x39: {  	_ = 	snop;
	(pc) =	sbr.ind lr, $3  }
0x3a: {  	_ = 	snop  }
0x3b: {  	_ = 	snop  }
0x3c: {  	p2 =	seq.s32 s10, $0x1;
	s10 =	sld [smem:$0x3FB9]  }
0x3d: {  	_ =	shalt  }
0x3e: {  	_ =	shalt  }
0x3f: {  	_ =	shalt  }
0x40: {  	_ =	shalt  }
0x41: {  	_ =	shalt  }
0x42: {  	_ =	shalt  }
0x43: {  	_ =	shalt  }
0x44: {  	_ =	shalt  }
0x45: {  	_ =	shalt  }
0x46: {  	_ =	shalt  }
0x47: {  	_ =	shalt  }
0x48: {  	_ =	shalt  }
0x49: {  	_ =	shalt  }
0x4a: {  	_ =	shalt  }
0x4b: {  	_ =	shalt  }
0x4c: {  	_ =	shalt  }
0x4d: {  	_ =	shalt  }
0x4e: {  	_ =	shalt  }
0x4f: {  	_ =	shalt  }
0x50: {  	_ =	shalt  }
0x51: {  	_ =	shalt  }
0x52: {  	_ =	shalt  }
0x53: {  	_ =	shalt  }
0x54: {  	_ =	shalt  }
0x55: {  	_ =	shalt  }
0x56: {  	_ =	shalt  }
0x57: {  	_ =	shalt  }
0x58: {  	_ =	shalt  }
0x59: {  	_ =	shalt  }
0x5a: {  	_ =	shalt  }
0x5b: {  	_ =	shalt  }
0x5c: {  	_ =	shalt  }
0x5d: {  	_ =	shalt  }
0x5e: {  	_ =	shalt  }
0x5f: {  	_ =	shalt  }
0x60: {  	_ =	shalt  }
0x61: {  	_ =	shalt  }
0x62: {  	_ =	shalt  }
0x63: {  	_ =	shalt  }
0x64: {  	_ =	shalt  }
0x65: {  	_ =	shalt  }
0x66: {  	_ =	shalt  }
0x67: {  	_ =	shalt  }
0x68: {  	_ =	shalt  }
0x69: {  	_ =	shalt  }
0x6a: {  	_ =	shalt  }
0x6b: {  	_ =	shalt  }
0x6c: {  	_ =	shalt  }
0x6d: {  	_ =	shalt  }
0x6e: {  	_ =	shalt  }
0x6f: {  	_ =	shalt  }
0x70: {  	_ =	shalt  }
0x71: {  	_ =	shalt  }
0x72: {  	_ =	shalt  }
0x73: {  	_ =	shalt  }
0x74: {  	_ =	shalt  }
0x75: {  	_ =	shalt  }
0x76: {  	_ =	shalt  }
0x77: {  	_ =	shalt  }
0x78: {  	_ =	shalt  }
0x79: {  	_ =	shalt  }
0x7a: {  	_ =	shalt  }
0x7b: {  	_ =	shalt  }
0x7c: {  	_ =	shalt  }
0x7d: {  	_ =	shalt  }
0x7e: {  	_ =	shalt  }
0x7f: {  	_ =	shalt  }
0x80: {  	_ =	shalt  }
0x81: {  	_ =	shalt  }
0x82: {  	_ =	shalt  }
0x83: {  	_ =	shalt  }
0x84: {  	_ =	shalt  }
0x85: {  	_ =	shalt  }
0x86: {  	_ =	shalt  }
0x87: {  	_ =	shalt  }
.Lfunc_end0:
.L_simem_size_0:
called_computation_lowered:
.L_overlay_start_0:
0x88: {  	s2 =	sld [smem:$0x3FD9]  }
0x89: {  	s3 =	sld [smem:$0x3FFE];
	_ =	sdelay $0x1  }
0x8a: {  	s1 =	srdreg.scid  }
0x8b: {  	s0 =	sand.u32 $0x1, s1  }
0x8c: {  	s17 =	sshll.u32 s0, $0xA;
	s2 =	sadd.s32 s3, s2  }
0x8d: {  	s2 =	sadd.s32 s2, s17  }
0x8e: {  	[smem:$0x3FC5] =	sst s2  }
0x8f: {  	_ = 	snop  }
0x90: {  	s2 =	sld [smem:$0x3FC9]  }
0x91: {  	s18 =	sld [smem:$0x3FC7]  }
0x92: {  	s4 =	sld [smem:$0x3FD0];
	(tm) =	ssettm $0x1  }
0x93: {  	s5 =	sld [smem:$0x3FFB];
	_ =	sdelay $0x3  }
0x94: {  	_ =	strace s5  }
0x95: {  	s5 =	sld [smem:$0x3FFC];
	_ =	sdelay $0x3  }
0x96: {  	_ =	strace s5  }
0x97: {  	s5 =	sld [smem:$0x3FFD];
	_ =	sdelay $0x3  }
0x98: {  	_ =	strace s5  }
0x99: {  	_ =	strace $0x8FFFFFFF  }
0x9a: {  	s19 =	sld [smem:$0x3FDB];
	_ =	sdelay $0x1  }
0x9b: {  	s6 =	simm.s32 $_scs_section_size  }
0x9c: {  	s7 =	simm.s32 $_size__tile_overlayer_lowered;
	s8 =	simm.s32 $_tile_overlayer_lowered  }
0x9d: {  	s22 =	simm.s32 $0x1BFF;
	s21 =	sshll.u32 s8, $0x1;
	s5 =	sadd.s32 s6, s19  }
0x9e: {  	s9 =	simm.s32 $0x0;
	s20 =	sshll.u32 s7, $0x1;
	s7 =	sadd.s32 s21, s5  }
0x9f: {  	[timem:s9], [sflag:s22] =	dma.local [hbm:s7], s20  }
0xa0: {  	_ =	swait.ge [sflag:s22], s20  }
0xa1: {  	s6 =	ssub.s32 $0x0, s20;
	[sflag:s22] =	ssyncset.done $0x0  }
0xa2: {  	[sflag:s22] =	ssyncadd.s32 s6;
	_ =	sdelay $0x1  }
0xa3: {  	s23 =	simm.s32 $0x1B8B  }
0xa4: {  	_ =	swait.ge [sflag:s23], $0x1  }
0xa5: {  	[sflag:s23] =	ssyncset.done $0x0  }
0xa6: {  	s25 =	simm.s32 $0x1B8E;
	s24 =	sld [smem:$0x3FFE];
	[sflag:s23] =	ssyncadd.s32 $0xFFFFFFFF  }
0xa7: {  	s26 =	simm.s32 $execute0_lowered;
	[smem:$0x3FD2] =	sst s25  }
0xa8: {  	s7 =	sshll.u32 s26, $0x1;
	_ =	strace $0x80000046;
	[dreg:$0x1] =	wrdreg $0xFFFFFFFF  }
0xa9: {  	s28 =	simm.s32 $_size_execute0_lowered;
	s5 =	sadd.s32 s5, s7;
	[dreg:$0x0] =	wrdreg $0x0  }
0xaa: {  	s7 =	sshll.u32 s28, $0x1;
	[dreg:$0x2] =	wrdreg s5  }
0xab: {  	[dreg:$0x3] =	wrdreg s7  }
0xac: {  	[dreg:$0x4] =	wrdreg $0xC0  }
0xad: {  	_ =	task [dreg:s9], $0x5FFFF  }
0xae: {  	[dreg:$0x1] =	wrdreg $0xFFFFFFFF  }
0xaf: {  	[dreg:$0x0] =	wrdreg $0x60  }
0xb0: {  	[dreg:$0x2] =	wrdreg s2  }
0xb1: {  	[dreg:$0x3] =	wrdreg s24  }
0xb2: {  	[dreg:$0x4] =	wrdreg s18  }
0xb3: {  	[dreg:$0x5] =	wrdreg s4  }
0xb4: {  	[dreg:$0x6] =	wrdreg $0x9  }
0xb5: {  	_ =	task.clear_ibuf [dreg:s9], $0x7FFFF;
	_ =	strace $0x90000046  }
0xb6: {  	s29 =	simm.s32 $0x9;
	_ =	strace $0x80000048  }
0xb7: {  	_ =	swait.ge [sflag:s29], $0x1  }
0xb8: {  	[sflag:s29] =	ssyncadd.s32 $0xFFFFFFFF  }
0xb9: {  	_ =	strace $0x90000048  }
0xba: {  	_ =	sfence  }
0xbb: {  	s30 =	sld [smem:$0x0];
	_ =	sdelay $0x2  }
0xbc: {  	s31 =	sshll.u32 s1, $0xD;
	s1 =	sshrl.u32 s1, $0x2  }
0xbd: {  	s3 =	sand.u32 $0x4000, s31;
	s1 =	sadd.s32 s1, s30  }
0xbe: {  	s0 =	sor.u32 s3, s0;
	s1 =	sshll.u32 s1, $0x11  }
0xbf: {  	s0 =	sor.u32 s1, s0  }
0xc0: {  	s0 =	sadd.s32 $0x8F2B, s0  }
0xc1: {  	[sflag:s0] =	ssyncadd.remote.s32 $0x1  }
0xc2: {  	_ =	sfence.sel $0xFFFF  }
0xc3: {  	[dreg:$0x0] =	wrdreg $0xFFFFFFFF;
	(pc) =	sbr.abs _section_cstart, $3  }
0xc4: {  	[dreg:$0x1] =	wrdreg $0xFFFFFFFF  }
0xc5: {  	_ =	task.clear_ibuf [dreg:s9], $0x2FFFF;
	_ =	strace $0x9FFFFFFF  }
0xc6: {  	(tm) =	ssettm $0x7FFFFFFF  }
0xc7: {  	_ =	shalt  }
tec
execute0_lowered:
.L_overlay_start_1:
0x0: {  	(tag) =	ssettag $0x1  }
0x1: {  	s0 =	rddreg [dreg:$0x0]  }
0x2: {  	s1 =	rddreg [dreg:$0x1];
	s3 =	srdreg.scid  }
0x3: {  	s2 =	rddreg [dreg:$0x3];
	s4 =	stileid.u32;
	s3 =	sand.u32 $0x1, s3  }
0x4: {  	s6 =	simm.s32 $0x0;
	s4 =	sshll.u32 s4, $0x7;
	s5 =	sshll.u32 s3, $0x6  }
0x5: {  	[smem:$0x7FF] =	sst s6;
	s4 =	sor.u32 s5, s4  }
0x6: {  	s3 =	ssub.s32 $0x2, s3;
	s5 =	sshrl.u32 s4, $0x3;
	s4 =	sshll.u32 s4, $0x5  }
0x7: {  	_ =	strace $0x80000047;
	s28 =	sshrl.u32 s3, $0x1;
	s0 =	sadd.s32 s0, s4  }
0x8: {  	s3 =	ssub.s32 s3, s28;
	s30 =	sadd.s32 s2, s4;
	[dreg:$0xd] =	wrdreg s0  }
0x9: {  	v2 =	vlaneseq.u32;
	s1 =	sadd.s32 s5, s1;
	s31 =	smax.u32 s3, $0x1;
	[dreg:$0xf] =	wrdreg s30  }
0xa: {  	vm0 =	vmmov $0xffff;
	v1 =	vshrl.u32 v2, $0x3;
	s2 =	simm.s32 $0x3;
	s29 =	sadd.s32 $0x2400, s1;
	[dreg:$0x10] =	wrdreg s31  }
0xb: {  	v0 =	vand.u32 $0x7, v2;
	v2 =	vor.u32 $0x8, v2;
	v1 =	vmul.u32 $0x8, v1;
	s3 =	simm.s32 $0x80;
	s1 =	simm.s32 $0x0;
	[dreg:$0xe] =	wrdreg s29  }
.LBB2_1:
0xc: {  	[dreg:$0x11] =	wrdreg s1  }
0xd: {  	s0 =	rddreg [dreg:$0xd];
	s5 =	simm.s32 $0x4080  }
0xe: {  	[tilespmem:s5], [sflag:$0x2] =	stream.linear.gather [hbm4b:s0+s6], $0x4000, $0x38;
	[tilespmem:$0x8080] =	vst v63  }
0xf: {  	s7 =	rddreg [dreg:$0xe]  }
0x10: {  	[tilespmem:s6], [sflag:$0x3] =	stream.linear.gather [hbm4b:s7+s6], $0x40, $0x38;
	[tilespmem:$0x8080] =	vst v63  }
0x11: {  	_ =	swait.ge [sflag:s2], $0x40  }
0x12: {  	[sflag:s2] =	ssyncset.done $0x0  }
0x13: {  	[sflag:s2] =	ssyncadd.s32 $0xFFFFFFC0  }
0x14: {  	v3 =	vld [tilespmem:$0x0];
	_ =	sdelay $0x4  }
0x15: {  	v4 =	vshll.u32 v3, $0x1  }
0x16: {  	v3 =	vand.u32 $0x7, v3;
	v4 =	vand.u32 $0xFFFFFFF0, v4  }
0x17: {  	v3 =	vor.u32 v3, v4  }
0x18: {  	v4 =	vperm.xlane v3, v0;
	_ =	sdelay $0x1  }
0x19: {  	v3 =	vperm.xlane v3, v2;
	v4 =	vadd.s32 v1, v4;
	_ =	sdelay $0x1  }
0x1a: {  	v3 =	vadd.s32 v1, v3;
	_ =	sdelay $0x1  }
0x1b: {  	s8 =	rddreg [dreg:$0x2]  }
0x1c: {  	[tilespmem:s3], [sflag:$0x1] =	stream.indirect_vreg.gather [hbm4b:s8+s6], $0x80, v4, vm0, $0xb8;
	[tilespmem:$0x8080] =	vst v63  }
0x1d: {  	s9 =	simm.s32 $0x880  }
0x1e: {  	[tilespmem:s9], [sflag:$0x1] =	stream.indirect_vreg.gather [hbm4b:s8+s6], $0x80, v3, vm0, $0xb8;
	[tilespmem:$0x8080] =	vst v63  }
0x1f: {  	v3 =	vld [tilespmem:$0x10];
	_ =	sdelay $0x4  }
0x20: {  	v4 =	vshll.u32 v3, $0x1  }
0x21: {  	v3 =	vand.u32 $0x7, v3;
	v4 =	vand.u32 $0xFFFFFFF0, v4  }
0x22: {  	v3 =	vor.u32 v3, v4  }
0x23: {  	v4 =	vperm.xlane v3, v0;
	_ =	sdelay $0x1  }
0x24: {  	v3 =	vperm.xlane v3, v2;
	v4 =	vadd.s32 v1, v4;
	_ =	sdelay $0x1  }
0x25: {  	v3 =	vadd.s32 v1, v3;
	_ =	sdelay $0x1  }
0x26: {  	s10 =	simm.s32 $0x1080  }
0x27: {  	[tilespmem:s10], [sflag:$0x1] =	stream.indirect_vreg.gather [hbm4b:s8+s6], $0x80, v4, vm0, $0xb8;
	[tilespmem:$0x8080] =	vst v63  }
0x28: {  	s11 =	simm.s32 $0x1880  }
0x29: {  	[tilespmem:s11], [sflag:$0x1] =	stream.indirect_vreg.gather [hbm4b:s8+s6], $0x80, v3, vm0, $0xb8;
	[tilespmem:$0x8080] =	vst v63  }
0x2a: {  	v3 =	vld [tilespmem:$0x20];
	_ =	sdelay $0x4  }
0x2b: {  	v4 =	vshll.u32 v3, $0x1  }
0x2c: {  	v3 =	vand.u32 $0x7, v3;
	v4 =	vand.u32 $0xFFFFFFF0, v4  }
0x2d: {  	v3 =	vor.u32 v3, v4  }
0x2e: {  	v4 =	vperm.xlane v3, v0;
	_ =	sdelay $0x1  }
0x2f: {  	v3 =	vperm.xlane v3, v2;
	v4 =	vadd.s32 v1, v4;
	_ =	sdelay $0x1  }
0x30: {  	v3 =	vadd.s32 v1, v3;
	_ =	sdelay $0x1  }
0x31: {  	s12 =	simm.s32 $0x2080  }
0x32: {  	[tilespmem:s12], [sflag:$0x1] =	stream.indirect_vreg.gather [hbm4b:s8+s6], $0x80, v4, vm0, $0xb8;
	[tilespmem:$0x8080] =	vst v63  }
0x33: {  	s13 =	simm.s32 $0x2880  }
0x34: {  	[tilespmem:s13], [sflag:$0x1] =	stream.indirect_vreg.gather [hbm4b:s8+s6], $0x80, v3, vm0, $0xb8;
	[tilespmem:$0x8080] =	vst v63  }
0x35: {  	v3 =	vld [tilespmem:$0x30];
	_ =	sdelay $0x4  }
0x36: {  	v4 =	vshll.u32 v3, $0x1  }
0x37: {  	v3 =	vand.u32 $0x7, v3;
	v4 =	vand.u32 $0xFFFFFFF0, v4  }
0x38: {  	v3 =	vor.u32 v3, v4  }
0x39: {  	v4 =	vperm.xlane v3, v0;
	_ =	sdelay $0x1  }
0x3a: {  	v3 =	vperm.xlane v3, v2;
	v4 =	vadd.s32 v1, v4;
	_ =	sdelay $0x1  }
0x3b: {  	v3 =	vadd.s32 v1, v3;
	_ =	sdelay $0x1  }
0x3c: {  	s14 =	simm.s32 $0x3080  }
0x3d: {  	[tilespmem:s14], [sflag:$0x1] =	stream.indirect_vreg.gather [hbm4b:s8+s6], $0x80, v4, vm0, $0xb8;
	[tilespmem:$0x8080] =	vst v63  }
0x3e: {  	s15 =	simm.s32 $0x3880;
	s16 =	simm.s32 $0x2  }
0x3f: {  	[tilespmem:s15], [sflag:$0x1] =	stream.indirect_vreg.gather [hbm4b:s8+s6], $0x80, v3, vm0, $0xb8;
	[tilespmem:$0x8080] =	vst v63  }
0x40: {  	_ =	swait.ge [sflag:s16], $0x4000  }
0x41: {  	[sflag:s16] =	ssyncset.done $0x0  }
0x42: {  	s17 =	simm.s32 $0x1;
	[sflag:s16] =	ssyncadd.s32 $0xFFFFC000  }
0x43: {  	_ =	swait.ge [sflag:s17], $0x4000  }
0x44: {  	s18 =	sand.u32 $0x3800, s6;
	s19 =	sand.u32 $0x200, s6;
	[sflag:s17] =	ssyncset.done $0x0  }
0x45: {  	s20 =	sor.u32 s19, s18;
	[sflag:s17] =	ssyncadd.s32 $0xFFFFC000  }
0x46: {  	v3 =	vld [tilespmem:s20+$0x200]  }
0x47: {  	v4 =	vld [tilespmem:s20+$0x4200]  }
0x48: {  	v5 =	vld [tilespmem:s20+$0x210]  }
0x49: {  	v6 =	vld [tilespmem:s20+$0x4210]  }
0x4a: {  	v7 =	vld [tilespmem:s20+$0x220]  }
0x4b: {  	v8 =	vld [tilespmem:s20+$0x4220]  }
0x4c: {  	v9 =	vld [tilespmem:s20+$0x230]  }
0x4d: {  	v10 =	vld [tilespmem:s20+$0x4230]  }
0x4e: {  	v11 =	vld [tilespmem:s20+$0x240]  }
0x4f: {  	v12 =	vld [tilespmem:s20+$0x250]  }
0x50: {  	v13 =	vld [tilespmem:s20+$0x4250]  }
0x51: {  	v14 =	vld [tilespmem:s20+$0x260]  }
0x52: {  	v15 =	vld [tilespmem:s20+$0x4260]  }
0x53: {  	v57 =	vld [tilespmem:s20+$0x40B0]  }
0x54: {  	v58 =	vld [tilespmem:s20+$0xC0]  }
0x55: {  	v59 =	vld [tilespmem:s20+$0x40C0]  }
0x56: {  	v60 =	vld [tilespmem:s20+$0xD0]  }
0x57: {  	v16 =	vld [tilespmem:s20+$0xE0]  }
0x58: {  	v18 =	vld [tilespmem:s20+$0x40E0]  }
0x59: {  	v19 =	vld [tilespmem:s20+$0xF0]  }
0x5a: {  	v20 =	vld [tilespmem:s20+$0x40F0]  }
0x5b: {  	v21 =	vld [tilespmem:s20+$0x100]  }
0x5c: {  	v22 =	vld [tilespmem:s20+$0x4100]  }
0x5d: {  	v61 =	vld [tilespmem:s20+$0x110]  }
0x5e: {  	v23 =	vld [tilespmem:s20+$0x4110]  }
0x5f: {  	v25 =	vld [tilespmem:s20+$0x120]  }
0x60: {  	v3 =	vadd.f32 v4, v3;
	v4 =	vld [tilespmem:s20+$0x270]  }
0x61: {  	v5 =	vadd.f32 v6, v5;
	v6 =	vld [tilespmem:s20+$0x4270]  }
0x62: {  	[tilespmem:s20+$0x200] =	vst v3;
	v3 =	vadd.f32 v8, v7;
	v7 =	vld [tilespmem:s20+$0x4240]  }
0x63: {  	v26 =	vld [tilespmem:s20+$0x4120];
	[tilespmem:s20+$0x210] =	vst v5;
	v5 =	vadd.f32 v10, v9  }
0x64: {  	p0 =	por $0x0, $0x0;
	s0 =	simm.s32 $0x1;
	v27 =	vld [tilespmem:s20+$0x130];
	[tilespmem:s20+$0x220] =	vst v3;
	v3 =	vadd.f32 v13, v12  }
0x65: {  	s0 =	simm.s32 @!p0 $0x0;
	v28 =	vld [tilespmem:s20+$0x4130];
	[tilespmem:s20+$0x230] =	vst v5;
	v5 =	vadd.f32 v15, v14  }
0x66: {  	s0 =	sshll.u32 s0, $0x9;
	v29 =	vld [tilespmem:s20+$0x140];
	[tilespmem:s20+$0x250] =	vst v3;
	v3 =	vadd.f32 v6, v4  }
0x67: {  	s21 =	sadd.s32 $0x0, s0;
	v30 =	vld [tilespmem:s20+$0x4140];
	[tilespmem:s20+$0x260] =	vst v5;
	v6 =	vadd.f32 v7, v11  }
0x68: {  	s1 =	sadd.s32 $0x180, s21;
	v31 =	vld [tilespmem:s20+$0x150];
	[tilespmem:s20+$0x270] =	vst v3  }
0x69: {  	s22 =	sor.u32 $0x400, s1;
	v32 =	vld [tilespmem:s20+$0x4150];
	[tilespmem:s20+$0x240] =	vst v6  }
0x6a: {  	v6 =	vld [tilespmem:s22+$0x80]  }
0x6b: {  	v7 =	vld [tilespmem:s22+$0x4080]  }
0x6c: {  	v62 =	vld [tilespmem:s20+$0x190]  }
0x6d: {  	v8 =	vld [tilespmem:s20+$0x80]  }
0x6e: {  	v9 =	vld [tilespmem:s20+$0x4080]  }
0x6f: {  	v10 =	vld [tilespmem:s20+$0x90]  }
0x70: {  	v4 =	vld [tilespmem:s20+$0x4090];
	v6 =	vadd.f32 v7, v6  }
0x71: {  	v5 =	vld [tilespmem:s20+$0xA0]  }
0x72: {  	s23 =	sor.u32 $0x410, s1;
	v11 =	vld [tilespmem:s20+$0xB0];
	[tilespmem:s22+$0x80] =	vst v6  }
0x73: {  	v6 =	vld [tilespmem:s23+$0x80]  }
0x74: {  	v17 =	vld [tilespmem:s23+$0x4080]  }
0x75: {  	v3 =	vld [tilespmem:s20+$0x40A0]  }
0x76: {  	v4 =	vadd.f32 v4, v10;
	v7 =	vld [tilespmem:s20+$0x40D0]  }
0x77: {  	v63 =	vld [tilespmem:s20+$0x4190];
	v8 =	vadd.f32 v9, v8  }
0x78: {  	v33 =	vld [tilespmem:s20+$0x41C0];
	[tilespmem:s20+$0x90] =	vst v4;
	v4 =	vadd.f32 v57, v11  }
0x79: {  	v34 =	vld [tilespmem:s20+$0x1D0];
	[tilespmem:s20+$0x80] =	vst v8;
	v6 =	vadd.f32 v17, v6  }
0x7a: {  	v9 =	vld [tilespmem:s20+$0x160];
	v3 =	vadd.f32 v3, v5;
	[tilespmem:s20+$0xB0] =	vst v4  }
0x7b: {  	s24 =	sor.u32 $0x420, s1;
	v8 =	vld [tilespmem:s20+$0x4170];
	v4 =	vadd.f32 v7, v60;
	[tilespmem:s23+$0x80] =	vst v6  }
0x7c: {  	[tilespmem:s20+$0xA0] =	vst v3;
	v3 =	vadd.f32 v59, v58;
	v6 =	vld [tilespmem:s24+$0x80]  }
0x7d: {  	[tilespmem:s20+$0xD0] =	vst v4;
	v4 =	vadd.f32 v20, v19;
	v24 =	vld [tilespmem:s24+$0x4080]  }
0x7e: {  	v10 =	vld [tilespmem:s20+$0x4160];
	[tilespmem:s20+$0xC0] =	vst v3;
	v3 =	vadd.f32 v18, v16  }
0x7f: {  	v5 =	vld [tilespmem:s20+$0x170];
	[tilespmem:s20+$0xF0] =	vst v4;
	v4 =	vadd.f32 v23, v61  }
0x80: {  	v11 =	vld [tilespmem:s20+$0x180];
	[tilespmem:s20+$0xE0] =	vst v3;
	v3 =	vadd.f32 v22, v21  }
0x81: {  	v22 =	vld [tilespmem:s20+$0x1A0];
	[tilespmem:s20+$0x110] =	vst v4;
	v4 =	vadd.f32 v26, v25  }
0x82: {  	v7 =	vld [tilespmem:s20+$0x4180];
	[tilespmem:s20+$0x100] =	vst v3;
	v3 =	vadd.f32 v24, v6  }
0x83: {  	v23 =	vld [tilespmem:s20+$0x41A0];
	[tilespmem:s20+$0x120] =	vst v4;
	v4 =	vadd.f32 v30, v29  }
0x84: {  	v26 =	vld [tilespmem:s20+$0x41B0];
	[tilespmem:s24+$0x80] =	vst v3;
	v3 =	vadd.f32 v28, v27  }
0x85: {  	[tilespmem:s20+$0x140] =	vst v4;
	v4 =	vadd.f32 v10, v9;
	v9 =	vld [tilespmem:s20+$0x41D0]  }
0x86: {  	v28 =	vld [tilespmem:s20+$0x1C0];
	[tilespmem:s20+$0x130] =	vst v3;
	v3 =	vadd.f32 v32, v31  }
0x87: {  	v6 =	vld [tilespmem:s20+$0x1B0];
	[tilespmem:s20+$0x160] =	vst v4;
	v4 =	vadd.f32 v7, v11  }
0x88: {  	v7 =	vld [tilespmem:s20+$0x41E0];
	[tilespmem:s20+$0x150] =	vst v3;
	v3 =	vadd.f32 v8, v5  }
0x89: {  	[tilespmem:s20+$0x180] =	vst v4;
	v4 =	vadd.f32 v23, v22;
	v5 =	vld [tilespmem:s20+$0x1E0]  }
0x8a: {  	v10 =	vld [tilespmem:s20+$0x41F0];
	[tilespmem:s20+$0x170] =	vst v3;
	v3 =	vadd.f32 v63, v62  }
0x8b: {  	s25 =	sor.u32 $0x400, s21;
	[tilespmem:s20+$0x1A0] =	vst v4;
	v8 =	vld [tilespmem:s20+$0x1F0];
	v4 =	vadd.f32 v33, v28  }
0x8c: {  	s22 =	sadd.s32 $0x80, s21;
	v11 =	vld [tilespmem:s25+$0x4080];
	[tilespmem:s20+$0x190] =	vst v3;
	v3 =	vadd.f32 v26, v6  }
0x8d: {  	s4 =	sor.u32 $0x400, s22;
	[tilespmem:s20+$0x1C0] =	vst v4;
	v6 =	vld [tilespmem:s25+$0x80]  }
0x8e: {  	v4 =	vadd.f32 v7, v5;
	v5 =	vld [tilespmem:s4+$0x4080];
	[tilespmem:s20+$0x1B0] =	vst v3;
	v3 =	vadd.f32 v9, v34  }
0x8f: {  	s5 =	sor.u32 $0x430, s1;
	v9 =	vld [tilespmem:s4+$0x80]  }
0x90: {  	v7 =	vld [tilespmem:s5+$0x80];
	[tilespmem:s20+$0x1D0] =	vst v3;
	v3 =	vadd.f32 v10, v8  }
0x91: {  	s0 =	sadd.s32 $0x100, s21;
	[tilespmem:s20+$0x1E0] =	vst v4;
	v4 =	vld [tilespmem:s5+$0x4080]  }
0x92: {  	s26 =	sor.u32 $0x400, s0;
	[tilespmem:s20+$0x1F0] =	vst v3;
	v3 =	vadd.f32 v11, v6  }
0x93: {  	v6 =	vld [tilespmem:s26+$0x80]  }
0x94: {  	s7 =	sor.u32 $0x410, s21;
	v8 =	vld [tilespmem:s26+$0x4080];
	[tilespmem:s25+$0x80] =	vst v3;
	v3 =	vadd.f32 v5, v9  }
0x95: {  	v5 =	vld [tilespmem:s7+$0x80]  }
0x96: {  	s8 =	sor.u32 $0x410, s22;
	v9 =	vld [tilespmem:s7+$0x4080];
	[tilespmem:s4+$0x80] =	vst v3;
	v3 =	vadd.f32 v4, v7  }
0x97: {  	v4 =	vld [tilespmem:s8+$0x80]  }
0x98: {  	s9 =	sor.u32 $0x440, s1;
	s23 =	simm.s32 $0x200;
	s24 =	simm.s32 $0x400;
	v7 =	vld [tilespmem:s8+$0x4080];
	[tilespmem:s5+$0x80] =	vst v3  }
0x99: {  	s25 =	sand.u32 $0x3800, s24;
	s4 =	sand.u32 $0x200, s23;
	v3 =	vadd.f32 v8, v6;
	v6 =	vld [tilespmem:s9+$0x80]  }
0x9a: {  	s5 =	sor.u32 s4, s25;
	v8 =	vld [tilespmem:s9+$0x4080]  }
0x9b: {  	v35 =	vld [tilespmem:s5+$0x210]  }
0x9c: {  	v36 =	vld [tilespmem:s5+$0x4210]  }
0x9d: {  	v37 =	vld [tilespmem:s5+$0x220]  }
0x9e: {  	v38 =	vld [tilespmem:s5+$0x4220]  }
0x9f: {  	v39 =	vld [tilespmem:s5+$0x230]  }
0xa0: {  	v40 =	vld [tilespmem:s5+$0x4230]  }
0xa1: {  	v41 =	vld [tilespmem:s5+$0x240]  }
0xa2: {  	v42 =	vld [tilespmem:s5+$0x250]  }
0xa3: {  	v43 =	vld [tilespmem:s5+$0x4250]  }
0xa4: {  	v44 =	vld [tilespmem:s5+$0x260]  }
0xa5: {  	v45 =	vld [tilespmem:s5+$0x4260]  }
0xa6: {  	v46 =	vld [tilespmem:s5+$0x4270]  }
0xa7: {  	v47 =	vld [tilespmem:s5+$0x4240]  }
0xa8: {  	v16 =	vld [tilespmem:s5+$0x80]  }
0xa9: {  	v17 =	vld [tilespmem:s5+$0x4080]  }
0xaa: {  	v19 =	vld [tilespmem:s5+$0x90]  }
0xab: {  	v13 =	vld [tilespmem:s5+$0x4090]  }
0xac: {  	v53 =	vld [tilespmem:s5+$0xB0]  }
0xad: {  	v54 =	vld [tilespmem:s5+$0x40B0]  }
0xae: {  	v55 =	vld [tilespmem:s5+$0xC0]  }
0xaf: {  	v56 =	vld [tilespmem:s5+$0x40C0]  }
0xb0: {  	v57 =	vld [tilespmem:s5+$0xD0]  }
0xb1: {  	v58 =	vld [tilespmem:s5+$0x40D0]  }
0xb2: {  	v59 =	vld [tilespmem:s5+$0xE0]  }
0xb3: {  	v61 =	vld [tilespmem:s5+$0x40E0]  }
0xb4: {  	v62 =	vld [tilespmem:s5+$0xF0]  }
0xb5: {  	v63 =	vld [tilespmem:s5+$0x40F0]  }
0xb6: {  	v33 =	vld [tilespmem:s5+$0x120]  }
0xb7: {  	v34 =	vld [tilespmem:s5+$0x4120]  }
0xb8: {  	s10 =	sor.u32 $0x410, s0;
	v28 =	vld [tilespmem:s5+$0x41B0];
	[tilespmem:s26+$0x80] =	vst v3;
	v3 =	vadd.f32 v9, v5  }
0xb9: {  	v5 =	vld [tilespmem:s10+$0x80]  }
0xba: {  	s11 =	sor.u32 $0x420, s21;
	v9 =	vld [tilespmem:s10+$0x4080];
	[tilespmem:s7+$0x80] =	vst v3;
	v3 =	vadd.f32 v7, v4  }
0xbb: {  	v4 =	vld [tilespmem:s11+$0x80]  }
0xbc: {  	s12 =	sor.u32 $0x420, s22;
	v7 =	vld [tilespmem:s11+$0x4080];
	[tilespmem:s8+$0x80] =	vst v3  }
0xbd: {  	v3 =	vadd.f32 v8, v6;
	v6 =	vld [tilespmem:s12+$0x80]  }
0xbe: {  	v8 =	vld [tilespmem:s12+$0x4080]  }
0xbf: {  	s13 =	sor.u32 $0x450, s1;
	v30 =	vld [tilespmem:s5+$0x1C0];
	[tilespmem:s9+$0x80] =	vst v3;
	v3 =	vadd.f32 v9, v5  }
0xc0: {  	v5 =	vld [tilespmem:s13+$0x80]  }
0xc1: {  	s14 =	sor.u32 $0x420, s0;
	v9 =	vld [tilespmem:s13+$0x4080];
	[tilespmem:s10+$0x80] =	vst v3;
	v3 =	vadd.f32 v7, v4  }
0xc2: {  	v4 =	vld [tilespmem:s14+$0x80]  }
0xc3: {  	s15 =	sor.u32 $0x430, s21;
	v7 =	vld [tilespmem:s14+$0x4080];
	[tilespmem:s11+$0x80] =	vst v3;
	v3 =	vadd.f32 v8, v6  }
0xc4: {  	v6 =	vld [tilespmem:s15+$0x80]  }
0xc5: {  	s16 =	sor.u32 $0x430, s22;
	v8 =	vld [tilespmem:s15+$0x4080];
	[tilespmem:s12+$0x80] =	vst v3  }
0xc6: {  	v3 =	vadd.f32 v9, v5;
	v5 =	vld [tilespmem:s16+$0x80]  }
0xc7: {  	v9 =	vld [tilespmem:s16+$0x4080]  }
0xc8: {  	s17 =	sor.u32 $0x460, s1;
	v50 =	vadd.f32 v45, v44;
	v44 =	vld [tilespmem:s5+$0x100];
	[tilespmem:s13+$0x80] =	vst v3;
	v3 =	vadd.f32 v7, v4  }
0xc9: {  	v4 =	vld [tilespmem:s17+$0x80]  }
0xca: {  	v7 =	vld [tilespmem:s17+$0x4080];
	[tilespmem:s14+$0x80] =	vst v3;
	v3 =	vadd.f32 v8, v6  }
0xcb: {  	v45 =	vld [tilespmem:s5+$0x4100]  }
0xcc: {  	s18 =	sor.u32 $0x430, s0;
	v51 =	vadd.f32 v47, v41;
	v47 =	vld [tilespmem:s5+$0x4110];
	[tilespmem:s15+$0x80] =	vst v3;
	v3 =	vadd.f32 v9, v5  }
0xcd: {  	v6 =	vld [tilespmem:s18+$0x80]  }
0xce: {  	s20 =	sor.u32 $0x440, s22;
	v8 =	vld [tilespmem:s18+$0x4080];
	[tilespmem:s16+$0x80] =	vst v3  }
0xcf: {  	v3 =	vadd.f32 v7, v4;
	v7 =	vld [tilespmem:s20+$0x80]  }
0xd0: {  	v10 =	vld [tilespmem:s20+$0x4080]  }
0xd1: {  	v12 =	vadd.f32 v36, v35;
	v35 =	vld [tilespmem:s5+$0x130]  }
0xd2: {  	v36 =	vld [tilespmem:s5+$0x4130]  }
0xd3: {  	v14 =	vadd.f32 v38, v37;
	v37 =	vld [tilespmem:s5+$0x140];
	v6 =	vadd.f32 v8, v6  }
0xd4: {  	v8 =	vld [tilespmem:s5+$0x200]  }
0xd5: {  	[tilespmem:s18+$0x80] =	vst v6;
	v6 =	vadd.f32 v10, v7;
	v10 =	vld [tilespmem:s5+$0x4200]  }
0xd6: {  	v38 =	vld [tilespmem:s5+$0x150]  }
0xd7: {  	v48 =	vadd.f32 v40, v39;
	v40 =	vld [tilespmem:s5+$0x4150]  }
0xd8: {  	s19 =	sor.u32 $0x440, s21;
	v41 =	vld [tilespmem:s5+$0x160]  }
0xd9: {  	v5 =	vld [tilespmem:s19+$0x80]  }
0xda: {  	[tilespmem:s5+$0x210] =	vst v12;
	v8 =	vadd.f32 v10, v8;
	v10 =	vld [tilespmem:s5+$0x270]  }
0xdb: {  	v49 =	vadd.f32 v43, v42;
	[tilespmem:s5+$0x220] =	vst v14;
	v9 =	vld [tilespmem:s19+$0x4080]  }
0xdc: {  	p0 =	por !p0, !p0;
	s4 =	simm.s32 $0x1;
	v29 =	vadd.f32 v34, v33;
	v34 =	vld [tilespmem:s5+$0x41C0];
	[tilespmem:s5+$0x230] =	vst v48  }
0xdd: {  	s4 =	simm.s32 @!p0 $0x0;
	[tilespmem:s5+$0x250] =	vst v49;
	v12 =	vld [tilespmem:s5+$0xA0]  }
0xde: {  	s4 =	sshll.u32 s4, $0x9;
	[tilespmem:s5+$0x260] =	vst v50;
	v49 =	vld [tilespmem:s5+$0x4140]  }
0xdf: {  	s4 =	sadd.s32 $0x400, s4;
	s7 =	sor.u32 $0x440, s0;
	[tilespmem:s5+$0x240] =	vst v51;
	v50 =	vld [tilespmem:s5+$0x170];
	v10 =	vadd.f32 v46, v10  }
0xe0: {  	s26 =	sadd.s32 $0x180, s4;
	v5 =	vadd.f32 v9, v5;
	v9 =	vld [tilespmem:s7+$0x80];
	[tilespmem:s5+$0x200] =	vst v8  }
0xe1: {  	s8 =	sor.u32 $0x400, s26;
	v11 =	vld [tilespmem:s7+$0x4080];
	[tilespmem:s5+$0x270] =	vst v10  }
0xe2: {  	v14 =	vld [tilespmem:s8+$0x80]  }
0xe3: {  	s2 =	sor.u32 $0x450, s21;
	[tilespmem:s19+$0x80] =	vst v5;
	v52 =	vld [tilespmem:s8+$0x4080]  }
0xe4: {  	v5 =	vld [tilespmem:s2+$0x80]  }
0xe5: {  	v16 =	vadd.f32 v17, v16;
	v10 =	vld [tilespmem:s5+$0x40A0]  }
0xe6: {  	v7 =	vld [tilespmem:s2+$0x4080]  }
0xe7: {  	v13 =	vadd.f32 v13, v19;
	v51 =	vld [tilespmem:s5+$0x4170];
	[tilespmem:s5+$0x80] =	vst v16  }
0xe8: {  	s3 =	sor.u32 $0x450, s22;
	[tilespmem:s20+$0x80] =	vst v6;
	v9 =	vadd.f32 v11, v9;
	v11 =	vld [tilespmem:s5+$0x4160];
	v14 =	vadd.f32 v52, v14  }
0xe9: {  	[tilespmem:s5+$0x90] =	vst v13;
	v6 =	vld [tilespmem:s3+$0x80]  }
0xea: {  	s12 =	sor.u32 $0x410, s26;
	v8 =	vld [tilespmem:s3+$0x4080];
	v10 =	vadd.f32 v10, v12;
	[tilespmem:s8+$0x80] =	vst v14  }
0xeb: {  	[tilespmem:s17+$0x80] =	vst v3;
	v5 =	vadd.f32 v7, v5;
	v14 =	vld [tilespmem:s12+$0x80]  }
0xec: {  	[tilespmem:s5+$0xA0] =	vst v10;
	v10 =	vadd.f32 v56, v55;
	v60 =	vld [tilespmem:s12+$0x4080]  }
0xed: {  	v32 =	vadd.f32 v49, v37;
	v37 =	vld [tilespmem:s5+$0x41E0];
	[tilespmem:s2+$0x80] =	vst v5;
	v11 =	vadd.f32 v11, v41  }
0xee: {  	s1 =	sor.u32 $0x470, s1;
	v46 =	vld [tilespmem:s5+$0x110];
	[tilespmem:s5+$0xC0] =	vst v10;
	v10 =	vadd.f32 v61, v59  }
0xef: {  	v3 =	vld [tilespmem:s1+$0x80];
	[tilespmem:s5+$0x160] =	vst v11;
	v5 =	vadd.f32 v8, v6  }
0xf0: {  	v4 =	vld [tilespmem:s1+$0x4080];
	[tilespmem:s5+$0xE0] =	vst v10;
	v10 =	vadd.f32 v45, v44  }
0xf1: {  	s23 =	sor.u32 $0x460, s21;
	v11 =	vld [tilespmem:s5+$0x1E0];
	[tilespmem:s3+$0x80] =	vst v5;
	v14 =	vadd.f32 v60, v14  }
0xf2: {  	v53 =	vadd.f32 v54, v53;
	v5 =	vld [tilespmem:s23+$0x4080];
	[tilespmem:s5+$0x100] =	vst v10  }
0xf3: {  	s13 =	sor.u32 $0x420, s26;
	v56 =	vadd.f32 v58, v57;
	v57 =	vld [tilespmem:s5+$0x190];
	v10 =	vadd.f32 v47, v46;
	[tilespmem:s12+$0x80] =	vst v14  }
0xf4: {  	[tilespmem:s5+$0xB0] =	vst v53;
	v14 =	vld [tilespmem:s13+$0x80]  }
0xf5: {  	[tilespmem:s5+$0x110] =	vst v10;
	v10 =	vadd.f32 v36, v35;
	v48 =	vld [tilespmem:s13+$0x4080]  }
0xf6: {  	[tilespmem:s5+$0x120] =	vst v29;
	v58 =	vld [tilespmem:s5+$0x4190]  }
0xf7: {  	v61 =	vld [tilespmem:s5+$0x41A0];
	[tilespmem:s5+$0x130] =	vst v10;
	v10 =	vadd.f32 v40, v38  }
0xf8: {  	[tilespmem:s5+$0xD0] =	vst v56;
	v59 =	vadd.f32 v63, v62;
	v60 =	vld [tilespmem:s5+$0x1A0]  }
0xf9: {  	v52 =	vld [tilespmem:s5+$0x180];
	[tilespmem:s5+$0x150] =	vst v10;
	v10 =	vadd.f32 v51, v50  }
0xfa: {  	s11 =	sor.u32 $0x400, s4;
	v63 =	vld [tilespmem:s5+$0x1B0];
	[tilespmem:s5+$0xF0] =	vst v59;
	v14 =	vadd.f32 v48, v14  }
0xfb: {  	v43 =	vld [tilespmem:s11+$0x4080];
	[tilespmem:s5+$0x170] =	vst v10;
	v10 =	vadd.f32 v58, v57  }
0xfc: {  	s14 =	sor.u32 $0x430, s26;
	v35 =	vld [tilespmem:s5+$0x1D0];
	[tilespmem:s13+$0x80] =	vst v14  }
0xfd: {  	[tilespmem:s5+$0x190] =	vst v10;
	v10 =	vadd.f32 v61, v60;
	v14 =	vld [tilespmem:s14+$0x80]  }
0xfe: {  	[tilespmem:s5+$0x140] =	vst v32;
	v39 =	vld [tilespmem:s14+$0x4080]  }
0xff: {  	v36 =	vld [tilespmem:s5+$0x41D0];
	[tilespmem:s5+$0x1A0] =	vst v10;
	v10 =	vadd.f32 v34, v30  }
0x100: {  	[tilespmem:s7+$0x80] =	vst v9;
	s7 =	sadd.s32 $0x80, s4;
	v38 =	vld [tilespmem:s5+$0x1F0]  }
0x101: {  	s12 =	sor.u32 $0x400, s7;
	[tilespmem:s5+$0x1C0] =	vst v10;
	v10 =	vadd.f32 v37, v11;
	v11 =	vld [tilespmem:s11+$0x80]  }
0x102: {  	v45 =	vld [tilespmem:s12+$0x80]  }
0x103: {  	[tilespmem:s5+$0x1E0] =	vst v10;
	v10 =	vld [tilespmem:s12+$0x4080];
	v9 =	vadd.f32 v39, v14  }
0x104: {  	v39 =	vld [tilespmem:s5+$0x41F0]  }
0x105: {  	s17 =	sor.u32 $0x450, s0;
	v13 =	vadd.f32 v28, v63;
	[tilespmem:s14+$0x80] =	vst v9;
	v9 =	vld [tilespmem:s5+$0x4180]  }
0x106: {  	s15 =	sor.u32 $0x440, s26;
	v47 =	vld [tilespmem:s17+$0x4080];
	v11 =	vadd.f32 v43, v11  }
0x107: {  	[tilespmem:s5+$0x1B0] =	vst v13;
	v41 =	vadd.f32 v36, v35;
	v54 =	vld [tilespmem:s15+$0x80]  }
0x108: {  	s18 =	sor.u32 $0x410, s4;
	v55 =	vld [tilespmem:s15+$0x4080];
	[tilespmem:s11+$0x80] =	vst v11;
	v10 =	vadd.f32 v10, v45  }
0x109: {  	[tilespmem:s5+$0x1D0] =	vst v41;
	v44 =	vadd.f32 v39, v38;
	v49 =	vld [tilespmem:s18+$0x80]  }
0x10a: {  	s19 =	sor.u32 $0x410, s7;
	[tilespmem:s12+$0x80] =	vst v10;
	v10 =	vld [tilespmem:s18+$0x4080];
	v9 =	vadd.f32 v9, v52  }
0x10b: {  	s9 =	sadd.s32 $0x100, s4;
	[tilespmem:s5+$0x1F0] =	vst v44;
	v50 =	vld [tilespmem:s19+$0x80]  }
0x10c: {  	s13 =	sor.u32 $0x400, s9;
	v7 =	vld [tilespmem:s19+$0x4080];
	[tilespmem:s5+$0x180] =	vst v9  }
0x10d: {  	v62 =	vadd.f32 v55, v54;
	v15 =	vld [tilespmem:s13+$0x80]  }
0x10e: {  	s24 =	sor.u32 $0x460, s22;
	v46 =	vld [tilespmem:s13+$0x4080]  }
0x10f: {  	s16 =	sor.u32 $0x450, s26;
	v55 =	vld [tilespmem:s24+$0x4080];
	[tilespmem:s15+$0x80] =	vst v62  }
0x110: {  	v31 =	vld [tilespmem:s16+$0x80]  }
0x111: {  	v33 =	vld [tilespmem:s16+$0x4080];
	v8 =	vadd.f32 v10, v49  }
0x112: {  	v10 =	vld [tilespmem:s23+$0x80]  }
0x113: {  	s25 =	sor.u32 $0x420, s4;
	[tilespmem:s18+$0x80] =	vst v8;
	v8 =	vld [tilespmem:s24+$0x80];
	v14 =	vadd.f32 v46, v15  }
0x114: {  	v51 =	vld [tilespmem:s25+$0x80]  }
0x115: {  	s20 =	sor.u32 $0x410, s9;
	v52 =	vld [tilespmem:s25+$0x4080];
	[tilespmem:s13+$0x80] =	vst v14  }
0x116: {  	v9 =	vadd.f32 v33, v31;
	v14 =	vld [tilespmem:s20+$0x80]  }
0x117: {  	v6 =	vld [tilespmem:s20+$0x4080]  }
0x118: {  	s10 =	sor.u32 $0x460, s26;
	v7 =	vadd.f32 v7, v50;
	[tilespmem:s16+$0x80] =	vst v9;
	v9 =	vld [tilespmem:s17+$0x80]  }
0x119: {  	v40 =	vld [tilespmem:s10+$0x80]  }
0x11a: {  	s5 =	sor.u32 $0x470, s26;
	s26 =	sor.u32 $0x420, s7;
	[tilespmem:s19+$0x80] =	vst v7;
	v5 =	vadd.f32 v5, v10;
	v42 =	vld [tilespmem:s10+$0x4080]  }
0x11b: {  	v7 =	vld [tilespmem:s26+$0x80]  }
0x11c: {  	s19 =	sor.u32 $0x470, s21;
	v53 =	vld [tilespmem:s26+$0x4080];
	[tilespmem:s23+$0x80] =	vst v5;
	v6 =	vadd.f32 v6, v14  }
0x11d: {  	v5 =	vadd.f32 v55, v8;
	v59 =	vld [tilespmem:s19+$0x80]  }
0x11e: {  	s13 =	sor.u32 $0x420, s9;
	v60 =	vld [tilespmem:s19+$0x4080];
	[tilespmem:s20+$0x80] =	vst v6;
	v6 =	vadd.f32 v47, v9  }
0x11f: {  	[tilespmem:s24+$0x80] =	vst v5;
	v12 =	vadd.f32 v42, v40;
	v9 =	vld [tilespmem:s13+$0x80]  }
0x120: {  	s15 =	sor.u32 $0x470, s22;
	v54 =	vld [tilespmem:s13+$0x4080];
	[tilespmem:s17+$0x80] =	vst v6;
	v6 =	vadd.f32 v52, v51  }
0x121: {  	v63 =	vld [tilespmem:s15+$0x4080];
	[tilespmem:s10+$0x80] =	vst v12  }
0x122: {  	s16 =	sor.u32 $0x430, s4;
	v48 =	vld [tilespmem:s5+$0x80];
	[tilespmem:s25+$0x80] =	vst v6;
	v6 =	vadd.f32 v53, v7  }
0x123: {  	v57 =	vld [tilespmem:s16+$0x80]  }
0x124: {  	s17 =	sor.u32 $0x430, s7;
	[tilespmem:s26+$0x80] =	vst v6;
	v6 =	vld [tilespmem:s16+$0x4080]  }
0x125: {  	v9 =	vadd.f32 v54, v9;
	v58 =	vld [tilespmem:s17+$0x80]  }
0x126: {  	v10 =	vld [tilespmem:s17+$0x4080]  }
0x127: {  	s18 =	sor.u32 $0x430, s9;
	v11 =	vld [tilespmem:s5+$0x4080];
	[tilespmem:s13+$0x80] =	vst v9  }
0x128: {  	v9 =	vld [tilespmem:s18+$0x80]  }
0x129: {  	s14 =	sor.u32 $0x460, s0;
	v8 =	vld [tilespmem:s18+$0x4080];
	v6 =	vadd.f32 v6, v57  }
0x12a: {  	v56 =	vld [tilespmem:s14+$0x80]  }
0x12b: {  	s21 =	sor.u32 $0x440, s4;
	v7 =	vld [tilespmem:s14+$0x4080];
	v5 =	vadd.f32 v10, v58;
	[tilespmem:s16+$0x80] =	vst v6  }
0x12c: {  	v6 =	vld [tilespmem:s21+$0x80]  }
0x12d: {  	s22 =	sor.u32 $0x440, s7;
	v61 =	vld [tilespmem:s21+$0x4080];
	[tilespmem:s17+$0x80] =	vst v5  }
0x12e: {  	v5 =	vadd.f32 v8, v9;
	v8 =	vld [tilespmem:s22+$0x80]  }
0x12f: {  	v9 =	vld [tilespmem:s22+$0x4080]  }
0x130: {  	s8 =	sor.u32 $0x440, s9;
	v10 =	vld [tilespmem:s15+$0x80];
	[tilespmem:s18+$0x80] =	vst v5;
	v5 =	vadd.f32 v7, v56  }
0x131: {  	v3 =	vadd.f32 v4, v3;
	v7 =	vld [tilespmem:s8+$0x80]  }
0x132: {  	s6 =	sor.u32 $0x470, s0;
	v62 =	vld [tilespmem:s8+$0x4080];
	[tilespmem:s14+$0x80] =	vst v5;
	v5 =	vadd.f32 v61, v6  }
0x133: {  	[tilespmem:s1+$0x80] =	vst v3;
	v3 =	vadd.f32 v11, v48;
	v4 =	vld [tilespmem:s6+$0x80]  }
0x134: {  	s29 =	simm.s32 $0x4;
	s30 =	simm.s32 $0x400;
	s1 =	sor.u32 $0x450, s4;
	v8 =	vadd.f32 v9, v8;
	[tilespmem:s21+$0x80] =	vst v5;
	v5 =	vld [tilespmem:s6+$0x4080]  }
0x135: {  	s31 =	simm.s32 $0x800;
	s28 =	sor.u32 $0x450, s9;
	s0 =	sor.u32 $0x450, s7;
	[tilespmem:s5+$0x80] =	vst v3;
	v3 =	vadd.f32 v60, v59;
	v6 =	vld [tilespmem:s1+$0x80]  }
0x136: {  	s12 =	sor.u32 $0x470, s7;
	s23 =	sor.u32 $0x470, s4;
	s24 =	sor.u32 $0x460, s9;
	v9 =	vld [tilespmem:s1+$0x4080];
	[tilespmem:s22+$0x80] =	vst v8  }
0x137: {  	s20 =	sor.u32 $0x470, s9;
	s25 =	sor.u32 $0x460, s7;
	s26 =	sor.u32 $0x460, s4;
	[tilespmem:s19+$0x80] =	vst v3;
	v3 =	vadd.f32 v62, v7;
	v7 =	vadd.f32 v63, v10;
	v8 =	vld [tilespmem:s0+$0x80]  }
.LBB2_2:
0x138: {  	_ = 	snop  }
0x139: {  	s2 =	sand.u32 $0x3800, s31;
	s3 =	sand.u32 $0x200, s30;
	v10 =	vld [tilespmem:s0+$0x4080];
	[tilespmem:s8+$0x80] =	vst v3  }
0x13a: {  	s17 =	sor.u32 s3, s2;
	v3 =	vld [tilespmem:s28+$0x80]  }
0x13b: {  	[tilespmem:s15+$0x80] =	vst v7;
	v7 =	vld [tilespmem:s17+$0x4200]  }
0x13c: {  	v11 =	vld [tilespmem:s17+$0x4230]  }
0x13d: {  	v12 =	vld [tilespmem:s17+$0x240]  }
0x13e: {  	v13 =	vld [tilespmem:s17+$0x250]  }
0x13f: {  	v14 =	vld [tilespmem:s17+$0x4250]  }
0x140: {  	v15 =	vld [tilespmem:s17+$0x260]  }
0x141: {  	v16 =	vld [tilespmem:s17+$0x4260]  }
0x142: {  	v4 =	vadd.f32 v5, v4;
	v5 =	vld [tilespmem:s17+$0x200]  }
0x143: {  	v6 =	vadd.f32 v9, v6;
	v9 =	vld [tilespmem:s17+$0x4210]  }
0x144: {  	[tilespmem:s6+$0x80] =	vst v4;
	v4 =	vld [tilespmem:s17+$0x210]  }
0x145: {  	[tilespmem:s1+$0x80] =	vst v6;
	v6 =	vadd.f32 v10, v8;
	v8 =	vld [tilespmem:s17+$0x220]  }
0x146: {  	v10 =	vld [tilespmem:s17+$0x4220]  }
0x147: {  	[tilespmem:s0+$0x80] =	vst v6;
	v6 =	vld [tilespmem:s17+$0x230]  }
0x148: {  	v62 =	vld [tilespmem:s17+$0x4090]  }
0x149: {  	v5 =	vadd.f32 v7, v5;
	v7 =	vld [tilespmem:s17+$0x270]  }
0x14a: {  	v4 =	vadd.f32 v9, v4;
	v9 =	vld [tilespmem:s17+$0x4270]  }
0x14b: {  	[tilespmem:s17+$0x200] =	vst v5;
	v5 =	vadd.f32 v10, v8;
	v8 =	vld [tilespmem:s17+$0x4240]  }
0x14c: {  	v10 =	vld [tilespmem:s17+$0x80];
	[tilespmem:s17+$0x210] =	vst v4;
	v4 =	vadd.f32 v11, v6  }
0x14d: {  	p0 =	por !p0, !p0;
	s0 =	simm.s32 $0x1;
	v6 =	vld [tilespmem:s17+$0x4080];
	[tilespmem:s17+$0x220] =	vst v5;
	v5 =	vadd.f32 v14, v13  }
0x14e: {  	s0 =	simm.s32 @!p0 $0x0;
	v11 =	vld [tilespmem:s17+$0x90];
	[tilespmem:s17+$0x230] =	vst v4  }
0x14f: {  	s0 =	sshll.u32 s0, $0x9;
	v4 =	vadd.f32 v16, v15;
	[tilespmem:s17+$0x250] =	vst v5;
	v5 =	vadd.f32 v9, v7;
	v7 =	vld [tilespmem:s17+$0xA0]  }
0x150: {  	s5 =	smov.u32 s12;
	s7 =	smov.u32 s20;
	s12 =	sadd.s32 s0, s31;
	v9 =	vld [tilespmem:s17+$0xB0]  }
0x151: {  	[dreg:$0x6] =	wrdreg s7;
	s7 =	sadd.s32 $0x180, s12;
	v8 =	vadd.f32 v8, v12;
	[tilespmem:s17+$0x260] =	vst v4;
	v4 =	vld [tilespmem:s17+$0x40A0]  }
0x152: {  	s22 =	sor.u32 $0x400, s7;
	[tilespmem:s17+$0x270] =	vst v5;
	v5 =	vadd.f32 v6, v10;
	v10 =	vld [tilespmem:s17+$0x40B0]  }
0x153: {  	[tilespmem:s17+$0x240] =	vst v8;
	v6 =	vld [tilespmem:s22+$0x80]  }
0x154: {  	v8 =	vld [tilespmem:s22+$0x4080]  }
0x155: {  	[tilespmem:s17+$0x80] =	vst v5;
	v5 =	vadd.f32 v62, v11  }
0x156: {  	s21 =	sadd.s32 $0x100, s12  }
0x157: {  	s13 =	sor.u32 $0x450, s21;
	[tilespmem:s17+$0x90] =	vst v5;
	v5 =	vld [tilespmem:s17+$0xC0]  }
0x158: {  	s20 =	sadd.s32 $0x80, s12;
	[dreg:$0xc] =	wrdreg s13;
	s13 =	sor.u32 $0x460, s12;
	v4 =	vadd.f32 v4, v7;
	v7 =	vld [tilespmem:s17+$0x40C0]  }
0x159: {  	[dreg:$0xb] =	wrdreg s13;
	s13 =	sor.u32 $0x460, s20;
	v9 =	vadd.f32 v10, v9;
	v10 =	vld [tilespmem:s17+$0xE0];
	v6 =	vadd.f32 v8, v6  }
0x15a: {  	[dreg:$0xa] =	wrdreg s13;
	s13 =	sor.u32 $0x460, s21;
	[tilespmem:s17+$0xA0] =	vst v4;
	v4 =	vld [tilespmem:s17+$0xD0]  }
0x15b: {  	[dreg:$0x8] =	wrdreg s13;
	s13 =	sor.u32 $0x410, s7;
	v8 =	vld [tilespmem:s17+$0x40D0];
	[tilespmem:s22+$0x80] =	vst v6  }
0x15c: {  	v6 =	vld [tilespmem:s13+$0x80]  }
0x15d: {  	v5 =	vadd.f32 v7, v5;
	v7 =	vld [tilespmem:s13+$0x4080]  }
0x15e: {  	[tilespmem:s17+$0xB0] =	vst v9;
	v9 =	vld [tilespmem:s17+$0x40E0]  }
0x15f: {  	v11 =	vld [tilespmem:s17+$0x4100]  }
0x160: {  	[tilespmem:s17+$0xC0] =	vst v5;
	v4 =	vadd.f32 v8, v4;
	v5 =	vld [tilespmem:s17+$0xF0]  }
0x161: {  	v8 =	vld [tilespmem:s17+$0x40F0]  }
0x162: {  	[tilespmem:s17+$0xD0] =	vst v4;
	v4 =	vld [tilespmem:s17+$0x100];
	v6 =	vadd.f32 v7, v6  }
0x163: {  	v7 =	vadd.f32 v9, v10;
	v9 =	vld [tilespmem:s17+$0x110]  }
0x164: {  	s22 =	sor.u32 $0x420, s7;
	v10 =	vld [tilespmem:s17+$0x4110];
	[tilespmem:s13+$0x80] =	vst v6  }
0x165: {  	v6 =	vld [tilespmem:s22+$0x80]  }
0x166: {  	[tilespmem:s17+$0xE0] =	vst v7;
	v5 =	vadd.f32 v8, v5;
	v7 =	vld [tilespmem:s22+$0x4080]  }
0x167: {  	v8 =	vld [tilespmem:s17+$0x4120];
	v4 =	vadd.f32 v11, v4  }
0x168: {  	[tilespmem:s17+$0xF0] =	vst v5;
	v5 =	vld [tilespmem:s17+$0x120]  }
0x169: {  	[tilespmem:s17+$0x100] =	vst v4;
	v4 =	vadd.f32 v10, v9;
	v9 =	vld [tilespmem:s17+$0x130]  }
0x16a: {  	v10 =	vld [tilespmem:s17+$0x4130]  }
0x16b: {  	v11 =	vld [tilespmem:s17+$0x4170];
	v6 =	vadd.f32 v7, v6  }
0x16c: {  	[tilespmem:s17+$0x110] =	vst v4;
	v4 =	vld [tilespmem:s17+$0x140]  }
0x16d: {  	s13 =	sor.u32 $0x430, s7;
	v7 =	vld [tilespmem:s17+$0x4140];
	v5 =	vadd.f32 v8, v5;
	[tilespmem:s22+$0x80] =	vst v6  }
0x16e: {  	v6 =	vld [tilespmem:s13+$0x80]  }
0x16f: {  	[tilespmem:s17+$0x120] =	vst v5;
	v5 =	vadd.f32 v10, v9;
	v9 =	vld [tilespmem:s13+$0x4080]  }
0x170: {  	v8 =	vld [tilespmem:s17+$0x150]  }
0x171: {  	v10 =	vld [tilespmem:s17+$0x4150]  }
0x172: {  	[tilespmem:s17+$0x130] =	vst v5;
	v4 =	vadd.f32 v7, v4;
	v5 =	vld [tilespmem:s17+$0x160]  }
0x173: {  	v7 =	vld [tilespmem:s17+$0x4160]  }
0x174: {  	[tilespmem:s17+$0x140] =	vst v4;
	v4 =	vld [tilespmem:s17+$0x170];
	v6 =	vadd.f32 v9, v6  }
0x175: {  	v9 =	vld [tilespmem:s17+$0x180]  }
0x176: {  	s22 =	sor.u32 $0x440, s7;
	v8 =	vadd.f32 v10, v8;
	v10 =	vld [tilespmem:s17+$0x4180];
	[tilespmem:s13+$0x80] =	vst v6  }
0x177: {  	v6 =	vld [tilespmem:s22+$0x80]  }
0x178: {  	v5 =	vadd.f32 v7, v5;
	v7 =	vld [tilespmem:s22+$0x4080]  }
0x179: {  	[tilespmem:s17+$0x150] =	vst v8;
	v8 =	vld [tilespmem:s17+$0x4190];
	v4 =	vadd.f32 v11, v4  }
0x17a: {  	[tilespmem:s17+$0x160] =	vst v5;
	v5 =	vld [tilespmem:s17+$0x190]  }
0x17b: {  	[tilespmem:s17+$0x170] =	vst v4;
	v4 =	vadd.f32 v10, v9;
	v9 =	vld [tilespmem:s17+$0x1A0]  }
0x17c: {  	v10 =	vld [tilespmem:s17+$0x41A0]  }
0x17d: {  	v11 =	vld [tilespmem:s17+$0x41E0];
	v6 =	vadd.f32 v7, v6  }
0x17e: {  	[tilespmem:s17+$0x180] =	vst v4;
	v4 =	vld [tilespmem:s17+$0x1B0]  }
0x17f: {  	s13 =	sor.u32 $0x450, s7;
	v7 =	vld [tilespmem:s17+$0x41B0];
	v5 =	vadd.f32 v8, v5;
	[tilespmem:s22+$0x80] =	vst v6  }
0x180: {  	v6 =	vld [tilespmem:s13+$0x80]  }
0x181: {  	[tilespmem:s17+$0x190] =	vst v5;
	v5 =	vadd.f32 v10, v9;
	v9 =	vld [tilespmem:s13+$0x4080]  }
0x182: {  	v8 =	vld [tilespmem:s17+$0x1C0]  }
0x183: {  	v10 =	vld [tilespmem:s17+$0x41C0]  }
0x184: {  	[tilespmem:s17+$0x1A0] =	vst v5;
	v4 =	vadd.f32 v7, v4;
	v5 =	vld [tilespmem:s17+$0x1D0]  }
0x185: {  	v7 =	vld [tilespmem:s17+$0x41D0]  }
0x186: {  	[tilespmem:s17+$0x1B0] =	vst v4;
	v4 =	vld [tilespmem:s17+$0x1E0];
	v6 =	vadd.f32 v9, v6  }
0x187: {  	v9 =	vld [tilespmem:s17+$0x1F0]  }
0x188: {  	s22 =	sor.u32 $0x460, s7;
	v8 =	vadd.f32 v10, v8;
	v10 =	vld [tilespmem:s17+$0x41F0];
	[tilespmem:s13+$0x80] =	vst v6  }
0x189: {  	v6 =	vld [tilespmem:s22+$0x80]  }
0x18a: {  	s19 =	sor.u32 $0x400, s12;
	v5 =	vadd.f32 v7, v5;
	v7 =	vld [tilespmem:s22+$0x4080]  }
0x18b: {  	[tilespmem:s17+$0x1C0] =	vst v8;
	v8 =	vld [tilespmem:s19+$0x80];
	v4 =	vadd.f32 v11, v4  }
0x18c: {  	s4 =	sor.u32 $0x400, s20;
	[tilespmem:s17+$0x1D0] =	vst v5;
	v5 =	vld [tilespmem:s19+$0x4080]  }
0x18d: {  	v11 =	vld [tilespmem:s4+$0x80];
	[tilespmem:s17+$0x1E0] =	vst v4;
	v4 =	vadd.f32 v10, v9  }
0x18e: {  	s11 =	sor.u32 $0x400, s21;
	v9 =	vld [tilespmem:s4+$0x4080]  }
0x18f: {  	[tilespmem:s17+$0x1F0] =	vst v4;
	v4 =	vld [tilespmem:s11+$0x80];
	v6 =	vadd.f32 v7, v6  }
0x190: {  	v7 =	vld [tilespmem:s11+$0x4080]  }
0x191: {  	s7 =	sor.u32 $0x470, s7;
	v5 =	vadd.f32 v5, v8;
	[tilespmem:s22+$0x80] =	vst v6;
	v6 =	vld [tilespmem:s28+$0x4080]  }
0x192: {  	v8 =	vld [tilespmem:s7+$0x80]  }
0x193: {  	s3 =	sor.u32 $0x410, s12;
	[tilespmem:s19+$0x80] =	vst v5;
	v5 =	vadd.f32 v9, v11;
	v9 =	vld [tilespmem:s7+$0x4080]  }
0x194: {  	v10 =	vld [tilespmem:s3+$0x80]  }
0x195: {  	s2 =	sor.u32 $0x410, s20;
	v11 =	vld [tilespmem:s3+$0x4080];
	[tilespmem:s4+$0x80] =	vst v5;
	v4 =	vadd.f32 v7, v4  }
0x196: {  	v5 =	vld [tilespmem:s2+$0x80];
	v3 =	vadd.f32 v6, v3  }
0x197: {  	s9 =	sor.u32 $0x410, s21;
	v6 =	vld [tilespmem:s2+$0x4080];
	[tilespmem:s11+$0x80] =	vst v4  }
0x198: {  	v4 =	vld [tilespmem:s9+$0x80];
	[tilespmem:s28+$0x80] =	vst v3  }
0x199: {  	v7 =	vadd.f32 v9, v8;
	v3 =	vld [tilespmem:s9+$0x4080]  }
0x19a: {  	v9 =	vld [tilespmem:s26+$0x4080];
	v8 =	vadd.f32 v11, v10  }
0x19b: {  	[tilespmem:s7+$0x80] =	vst v7;
	v7 =	vld [tilespmem:s26+$0x80]  }
0x19c: {  	s18 =	sor.u32 $0x420, s12;
	[tilespmem:s3+$0x80] =	vst v8;
	v5 =	vadd.f32 v6, v5;
	v6 =	vld [tilespmem:s25+$0x80]  }
0x19d: {  	v8 =	vld [tilespmem:s18+$0x80]  }
0x19e: {  	s6 =	sor.u32 $0x420, s20;
	v10 =	vld [tilespmem:s18+$0x4080];
	[tilespmem:s2+$0x80] =	vst v5;
	v3 =	vadd.f32 v3, v4  }
0x19f: {  	v4 =	vld [tilespmem:s6+$0x80]  }
0x1a0: {  	[dreg:$0x5] =	wrdreg s5;
	s5 =	sor.u32 $0x420, s21;
	v5 =	vld [tilespmem:s6+$0x4080];
	[tilespmem:s9+$0x80] =	vst v3  }
0x1a1: {  	v3 =	vadd.f32 v9, v7;
	v7 =	vld [tilespmem:s5+$0x80]  }
0x1a2: {  	v9 =	vld [tilespmem:s5+$0x4080]  }
0x1a3: {  	[tilespmem:s26+$0x80] =	vst v3;
	v3 =	vadd.f32 v10, v8;
	v8 =	vld [tilespmem:s25+$0x4080]  }
0x1a4: {  	v10 =	vld [tilespmem:s24+$0x80]  }
0x1a5: {  	s10 =	sor.u32 $0x430, s12;
	[tilespmem:s18+$0x80] =	vst v3;
	v3 =	vadd.f32 v5, v4;
	v4 =	vld [tilespmem:s24+$0x4080]  }
0x1a6: {  	v5 =	vld [tilespmem:s10+$0x80]  }
0x1a7: {  	s16 =	sor.u32 $0x430, s20;
	v11 =	vld [tilespmem:s10+$0x4080];
	[tilespmem:s6+$0x80] =	vst v3;
	v3 =	vadd.f32 v9, v7  }
0x1a8: {  	v7 =	vld [tilespmem:s16+$0x80]  }
0x1a9: {  	s15 =	sor.u32 $0x430, s21;
	v6 =	vadd.f32 v8, v6;
	v8 =	vld [tilespmem:s16+$0x4080];
	[tilespmem:s5+$0x80] =	vst v3  }
0x1aa: {  	v3 =	vld [tilespmem:s15+$0x80]  }
0x1ab: {  	[tilespmem:s25+$0x80] =	vst v6;
	v4 =	vadd.f32 v4, v10;
	v6 =	vld [tilespmem:s15+$0x4080]  }
0x1ac: {  	v9 =	vld [tilespmem:s23+$0x80];
	v5 =	vadd.f32 v11, v5  }
0x1ad: {  	s14 =	sor.u32 $0x440, s12;
	s8 =	sor.u32 $0x440, s20;
	s19 =	rddreg [dreg:$0x5];
	[tilespmem:s24+$0x80] =	vst v4;
	v4 =	vld [tilespmem:s23+$0x4080]  }
0x1ae: {  	s1 =	sor.u32 $0x450, s12;
	[dreg:$0x9] =	wrdreg s8;
	s12 =	sor.u32 $0x470, s12;
	[tilespmem:s10+$0x80] =	vst v5;
	v5 =	vadd.f32 v8, v7;
	v7 =	vld [tilespmem:s19+$0x80]  }
0x1af: {  	s0 =	sor.u32 $0x450, s20;
	s8 =	sor.u32 $0x440, s21;
	[dreg:$0x7] =	wrdreg s12;
	v8 =	vld [tilespmem:s14+$0x80]  }
0x1b0: {  	s12 =	sor.u32 $0x470, s20;
	s20 =	sor.u32 $0x470, s21;
	s21 =	rddreg [dreg:$0x9];
	v10 =	vld [tilespmem:s14+$0x4080];
	[tilespmem:s16+$0x80] =	vst v5;
	v3 =	vadd.f32 v6, v3  }
0x1b1: {  	v5 =	vld [tilespmem:s21+$0x80]  }
0x1b2: {  	v6 =	vld [tilespmem:s21+$0x4080];
	[tilespmem:s15+$0x80] =	vst v3  }
0x1b3: {  	v3 =	vadd.f32 v4, v9;
	v11 =	vld [tilespmem:s8+$0x80]  }
0x1b4: {  	s29 =	sadd.s32 $0x4, s29;
	s13 =	rddreg [dreg:$0xb];
	s15 =	smov.u32 s19;
	v63 =	vld [tilespmem:s8+$0x4080]  }
0x1b5: {  	p1 =	slt.u32 s29, $0x3C;
	s6 =	rddreg [dreg:$0x6];
	[tilespmem:s23+$0x80] =	vst v3;
	v3 =	vadd.f32 v10, v8;
	v10 =	vld [tilespmem:s15+$0x4080]  }
.Ltmp0:
0x1b6: {  	s17 =	rddreg [dreg:$0xa];
	v4 =	vld [tilespmem:s6+$0x80];
	(pc) =	sbr.rel @p1 .LBB2_2-.Ltmp0, $4  }
0x1b7: {  	s22 =	rddreg [dreg:$0x7];
	[tilespmem:s14+$0x80] =	vst v3;
	v3 =	vadd.f32 v6, v5;
	v5 =	vld [tilespmem:s6+$0x4080]  }
0x1b8: {  	s30 =	sadd.s32 $0x200, s30;
	s31 =	sadd.s32 $0x400, s31;
	s11 =	rddreg [dreg:$0xc];
	v6 =	vld [tilespmem:s1+$0x80]  }
0x1b9: {  	s28 =	smov.u32 s11;
	s26 =	smov.u32 s13;
	s18 =	rddreg [dreg:$0x8];
	v9 =	vld [tilespmem:s1+$0x4080];
	[tilespmem:s21+$0x80] =	vst v3  }
0x1ba: {  	s25 =	smov.u32 s17;
	s24 =	smov.u32 s18;
	s23 =	smov.u32 s22;
	v3 =	vadd.f32 v63, v11;
	v8 =	vld [tilespmem:s0+$0x80];
	v7 =	vadd.f32 v10, v7  }
0x1bb: {  	_ = 	snop  }
0x1bc: {  	v10 =	vld [tilespmem:s0+$0x4080];
	[tilespmem:s8+$0x80] =	vst v3  }
0x1bd: {  	v3 =	vld [tilespmem:s28+$0x80]  }
0x1be: {  	v11 =	vld [tilespmem:s28+$0x4080]  }
0x1bf: {  	v6 =	vadd.f32 v9, v6;
	_ =	sdelay $0x1  }
0x1c0: {  	[tilespmem:s1+$0x80] =	vst v6;
	v52 =	vadd.f32 v10, v8  }
0x1c1: {  	v53 =	vld [tilespmem:s26+$0x80]  }
0x1c2: {  	v54 =	vld [tilespmem:s26+$0x4080];
	[tilespmem:s0+$0x80] =	vst v52;
	v3 =	vadd.f32 v11, v3  }
0x1c3: {  	v55 =	vld [tilespmem:s25+$0x80]  }
0x1c4: {  	[tilespmem:s28+$0x80] =	vst v3;
	v3 =	vld [tilespmem:s25+$0x4080]  }
0x1c5: {  	v56 =	vld [tilespmem:s24+$0x80]  }
0x1c6: {  	v57 =	vld [tilespmem:s24+$0x4080]  }
0x1c7: {  	v6 =	vadd.f32 v54, v53;
	_ =	sdelay $0x1  }
0x1c8: {  	[tilespmem:s26+$0x80] =	vst v6;
	v3 =	vadd.f32 v3, v55  }
0x1c9: {  	v6 =	vld [tilespmem:s23+$0x80]  }
0x1ca: {  	v58 =	vld [tilespmem:s23+$0x4080];
	[tilespmem:s25+$0x80] =	vst v3;
	v3 =	vadd.f32 v57, v56  }
0x1cb: {  	v59 =	vld [tilespmem:s12+$0x80]  }
0x1cc: {  	[tilespmem:s24+$0x80] =	vst v3;
	v3 =	vld [tilespmem:s12+$0x4080]  }
0x1cd: {  	v60 =	vld [tilespmem:s20+$0x80]  }
0x1ce: {  	v61 =	vld [tilespmem:s20+$0x4080];
	_ =	sdelay $0x1  }
0x1cf: {  	v4 =	vadd.f32 v5, v4  }
0x1d0: {  	[tilespmem:s15+$0x80] =	vst v7;
	v62 =	vadd.f32 v58, v6  }
0x1d1: {  	[tilespmem:s6+$0x80] =	vst v4;
	v3 =	vadd.f32 v3, v59  }
0x1d2: {  	[tilespmem:s23+$0x80] =	vst v62;
	v63 =	vadd.f32 v61, v60  }
0x1d3: {  	[tilespmem:s12+$0x80] =	vst v3  }
0x1d4: {  	s3 =	simm.s32 $0x80;
	[tilespmem:s20+$0x80] =	vst v63  }
0x1d5: {  	s2 =	simm.s32 $0x3;
	s6 =	simm.s32 $0x0;
	s0 =	rddreg [dreg:$0xf]  }
0x1d6: {  	[hbm4b:s0+s6] =	stream.linear.scatter [tilespmem:s3], [sflag:$0x3], $0x4000, $0x38;
	[tilespmem:$0x8080] =	vst v63  }
0x1d7: {  	_ =	swait.ge [sflag:s2], $0x4000  }
0x1d8: {  	s30 =	rddreg [dreg:$0x11]  }
0x1d9: {  	s31 =	rddreg [dreg:$0x10];
	s1 =	sadd.s32 $0x1, s30  }
0x1da: {  	p0 =	sne.s32 s1, s31  }
.Ltmp1:
0x1db: {  	_ = 	snop;
	(pc) =	sbr.rel @p0 .LBB2_1-.Ltmp1, $3  }
0x1dc: {  	_ =	sdelay $0x1  }
0x1dd: {  	[sflag:s2] =	ssyncset.done $0x0  }
0x1de: {  	[sflag:s2] =	ssyncadd.s32 $0xFFFFC000  }
0x1df: {  	_ =	sfence.sel $0x180000  }
0x1e0: {  	[bflag:$0x0] =	sbarrier.arrive $0xFFFF  }
0x1e1: {  	_ =	strace $0x90000047  }
0x1e2: {  	s0 =	stileid.u32;
	[bflag:$0x2] =	sbarrier.arrive $0xFFFF  }
0x1e3: {  	p0 =	sne.s32 s0, $0x0;
	s0 =	rddreg [dreg:$0x4]  }
0x1e4: {  	s0 =	sadd.s32 @!p0 $0x100000, s0  }
0x1e5: {  	[sflag:s0] =	ssyncadd.tile.s32 @!p0 $0x1;
	_ =	shalt  }
.Lfunc_end2:
_tile_overlayer_lowered:
.L_overlay_start_2:
0x1e6: {  	(tag) =	ssettag $0x2  }
0x1e7: {  	s0 =	rddreg [dreg:$0x0];
	s2 =	stileid.u32  }
0x1e8: {  	s1 =	rddreg [dreg:$0x1];
	p0 =	sne.s32 s2, $0x0  }
0x1e9: {  	s3 =	rddreg [dreg:$0x2];
	[bflag:$0x3] =	sbarrier.arrive $0xFFFF;
	s2 =	simm.s32 @!p0 $0x1C03  }
0x1ea: {  	[timem:s3], [sflag:s2] =	dma.local @!p0 [hbm:s0], s1  }
0x1eb: {  	s0 =	simm.s32 @!p0 $0x3  }
0x1ec: {  	_ =	swait.ge @!p0 [sflag:s0], s1  }
0x1ed: {  	s1 =	ssub.s32 @!p0 $0x0, s1;
	[sflag:s0] =	ssyncset.done @!p0 $0x0  }
0x1ee: {  	[sflag:s0] =	ssyncadd.s32 @!p0 s1  }
0x1ef: {  	[bflag:$0x3] =	sbarrier.arrive $0xFFFF  }
0x1f0: {  	_ =	shalt  }

</sc_bundles>
